<compile_context>
chip_gen: v7x
topology: tpu7x:2x2x1
jax: 0.10.2.dev20260603
libtpu: 0.0.44.dev20260713+nightly
codegen_flags: <defaults>
</compile_context>

<pallas_src>
import jax
import jax.numpy as jnp
from jax import lax
from jax.experimental import pallas as pl
from jax.experimental.pallas import tpu as pltpu
from jax.experimental.pallas import tpu_sc as plsc

N_CLASSES = 1000
IMAGES_PER_CLASS = 10
IM_DIM = 32
IM_CHAN = 3
BATCH = 1024

_INFO = plsc.get_sparse_core_info()
_NC = _INFO.num_cores
_NS = _INFO.num_subcores
_NW = _NC * _NS
_LANES = _INFO.num_lanes

_PAIRS = IM_DIM * IM_CHAN
_PPW = _PAIRS // _NW
_WG = 8
_NSTEPS = _PPW * (IM_DIM // _WG)
_ROWS = IM_DIM * _PAIRS
_SLAB = _PAIRS * IM_DIM


_HALF = IMAGES_PER_CLASS // 2


def _body(noise_hbm, labels_hbm, table_hbm, out_hbm, noi_v, lab_v, b0_v,
          b1_v, o0_v, o1_v, sem_a, sem_b, sem_o):
  wid = lax.axis_index("s") * _NC + lax.axis_index("c")
  obufs = (o0_v, o1_v)

  def rbase_of(s):
    p = wid * _PPW + s // (IM_DIM // _WG)
    g = s % (IM_DIM // _WG)
    return pl.multiple_of(p * IM_DIM + g * _WG, _WG)

  def fire(s, half, buf, sem):
    rbase = rbase_of(s)
    for k in range(_HALF):
      n = half * _HALF + k
      row = pl.multiple_of(n * _SLAB + rbase, _WG)
      pltpu.async_copy(table_hbm.at[pl.ds(row, _WG)], buf.at[k], sem)

  def drain(s, half, buf, sem):
    rbase = rbase_of(s)
    for k in range(_HALF):
      n = half * _HALF + k
      row = pl.multiple_of(n * _SLAB + rbase, _WG)
      pltpu.make_async_copy(table_hbm.at[pl.ds(row, _WG)], buf.at[k],
                            sem).wait()

  def stage(t, obuf, last):
    rbase = rbase_of(t)
    drain(t, 0, b0_v, sem_a)

    def gather_a(j, c):
      nj = jnp.minimum(noi_v[pl.ds(j * _LANES, _LANES)], _HALF - 1)
      lj = lab_v[pl.ds(j * _LANES, _LANES)]
      for w in range(_WG):
        wv = jnp.full((_LANES,), w, jnp.int32)
        obuf[w, pl.ds(j * _LANES, _LANES)] = plsc.load_gather(
            b0_v, [nj, wv, lj])
      return c
    lax.fori_loop(0, BATCH // _LANES, gather_a, 0)

    if last is None:
      fire(t + 1, 0, b0_v, sem_a)
    else:
      @pl.when(last)
      def _():
        fire(t + 1, 0, b0_v, sem_a)

    drain(t, 1, b1_v, sem_b)

    def gather_b(j, c):
      nj0 = noi_v[pl.ds(j * _LANES, _LANES)]
      hi = nj0 >= _HALF
      nj = jnp.maximum(nj0 - _HALF, 0)
      lj = lab_v[pl.ds(j * _LANES, _LANES)]
      lane = j * _LANES + lax.iota(jnp.int32, _LANES)
      for w in range(_WG):
        wv = jnp.full((_LANES,), w, jnp.int32)
        g = plsc.load_gather(b1_v, [nj, wv, lj])
        plsc.store_scatter(obuf, [wv, lane], g, mask=hi)
      return c
    lax.fori_loop(0, BATCH // _LANES, gather_b, 0)

    if last is None:
      fire(t + 1, 1, b1_v, sem_b)
    else:
      @pl.when(last)
      def _():
        fire(t + 1, 1, b1_v, sem_b)

    pltpu.async_copy(obuf, out_hbm.at[pl.ds(rbase, _WG)], sem_o)

  fire(0, 0, b0_v, sem_a)
  fire(0, 1, b1_v, sem_b)
  pltpu.sync_copy(noise_hbm, noi_v)
  pltpu.sync_copy(labels_hbm, lab_v)

  def pair(u, carry):
    for par in range(2):
      t = 2 * u + par

      @pl.when(u >= 1)
      def _():
        tp = t - 2
        pltpu.make_async_copy(
            obufs[par], out_hbm.at[pl.ds(rbase_of(tp), _WG)], sem_o).wait()

      stage(t, obufs[par],
            None if par == 0 else (u < _NSTEPS // 2 - 1))
    return carry

  lax.fori_loop(0, _NSTEPS // 2, pair, 0)
  for par in range(2):
    tp = _NSTEPS - 2 + par
    pltpu.make_async_copy(obufs[par],
                          out_hbm.at[pl.ds(rbase_of(tp), _WG)], sem_o).wait()


@jax.jit
def _gather(noise, labels, table):
  mesh = plsc.VectorSubcoreMesh(core_axis_name="c", subcore_axis_name="s")
  return pl.kernel(
      _body,
      out_type=jax.ShapeDtypeStruct((_ROWS, BATCH), jnp.float32),
      mesh=mesh,
      compiler_params=pltpu.CompilerParams(needs_layout_passes=False),
      scratch_types=[
          pltpu.VMEM((BATCH,), jnp.int32),
          pltpu.VMEM((BATCH,), jnp.int32),
          pltpu.VMEM((_HALF, _WG, N_CLASSES), jnp.float32),
          pltpu.VMEM((_HALF, _WG, N_CLASSES), jnp.float32),
          pltpu.VMEM((_WG, BATCH), jnp.float32),
          pltpu.VMEM((_WG, BATCH), jnp.float32),
          pltpu.SemaphoreType.DMA,
          pltpu.SemaphoreType.DMA,
          pltpu.SemaphoreType.DMA,
      ],
  )(noise, labels, table)


def kernel(noise, labels, batches, is_training, data):
  table = data.transpose(1, 2, 4, 3, 0).reshape(_SLAB * IMAGES_PER_CLASS,
                                                N_CLASSES)
  buf = _gather(noise, labels, table)
  return buf.reshape(IM_DIM, IM_CHAN, IM_DIM, BATCH).transpose(3, 0, 2, 1)

# --- scband reference (transcript-rebuilt; emitter-appended) ---
"""Pipeline reference for scband-conditional-data-2396591751697 (READ-ONLY COPY).

The authoritative reference and input builder live on the scoring server;
editing this copy changes nothing except your own understanding.
"""

import jax, jax.numpy as jnp
import numpy as np

N_CLASSES = 1000
IMAGES_PER_CLASS = 10
IM_DIM = 32
IM_CHAN = 3
BATCH = 1024


def setup_inputs(seed: int = 0) -> dict:
    key = jax.random.key(seed)
    k1, k2, k3 = jax.random.split(key, 3)
    noise = jax.random.randint(k1, (BATCH,), 0, IMAGES_PER_CLASS, dtype=jnp.int32)
    labels = jax.random.randint(k2, (BATCH,), 0, N_CLASSES, dtype=jnp.int32)
    batches = jnp.zeros((BATCH,), dtype=jnp.int32)
    data = jax.random.normal(k3, (N_CLASSES, IMAGES_PER_CLASS, IM_DIM, IM_DIM, IM_CHAN), dtype=jnp.float32) * 0.02
    return {"noise": noise, "labels": labels, "batches": batches, "is_training": True, "data": data}


def reference(noise, labels, batches, is_training, data):
    # Gather the per-class candidate image banks: [B, images_per_class, H, W, C]
    candidates = jnp.take(data, labels, axis=0)
    # Select one image per example using the integer 'noise' index along axis=1
    noise_e = jnp.expand_dims(noise, axis=(1, 2, 3, 4))
    selected = jnp.take_along_axis(candidates, noise_e, axis=1)
    selected = jnp.squeeze(selected, axis=1)
    return selected

if __name__ == "__main__":
    import jax
    _d = setup_inputs()
    print(jax.jit(kernel)(*tuple(_d.values())))

</pallas_src>

<mosaic_0001>
#map = affine_map<(d0, d1) -> (0)>
#map1 = affine_map<(d0, d1) -> (0, 0)>
module attributes {stable_mosaic.version = 14 : i64} {
  func.func @_body(%arg0: i32, %arg1: i32, %arg2: memref<1024xi32, #tpu.memory_space<hbm>>, %arg3: memref<1024xi32, #tpu.memory_space<hbm>>, %arg4: memref<30720x1000xf32, #tpu.memory_space<hbm>>, %arg5: memref<3072x1024xf32, #tpu.memory_space<hbm>>, %arg6: memref<1024xi32, #tpu.memory_space<vmem>>, %arg7: memref<1024xi32, #tpu.memory_space<vmem>>, %arg8: memref<5x8x1000xf32, #tpu.memory_space<vmem>>, %arg9: memref<5x8x1000xf32, #tpu.memory_space<vmem>>, %arg10: memref<8x1024xf32, #tpu.memory_space<vmem>>, %arg11: memref<8x1024xf32, #tpu.memory_space<vmem>>, %arg12: memref<!tpu.dma_semaphore, #tpu.memory_space<semaphore_mem>>, %arg13: memref<!tpu.dma_semaphore, #tpu.memory_space<semaphore_mem>>, %arg14: memref<!tpu.dma_semaphore, #tpu.memory_space<semaphore_mem>>) attributes {dimension_semantics = [#tpu.dimension_semantics<core_parallel>, #tpu.dimension_semantics<subcore_parallel>], iteration_bounds = array<i64: 2, 16>, scalar_prefetch = 0 : i64, scratch_operands = 9 : i64, tpu.core_type = #tpu.core_type<sc_vector_subcore>, window_params = [{transform_indices = #map}, {transform_indices = #map}, {transform_indices = #map1}, {transform_indices = #map1}]} {
    %mul3A = arith.constant 2 : i32
    %mul3A_0 = arith.muli %arg1, %mul3A : i32
    %add3A = arith.addi %mul3A_0, %arg0 : i32
    %mul3A_1 = arith.constant 3 : i32
    %mul3A_2 = arith.muli %add3A, %mul3A_1 : i32
    %add3A_3 = arith.constant 0 : i32
    %add3A_4 = arith.addi %mul3A_2, %add3A_3 : i32
    %mul3A_5 = arith.constant 32 : i32
    %mul3A_6 = arith.muli %add3A_4, %mul3A_5 : i32
    %add3A_7 = arith.constant 0 : i32
    %add3A_8 = arith.addi %mul3A_6, %add3A_7 : i32
    %multiple_of3A = tpu.assume_multiple %add3A_8, 8 : i32
    %add3A_9 = arith.constant 0 : i32
    %add3A_10 = arith.addi %add3A_9, %multiple_of3A : i32
    %multiple_of3A_11 = tpu.assume_multiple %add3A_10, 8 : i32
    %dma_start3A = arith.constant 0 : i32
    %dma_start3A_12 = arith.constant 0 : i32
    %dma_start3A_13 = arith.constant 0 : i32
    %dma_start3A_14 = tpu.memref_slice %arg8[%dma_start3A, %dma_start3A_12, %dma_start3A_13] : memref<5x8x1000xf32, #tpu.memory_space<vmem>> -> memref<1x8x1000xf32, #tpu.memory_space<vmem>>
    %dma_start3A_15 = tpu.memref_squeeze %dma_start3A_14 : memref<1x8x1000xf32, #tpu.memory_space<vmem>> -> memref<8x1000xf32, #tpu.memory_space<vmem>>
    %dma_start3A_16 = arith.constant 0 : i32
    %dma_start3A_17 = tpu.memref_slice %arg4[%multiple_of3A_11, %dma_start3A_16] : memref<30720x1000xf32, #tpu.memory_space<hbm>> -> memref<8x1000xf32, #tpu.memory_space<hbm>>
    %dma_start3A_18 = arith.constant 0 : i32
    %dma_start3A_19 = arith.constant 0 : i32
    %dma_start3A_20 = tpu.memref_slice %arg8[%dma_start3A, %dma_start3A_18, %dma_start3A_19] : memref<5x8x1000xf32, #tpu.memory_space<vmem>> -> memref<1x8x1000xf32, #tpu.memory_space<vmem>>
    %dma_start3A_21 = tpu.memref_squeeze %dma_start3A_20 : memref<1x8x1000xf32, #tpu.memory_space<vmem>> -> memref<8x1000xf32, #tpu.memory_space<vmem>>
    %dma_start3A_22 = arith.constant 0 : i32
    %dma_start3A_23 = tpu.memref_slice %arg4[%multiple_of3A_11, %dma_start3A_22] : memref<30720x1000xf32, #tpu.memory_space<hbm>> -> memref<8x1000xf32, #tpu.memory_space<hbm>>
    tpu.enqueue_dma source(%dma_start3A_23 : memref<8x1000xf32, #tpu.memory_space<hbm>>) target(%dma_start3A_21 : memref<8x1000xf32, #tpu.memory_space<vmem>>) target_semaphore(%arg12 : memref<!tpu.dma_semaphore, #tpu.memory_space<semaphore_mem>>)
    %add3A_24 = arith.constant 3072 : i32
    %add3A_25 = arith.addi %add3A_24, %multiple_of3A : i32
    %multiple_of3A_26 = tpu.assume_multiple %add3A_25, 8 : i32
    %dma_start3A_27 = arith.constant 1 : i32
    %dma_start3A_28 = arith.constant 0 : i32
    %dma_start3A_29 = arith.constant 0 : i32
    %dma_start3A_30 = tpu.memref_slice %arg8[%dma_start3A_27, %dma_start3A_28, %dma_start3A_29] : memref<5x8x1000xf32, #tpu.memory_space<vmem>> -> memref<1x8x1000xf32, #tpu.memory_space<vmem>>
    %dma_start3A_31 = tpu.memref_squeeze %dma_start3A_30 : memref<1x8x1000xf32, #tpu.memory_space<vmem>> -> memref<8x1000xf32, #tpu.memory_space<vmem>>
    %dma_start3A_32 = arith.constant 0 : i32
    %dma_start3A_33 = tpu.memref_slice %arg4[%multiple_of3A_26, %dma_start3A_32] : memref<30720x1000xf32, #tpu.memory_space<hbm>> -> memref<8x1000xf32, #tpu.memory_space<hbm>>
    %dma_start3A_34 = arith.constant 0 : i32
    %dma_start3A_35 = arith.constant 0 : i32
    %dma_start3A_36 = tpu.memref_slice %arg8[%dma_start3A_27, %dma_start3A_34, %dma_start3A_35] : memref<5x8x1000xf32, #tpu.memory_space<vmem>> -> memref<1x8x1000xf32, #tpu.memory_space<vmem>>
    %dma_start3A_37 = tpu.memref_squeeze %dma_start3A_36 : memref<1x8x1000xf32, #tpu.memory_space<vmem>> -> memref<8x1000xf32, #tpu.memory_space<vmem>>
    %dma_start3A_38 = arith.constant 0 : i32
    %dma_start3A_39 = tpu.memref_slice %arg4[%multiple_of3A_26, %dma_start3A_38] : memref<30720x1000xf32, #tpu.memory_space<hbm>> -> memref<8x1000xf32, #tpu.memory_space<hbm>>
    tpu.enqueue_dma source(%dma_start3A_39 : memref<8x1000xf32, #tpu.memory_space<hbm>>) target(%dma_start3A_37 : memref<8x1000xf32, #tpu.memory_space<vmem>>) target_semaphore(%arg12 : memref<!tpu.dma_semaphore, #tpu.memory_space<semaphore_mem>>)
    %add3A_40 = arith.constant 6144 : i32
    %add3A_41 = arith.addi %add3A_40, %multiple_of3A : i32
    %multiple_of3A_42 = tpu.assume_multiple %add3A_41, 8 : i32
    %dma_start3A_43 = arith.constant 2 : i32
    %dma_start3A_44 = arith.constant 0 : i32
    %dma_start3A_45 = arith.constant 0 : i32
    %dma_start3A_46 = tpu.memref_slice %arg8[%dma_start3A_43, %dma_start3A_44, %dma_start3A_45] : memref<5x8x1000xf32, #tpu.memory_space<vmem>> -> memref<1x8x1000xf32, #tpu.memory_space<vmem>>
    %dma_start3A_47 = tpu.memref_squeeze %dma_start3A_46 : memref<1x8x1000xf32, #tpu.memory_space<vmem>> -> memref<8x1000xf32, #tpu.memory_space<vmem>>
    %dma_start3A_48 = arith.constant 0 : i32
    %dma_start3A_49 = tpu.memref_slice %arg4[%multiple_of3A_42, %dma_start3A_48] : memref<30720x1000xf32, #tpu.memory_space<hbm>> -> memref<8x1000xf32, #tpu.memory_space<hbm>>
    %dma_start3A_50 = arith.constant 0 : i32
    %dma_start3A_51 = arith.constant 0 : i32
    %dma_start3A_52 = tpu.memref_slice %arg8[%dma_start3A_43, %dma_start3A_50, %dma_start3A_51] : memref<5x8x1000xf32, #tpu.memory_space<vmem>> -> memref<1x8x1000xf32, #tpu.memory_space<vmem>>
    %dma_start3A_53 = tpu.memref_squeeze %dma_start3A_52 : memref<1x8x1000xf32, #tpu.memory_space<vmem>> -> memref<8x1000xf32, #tpu.memory_space<vmem>>
    %dma_start3A_54 = arith.constant 0 : i32
    %dma_start3A_55 = tpu.memref_slice %arg4[%multiple_of3A_42, %dma_start3A_54] : memref<30720x1000xf32, #tpu.memory_space<hbm>> -> memref<8x1000xf32, #tpu.memory_space<hbm>>
    tpu.enqueue_dma source(%dma_start3A_55 : memref<8x1000xf32, #tpu.memory_space<hbm>>) target(%dma_start3A_53 : memref<8x1000xf32, #tpu.memory_space<vmem>>) target_semaphore(%arg12 : memref<!tpu.dma_semaphore, #tpu.memory_space<semaphore_mem>>)
    %add3A_56 = arith.constant 9216 : i32
    %add3A_57 = arith.addi %add3A_56, %multiple_of3A : i32
    %multiple_of3A_58 = tpu.assume_multiple %add3A_57, 8 : i32
    %dma_start3A_59 = arith.constant 3 : i32
    %dma_start3A_60 = arith.constant 0 : i32
    %dma_start3A_61 = arith.constant 0 : i32
    %dma_start3A_62 = tpu.memref_slice %arg8[%dma_start3A_59, %dma_start3A_60, %dma_start3A_61] : memref<5x8x1000xf32, #tpu.memory_space<vmem>> -> memref<1x8x1000xf32, #tpu.memory_space<vmem>>
    %dma_start3A_63 = tpu.memref_squeeze %dma_start3A_62 : memref<1x8x1000xf32, #tpu.memory_space<vmem>> -> memref<8x1000xf32, #tpu.memory_space<vmem>>
    %dma_start3A_64 = arith.constant 0 : i32
    %dma_start3A_65 = tpu.memref_slice %arg4[%multiple_of3A_58, %dma_start3A_64] : memref<30720x1000xf32, #tpu.memory_space<hbm>> -> memref<8x1000xf32, #tpu.memory_space<hbm>>
    %dma_start3A_66 = arith.constant 0 : i32
    %dma_start3A_67 = arith.constant 0 : i32
    %dma_start3A_68 = tpu.memref_slice %arg8[%dma_start3A_59, %dma_start3A_66, %dma_start3A_67] : memref<5x8x1000xf32, #tpu.memory_space<vmem>> -> memref<1x8x1000xf32, #tpu.memory_space<vmem>>
    %dma_start3A_69 = tpu.memref_squeeze %dma_start3A_68 : memref<1x8x1000xf32, #tpu.memory_space<vmem>> -> memref<8x1000xf32, #tpu.memory_space<vmem>>
    %dma_start3A_70 = arith.constant 0 : i32
    %dma_start3A_71 = tpu.memref_slice %arg4[%multiple_of3A_58, %dma_start3A_70] : memref<30720x1000xf32, #tpu.memory_space<hbm>> -> memref<8x1000xf32, #tpu.memory_space<hbm>>
    tpu.enqueue_dma source(%dma_start3A_71 : memref<8x1000xf32, #tpu.memory_space<hbm>>) target(%dma_start3A_69 : memref<8x1000xf32, #tpu.memory_space<vmem>>) target_semaphore(%arg12 : memref<!tpu.dma_semaphore, #tpu.memory_space<semaphore_mem>>)
    %add3A_72 = arith.constant 12288 : i32
    %add3A_73 = arith.addi %add3A_72, %multiple_of3A : i32
    %multiple_of3A_74 = tpu.assume_multiple %add3A_73, 8 : i32
    %dma_start3A_75 = arith.constant 4 : i32
    %dma_start3A_76 = arith.constant 0 : i32
    %dma_start3A_77 = arith.constant 0 : i32
    %dma_start3A_78 = tpu.memref_slice %arg8[%dma_start3A_75, %dma_start3A_76, %dma_start3A_77] : memref<5x8x1000xf32, #tpu.memory_space<vmem>> -> memref<1x8x1000xf32, #tpu.memory_space<vmem>>
    %dma_start3A_79 = tpu.memref_squeeze %dma_start3A_78 : memref<1x8x1000xf32, #tpu.memory_space<vmem>> -> memref<8x1000xf32, #tpu.memory_space<vmem>>
    %dma_start3A_80 = arith.constant 0 : i32
    %dma_start3A_81 = tpu.memref_slice %arg4[%multiple_of3A_74, %dma_start3A_80] : memref<30720x1000xf32, #tpu.memory_space<hbm>> -> memref<8x1000xf32, #tpu.memory_space<hbm>>
    %dma_start3A_82 = arith.constant 0 : i32
    %dma_start3A_83 = arith.constant 0 : i32
    %dma_start3A_84 = tpu.memref_slice %arg8[%dma_start3A_75, %dma_start3A_82, %dma_start3A_83] : memref<5x8x1000xf32, #tpu.memory_space<vmem>> -> memref<1x8x1000xf32, #tpu.memory_space<vmem>>
    %dma_start3A_85 = tpu.memref_squeeze %dma_start3A_84 : memref<1x8x1000xf32, #tpu.memory_space<vmem>> -> memref<8x1000xf32, #tpu.memory_space<vmem>>
    %dma_start3A_86 = arith.constant 0 : i32
    %dma_start3A_87 = tpu.memref_slice %arg4[%multiple_of3A_74, %dma_start3A_86] : memref<30720x1000xf32, #tpu.memory_space<hbm>> -> memref<8x1000xf32, #tpu.memory_space<hbm>>
    tpu.enqueue_dma source(%dma_start3A_87 : memref<8x1000xf32, #tpu.memory_space<hbm>>) target(%dma_start3A_85 : memref<8x1000xf32, #tpu.memory_space<vmem>>) target_semaphore(%arg12 : memref<!tpu.dma_semaphore, #tpu.memory_space<semaphore_mem>>)
    %mul3A_88 = arith.constant 3 : i32
    %mul3A_89 = arith.muli %add3A, %mul3A_88 : i32
    %add3A_90 = arith.constant 0 : i32
    %add3A_91 = arith.addi %mul3A_89, %add3A_90 : i32
    %mul3A_92 = arith.constant 32 : i32
    %mul3A_93 = arith.muli %add3A_91, %mul3A_92 : i32
    %add3A_94 = arith.constant 0 : i32
    %add3A_95 = arith.addi %mul3A_93, %add3A_94 : i32
    %multiple_of3A_96 = tpu.assume_multiple %add3A_95, 8 : i32
    %add3A_97 = arith.constant 15360 : i32
    %add3A_98 = arith.addi %add3A_97, %multiple_of3A_96 : i32
    %multiple_of3A_99 = tpu.assume_multiple %add3A_98, 8 : i32
    %dma_start3A_100 = arith.constant 0 : i32
    %dma_start3A_101 = arith.constant 0 : i32
    %dma_start3A_102 = arith.constant 0 : i32
    %dma_start3A_103 = tpu.memref_slice %arg9[%dma_start3A_100, %dma_start3A_101, %dma_start3A_102] : memref<5x8x1000xf32, #tpu.memory_space<vmem>> -> memref<1x8x1000xf32, #tpu.memory_space<vmem>>
    %dma_start3A_104 = tpu.memref_squeeze %dma_start3A_103 : memref<1x8x1000xf32, #tpu.memory_space<vmem>> -> memref<8x1000xf32, #tpu.memory_space<vmem>>
    %dma_start3A_105 = arith.constant 0 : i32
    %dma_start3A_106 = tpu.memref_slice %arg4[%multiple_of3A_99, %dma_start3A_105] : memref<30720x1000xf32, #tpu.memory_space<hbm>> -> memref<8x1000xf32, #tpu.memory_space<hbm>>
    %dma_start3A_107 = arith.constant 0 : i32
    %dma_start3A_108 = arith.constant 0 : i32
    %dma_start3A_109 = tpu.memref_slice %arg9[%dma_start3A_100, %dma_start3A_107, %dma_start3A_108] : memref<5x8x1000xf32, #tpu.memory_space<vmem>> -> memref<1x8x1000xf32, #tpu.memory_space<vmem>>
    %dma_start3A_110 = tpu.memref_squeeze %dma_start3A_109 : memref<1x8x1000xf32, #tpu.memory_space<vmem>> -> memref<8x1000xf32, #tpu.memory_space<vmem>>
    %dma_start3A_111 = arith.constant 0 : i32
    %dma_start3A_112 = tpu.memref_slice %arg4[%multiple_of3A_99, %dma_start3A_111] : memref<30720x1000xf32, #tpu.memory_space<hbm>> -> memref<8x1000xf32, #tpu.memory_space<hbm>>
    tpu.enqueue_dma source(%dma_start3A_112 : memref<8x1000xf32, #tpu.memory_space<hbm>>) target(%dma_start3A_110 : memref<8x1000xf32, #tpu.memory_space<vmem>>) target_semaphore(%arg13 : memref<!tpu.dma_semaphore, #tpu.memory_space<semaphore_mem>>)
    %add3A_113 = arith.constant 18432 : i32
    %add3A_114 = arith.addi %add3A_113, %multiple_of3A_96 : i32
    %multiple_of3A_115 = tpu.assume_multiple %add3A_114, 8 : i32
    %dma_start3A_116 = arith.constant 1 : i32
    %dma_start3A_117 = arith.constant 0 : i32
    %dma_start3A_118 = arith.constant 0 : i32
    %dma_start3A_119 = tpu.memref_slice %arg9[%dma_start3A_116, %dma_start3A_117, %dma_start3A_118] : memref<5x8x1000xf32, #tpu.memory_space<vmem>> -> memref<1x8x1000xf32, #tpu.memory_space<vmem>>
    %dma_start3A_120 = tpu.memref_squeeze %dma_start3A_119 : memref<1x8x1000xf32, #tpu.memory_space<vmem>> -> memref<8x1000xf32, #tpu.memory_space<vmem>>
    %dma_start3A_121 = arith.constant 0 : i32
    %dma_start3A_122 = tpu.memref_slice %arg4[%multiple_of3A_115, %dma_start3A_121] : memref<30720x1000xf32, #tpu.memory_space<hbm>> -> memref<8x1000xf32, #tpu.memory_space<hbm>>
    %dma_start3A_123 = arith.constant 0 : i32
    %dma_start3A_124 = arith.constant 0 : i32
    %dma_start3A_125 = tpu.memref_slice %arg9[%dma_start3A_116, %dma_start3A_123, %dma_start3A_124] : memref<5x8x1000xf32, #tpu.memory_space<vmem>> -> memref<1x8x1000xf32, #tpu.memory_space<vmem>>
    %dma_start3A_126 = tpu.memref_squeeze %dma_start3A_125 : memref<1x8x1000xf32, #tpu.memory_space<vmem>> -> memref<8x1000xf32, #tpu.memory_space<vmem>>
    %dma_start3A_127 = arith.constant 0 : i32
    %dma_start3A_128 = tpu.memref_slice %arg4[%multiple_of3A_115, %dma_start3A_127] : memref<30720x1000xf32, #tpu.memory_space<hbm>> -> memref<8x1000xf32, #tpu.memory_space<hbm>>
    tpu.enqueue_dma source(%dma_start3A_128 : memref<8x1000xf32, #tpu.memory_space<hbm>>) target(%dma_start3A_126 : memref<8x1000xf32, #tpu.memory_space<vmem>>) target_semaphore(%arg13 : memref<!tpu.dma_semaphore, #tpu.memory_space<semaphore_mem>>)
    %add3A_129 = arith.constant 21504 : i32
    %add3A_130 = arith.addi %add3A_129, %multiple_of3A_96 : i32
    %multiple_of3A_131 = tpu.assume_multiple %add3A_130, 8 : i32
    %dma_start3A_132 = arith.constant 2 : i32
    %dma_start3A_133 = arith.constant 0 : i32
    %dma_start3A_134 = arith.constant 0 : i32
    %dma_start3A_135 = tpu.memref_slice %arg9[%dma_start3A_132, %dma_start3A_133, %dma_start3A_134] : memref<5x8x1000xf32, #tpu.memory_space<vmem>> -> memref<1x8x1000xf32, #tpu.memory_space<vmem>>
    %dma_start3A_136 = tpu.memref_squeeze %dma_start3A_135 : memref<1x8x1000xf32, #tpu.memory_space<vmem>> -> memref<8x1000xf32, #tpu.memory_space<vmem>>
    %dma_start3A_137 = arith.constant 0 : i32
    %dma_start3A_138 = tpu.memref_slice %arg4[%multiple_of3A_131, %dma_start3A_137] : memref<30720x1000xf32, #tpu.memory_space<hbm>> -> memref<8x1000xf32, #tpu.memory_space<hbm>>
    %dma_start3A_139 = arith.constant 0 : i32
    %dma_start3A_140 = arith.constant 0 : i32
    %dma_start3A_141 = tpu.memref_slice %arg9[%dma_start3A_132, %dma_start3A_139, %dma_start3A_140] : memref<5x8x1000xf32, #tpu.memory_space<vmem>> -> memref<1x8x1000xf32, #tpu.memory_space<vmem>>
    %dma_start3A_142 = tpu.memref_squeeze %dma_start3A_141 : memref<1x8x1000xf32, #tpu.memory_space<vmem>> -> memref<8x1000xf32, #tpu.memory_space<vmem>>
    %dma_start3A_143 = arith.constant 0 : i32
    %dma_start3A_144 = tpu.memref_slice %arg4[%multiple_of3A_131, %dma_start3A_143] : memref<30720x1000xf32, #tpu.memory_space<hbm>> -> memref<8x1000xf32, #tpu.memory_space<hbm>>
    tpu.enqueue_dma source(%dma_start3A_144 : memref<8x1000xf32, #tpu.memory_space<hbm>>) target(%dma_start3A_142 : memref<8x1000xf32, #tpu.memory_space<vmem>>) target_semaphore(%arg13 : memref<!tpu.dma_semaphore, #tpu.memory_space<semaphore_mem>>)
    %add3A_145 = arith.constant 24576 : i32
    %add3A_146 = arith.addi %add3A_145, %multiple_of3A_96 : i32
    %multiple_of3A_147 = tpu.assume_multiple %add3A_146, 8 : i32
    %dma_start3A_148 = arith.constant 3 : i32
    %dma_start3A_149 = arith.constant 0 : i32
    %dma_start3A_150 = arith.constant 0 : i32
    %dma_start3A_151 = tpu.memref_slice %arg9[%dma_start3A_148, %dma_start3A_149, %dma_start3A_150] : memref<5x8x1000xf32, #tpu.memory_space<vmem>> -> memref<1x8x1000xf32, #tpu.memory_space<vmem>>
    %dma_start3A_152 = tpu.memref_squeeze %dma_start3A_151 : memref<1x8x1000xf32, #tpu.memory_space<vmem>> -> memref<8x1000xf32, #tpu.memory_space<vmem>>
    %dma_start3A_153 = arith.constant 0 : i32
    %dma_start3A_154 = tpu.memref_slice %arg4[%multiple_of3A_147, %dma_start3A_153] : memref<30720x1000xf32, #tpu.memory_space<hbm>> -> memref<8x1000xf32, #tpu.memory_space<hbm>>
    %dma_start3A_155 = arith.constant 0 : i32
    %dma_start3A_156 = arith.constant 0 : i32
    %dma_start3A_157 = tpu.memref_slice %arg9[%dma_start3A_148, %dma_start3A_155, %dma_start3A_156] : memref<5x8x1000xf32, #tpu.memory_space<vmem>> -> memref<1x8x1000xf32, #tpu.memory_space<vmem>>
    %dma_start3A_158 = tpu.memref_squeeze %dma_start3A_157 : memref<1x8x1000xf32, #tpu.memory_space<vmem>> -> memref<8x1000xf32, #tpu.memory_space<vmem>>
    %dma_start3A_159 = arith.constant 0 : i32
    %dma_start3A_160 = tpu.memref_slice %arg4[%multiple_of3A_147, %dma_start3A_159] : memref<30720x1000xf32, #tpu.memory_space<hbm>> -> memref<8x1000xf32, #tpu.memory_space<hbm>>
    tpu.enqueue_dma source(%dma_start3A_160 : memref<8x1000xf32, #tpu.memory_space<hbm>>) target(%dma_start3A_158 : memref<8x1000xf32, #tpu.memory_space<vmem>>) target_semaphore(%arg13 : memref<!tpu.dma_semaphore, #tpu.memory_space<semaphore_mem>>)
    %add3A_161 = arith.constant 27648 : i32
    %add3A_162 = arith.addi %add3A_161, %multiple_of3A_96 : i32
    %multiple_of3A_163 = tpu.assume_multiple %add3A_162, 8 : i32
    %dma_start3A_164 = arith.constant 4 : i32
    %dma_start3A_165 = arith.constant 0 : i32
    %dma_start3A_166 = arith.constant 0 : i32
    %dma_start3A_167 = tpu.memref_slice %arg9[%dma_start3A_164, %dma_start3A_165, %dma_start3A_166] : memref<5x8x1000xf32, #tpu.memory_space<vmem>> -> memref<1x8x1000xf32, #tpu.memory_space<vmem>>
    %dma_start3A_168 = tpu.memref_squeeze %dma_start3A_167 : memref<1x8x1000xf32, #tpu.memory_space<vmem>> -> memref<8x1000xf32, #tpu.memory_space<vmem>>
    %dma_start3A_169 = arith.constant 0 : i32
    %dma_start3A_170 = tpu.memref_slice %arg4[%multiple_of3A_163, %dma_start3A_169] : memref<30720x1000xf32, #tpu.memory_space<hbm>> -> memref<8x1000xf32, #tpu.memory_space<hbm>>
    %dma_start3A_171 = arith.constant 0 : i32
    %dma_start3A_172 = arith.constant 0 : i32
    %dma_start3A_173 = tpu.memref_slice %arg9[%dma_start3A_164, %dma_start3A_171, %dma_start3A_172] : memref<5x8x1000xf32, #tpu.memory_space<vmem>> -> memref<1x8x1000xf32, #tpu.memory_space<vmem>>
    %dma_start3A_174 = tpu.memref_squeeze %dma_start3A_173 : memref<1x8x1000xf32, #tpu.memory_space<vmem>> -> memref<8x1000xf32, #tpu.memory_space<vmem>>
    %dma_start3A_175 = arith.constant 0 : i32
    %dma_start3A_176 = tpu.memref_slice %arg4[%multiple_of3A_163, %dma_start3A_175] : memref<30720x1000xf32, #tpu.memory_space<hbm>> -> memref<8x1000xf32, #tpu.memory_space<hbm>>
    tpu.enqueue_dma source(%dma_start3A_176 : memref<8x1000xf32, #tpu.memory_space<hbm>>) target(%dma_start3A_174 : memref<8x1000xf32, #tpu.memory_space<vmem>>) target_semaphore(%arg13 : memref<!tpu.dma_semaphore, #tpu.memory_space<semaphore_mem>>)
    "tpu.region"() ({
      %run_scoped3A = tpu.sem_alloc : memref<!tpu.dma_semaphore, #tpu.memory_space<semaphore_mem>>
      tpu.enqueue_dma source(%arg2 : memref<1024xi32, #tpu.memory_space<hbm>>) target(%arg6 : memref<1024xi32, #tpu.memory_space<vmem>>) target_semaphore(%run_scoped3A : memref<!tpu.dma_semaphore, #tpu.memory_space<semaphore_mem>>)
      tpu.wait_dma2 semaphore(%run_scoped3A : memref<!tpu.dma_semaphore, #tpu.memory_space<semaphore_mem>>) src(%arg2 : memref<1024xi32, #tpu.memory_space<hbm>>) dst(%arg6 : memref<1024xi32, #tpu.memory_space<vmem>>)
      tpu.yield
    }) : () -> ()
    "tpu.region"() ({
      %run_scoped3A = tpu.sem_alloc : memref<!tpu.dma_semaphore, #tpu.memory_space<semaphore_mem>>
      tpu.enqueue_dma source(%arg3 : memref<1024xi32, #tpu.memory_space<hbm>>) target(%arg7 : memref<1024xi32, #tpu.memory_space<vmem>>) target_semaphore(%run_scoped3A : memref<!tpu.dma_semaphore, #tpu.memory_space<semaphore_mem>>)
      tpu.wait_dma2 semaphore(%run_scoped3A : memref<!tpu.dma_semaphore, #tpu.memory_space<semaphore_mem>>) src(%arg3 : memref<1024xi32, #tpu.memory_space<hbm>>) dst(%arg7 : memref<1024xi32, #tpu.memory_space<vmem>>)
      tpu.yield
    }) : () -> ()
    %scan3A = arith.constant 0 : i32
    %scan3A_177 = arith.constant 0 : i32
    %scan3A_178 = arith.constant 6 : i32
    %scan3A_179 = arith.addi %scan3A_177, %scan3A_178 : i32
    %scan3A_180 = arith.constant 1 : i32
    scf.for %scan3A_207 = %scan3A_177 to %scan3A_179 step %scan3A_180  : i32 {
      %mul3A_208 = arith.constant 2 : i32
      %mul3A_209 = arith.muli %mul3A_208, %scan3A_207 : i32
      %add3A_210 = arith.constant 0 : i32
      %add3A_211 = arith.addi %mul3A_209, %add3A_210 : i32
      %ge3A = arith.constant 1 : i32
      %ge3A_212 = arith.cmpi sge, %scan3A_207, %ge3A : i32
      %convert_element_type3A = arith.extui %ge3A_212 : i1 to i32
      %cond3A = arith.constant 0 : i32
      %cond3A_213 = arith.cmpi ne, %convert_element_type3A, %cond3A : i32
      scf.if %cond3A_213 {
        %sub3A_1129 = arith.constant 2 : i32
        %sub3A_1130 = arith.subi %add3A_211, %sub3A_1129 : i32
        %mul3A_1131 = arith.constant 3 : i32
        %mul3A_1132 = arith.muli %add3A, %mul3A_1131 : i32
        %jit3A_1133 = arith.constant 4 : i32
        %div3A_1134 = arith.divsi %sub3A_1130, %jit3A_1133 : i32
        %sign3A_1135 = arith.constant 0 : i32
        %sign3A_1136 = arith.cmpi sgt, %sub3A_1130, %sign3A_1135 : i32
        %sign3A_1137 = arith.extui %sign3A_1136 : i1 to i32
        %sign3A_1138 = arith.constant 0 : i32
        %sign3A_1139 = arith.cmpi slt, %sub3A_1130, %sign3A_1138 : i32
        %sign3A_1140 = arith.extui %sign3A_1139 : i1 to i32
        %sign3A_1141 = arith.subi %sign3A_1137, %sign3A_1140 : i32
        %sign3A_1142 = arith.constant 0 : i32
        %sign3A_1143 = arith.cmpi sgt, %jit3A_1133, %sign3A_1142 : i32
        %sign3A_1144 = arith.extui %sign3A_1143 : i1 to i32
        %sign3A_1145 = arith.constant 0 : i32
        %sign3A_1146 = arith.cmpi slt, %jit3A_1133, %sign3A_1145 : i32
        %sign3A_1147 = arith.extui %sign3A_1146 : i1 to i32
        %sign3A_1148 = arith.subi %sign3A_1144, %sign3A_1147 : i32
        %ne3A_1149 = arith.cmpi ne, %sign3A_1141, %sign3A_1148 : i32
        %rem3A_1150 = arith.remsi %sub3A_1130, %jit3A_1133 : i32
        %ne3A_1151 = arith.constant 0 : i32
        %ne3A_1152 = arith.cmpi ne, %rem3A_1150, %ne3A_1151 : i32
        %and3A_1153 = arith.andi %ne3A_1149, %ne3A_1152 : i1
        %sub3A_1154 = arith.constant 1 : i32
        %sub3A_1155 = arith.subi %div3A_1134, %sub3A_1154 : i32
        %select_n3A_1156 = arith.select %and3A_1153, %sub3A_1155, %div3A_1134 : i32
        %add3A_1157 = arith.addi %mul3A_1132, %select_n3A_1156 : i32
        %jit3A_1158 = arith.constant 4 : i32
        %eq3A_1159 = arith.constant 0 : i32
        %eq3A_1160 = arith.cmpi eq, %jit3A_1158, %eq3A_1159 : i32
        %jit3A_1161 = arith.constant 1 : i32
        %select_n3A_1162 = arith.select %eq3A_1160, %jit3A_1161, %jit3A_1158 : i32
        %rem3A_1163 = arith.remsi %sub3A_1130, %select_n3A_1162 : i32
        %ne3A_1164 = arith.constant 0 : i32
        %ne3A_1165 = arith.cmpi ne, %rem3A_1163, %ne3A_1164 : i32
        %lt3A_1166 = arith.constant 0 : i32
        %lt3A_1167 = arith.cmpi slt, %rem3A_1163, %lt3A_1166 : i32
        %lt3A_1168 = arith.constant 0 : i32
        %lt3A_1169 = arith.cmpi slt, %select_n3A_1162, %lt3A_1168 : i32
        %ne3A_1170 = arith.xori %lt3A_1167, %lt3A_1169 : i1
        %and3A_1171 = arith.andi %ne3A_1170, %ne3A_1165 : i1
        %add3A_1172 = arith.addi %rem3A_1163, %select_n3A_1162 : i32
        %select_n3A_1173 = arith.select %and3A_1171, %add3A_1172, %rem3A_1163 : i32
        %mul3A_1174 = arith.constant 32 : i32
        %mul3A_1175 = arith.muli %add3A_1157, %mul3A_1174 : i32
        %mul3A_1176 = arith.constant 8 : i32
        %mul3A_1177 = arith.muli %select_n3A_1173, %mul3A_1176 : i32
        %add3A_1178 = arith.addi %mul3A_1175, %mul3A_1177 : i32
        %multiple_of3A_1179 = tpu.assume_multiple %add3A_1178, 8 : i32
        %dma_wait3A_1180 = arith.constant 0 : i32
        %dma_wait3A_1181 = tpu.memref_slice %arg5[%multiple_of3A_1179, %dma_wait3A_1180] : memref<3072x1024xf32, #tpu.memory_space<hbm>> -> memref<8x1024xf32, #tpu.memory_space<hbm>>
        %dma_wait3A_1182 = arith.constant 0 : i32
        %dma_wait3A_1183 = tpu.memref_slice %arg5[%multiple_of3A_1179, %dma_wait3A_1182] : memref<3072x1024xf32, #tpu.memory_space<hbm>> -> memref<8x1024xf32, #tpu.memory_space<hbm>>
        tpu.wait_dma2 semaphore(%arg14 : memref<!tpu.dma_semaphore, #tpu.memory_space<semaphore_mem>>) src(%arg10 : memref<8x1024xf32, #tpu.memory_space<vmem>>) dst(%dma_wait3A_1183 : memref<8x1024xf32, #tpu.memory_space<hbm>>)
      } else {
      }
      %mul3A_214 = arith.constant 3 : i32
      %mul3A_215 = arith.muli %add3A, %mul3A_214 : i32
      %jit3A = arith.constant 4 : i32
      %div3A = arith.divsi %add3A_211, %jit3A : i32
      %sign3A = arith.constant 0 : i32
      %sign3A_216 = arith.cmpi sgt, %add3A_211, %sign3A : i32
      %sign3A_217 = arith.extui %sign3A_216 : i1 to i32
      %sign3A_218 = arith.constant 0 : i32
      %sign3A_219 = arith.cmpi slt, %add3A_211, %sign3A_218 : i32
      %sign3A_220 = arith.extui %sign3A_219 : i1 to i32
      %sign3A_221 = arith.subi %sign3A_217, %sign3A_220 : i32
      %sign3A_222 = arith.constant 0 : i32
      %sign3A_223 = arith.cmpi sgt, %jit3A, %sign3A_222 : i32
      %sign3A_224 = arith.extui %sign3A_223 : i1 to i32
      %sign3A_225 = arith.constant 0 : i32
      %sign3A_226 = arith.cmpi slt, %jit3A, %sign3A_225 : i32
      %sign3A_227 = arith.extui %sign3A_226 : i1 to i32
      %sign3A_228 = arith.subi %sign3A_224, %sign3A_227 : i32
      %ne3A = arith.cmpi ne, %sign3A_221, %sign3A_228 : i32
      %rem3A = arith.remsi %add3A_211, %jit3A : i32
      %ne3A_229 = arith.constant 0 : i32
      %ne3A_230 = arith.cmpi ne, %rem3A, %ne3A_229 : i32
      %and3A = arith.andi %ne3A, %ne3A_230 : i1
      %sub3A = arith.constant 1 : i32
      %sub3A_231 = arith.subi %div3A, %sub3A : i32
      %select_n3A = arith.select %and3A, %sub3A_231, %div3A : i32
      %add3A_232 = arith.addi %mul3A_215, %select_n3A : i32
      %jit3A_233 = arith.constant 4 : i32
      %eq3A = arith.constant 0 : i32
      %eq3A_234 = arith.cmpi eq, %jit3A_233, %eq3A : i32
      %jit3A_235 = arith.constant 1 : i32
      %select_n3A_236 = arith.select %eq3A_234, %jit3A_235, %jit3A_233 : i32
      %rem3A_237 = arith.remsi %add3A_211, %select_n3A_236 : i32
      %ne3A_238 = arith.constant 0 : i32
      %ne3A_239 = arith.cmpi ne, %rem3A_237, %ne3A_238 : i32
      %lt3A = arith.constant 0 : i32
      %lt3A_240 = arith.cmpi slt, %rem3A_237, %lt3A : i32
      %lt3A_241 = arith.constant 0 : i32
      %lt3A_242 = arith.cmpi slt, %select_n3A_236, %lt3A_241 : i32
      %ne3A_243 = arith.xori %lt3A_240, %lt3A_242 : i1
      %and3A_244 = arith.andi %ne3A_243, %ne3A_239 : i1
      %add3A_245 = arith.addi %rem3A_237, %select_n3A_236 : i32
      %select_n3A_246 = arith.select %and3A_244, %add3A_245, %rem3A_237 : i32
      %mul3A_247 = arith.constant 32 : i32
      %mul3A_248 = arith.muli %add3A_232, %mul3A_247 : i32
      %mul3A_249 = arith.constant 8 : i32
      %mul3A_250 = arith.muli %select_n3A_246, %mul3A_249 : i32
      %add3A_251 = arith.addi %mul3A_248, %mul3A_250 : i32
      %multiple_of3A_252 = tpu.assume_multiple %add3A_251, 8 : i32
      %mul3A_253 = arith.constant 3 : i32
      %mul3A_254 = arith.muli %add3A, %mul3A_253 : i32
      %jit3A_255 = arith.constant 4 : i32
      %div3A_256 = arith.divsi %add3A_211, %jit3A_255 : i32
      %sign3A_257 = arith.constant 0 : i32
      %sign3A_258 = arith.cmpi sgt, %add3A_211, %sign3A_257 : i32
      %sign3A_259 = arith.extui %sign3A_258 : i1 to i32
      %sign3A_260 = arith.constant 0 : i32
      %sign3A_261 = arith.cmpi slt, %add3A_211, %sign3A_260 : i32
      %sign3A_262 = arith.extui %sign3A_261 : i1 to i32
      %sign3A_263 = arith.subi %sign3A_259, %sign3A_262 : i32
      %sign3A_264 = arith.constant 0 : i32
      %sign3A_265 = arith.cmpi sgt, %jit3A_255, %sign3A_264 : i32
      %sign3A_266 = arith.extui %sign3A_265 : i1 to i32
      %sign3A_267 = arith.constant 0 : i32
      %sign3A_268 = arith.cmpi slt, %jit3A_255, %sign3A_267 : i32
      %sign3A_269 = arith.extui %sign3A_268 : i1 to i32
      %sign3A_270 = arith.subi %sign3A_266, %sign3A_269 : i32
      %ne3A_271 = arith.cmpi ne, %sign3A_263, %sign3A_270 : i32
      %rem3A_272 = arith.remsi %add3A_211, %jit3A_255 : i32
      %ne3A_273 = arith.constant 0 : i32
      %ne3A_274 = arith.cmpi ne, %rem3A_272, %ne3A_273 : i32
      %and3A_275 = arith.andi %ne3A_271, %ne3A_274 : i1
      %sub3A_276 = arith.constant 1 : i32
      %sub3A_277 = arith.subi %div3A_256, %sub3A_276 : i32
      %select_n3A_278 = arith.select %and3A_275, %sub3A_277, %div3A_256 : i32
      %add3A_279 = arith.addi %mul3A_254, %select_n3A_278 : i32
      %jit3A_280 = arith.constant 4 : i32
      %eq3A_281 = arith.constant 0 : i32
      %eq3A_282 = arith.cmpi eq, %jit3A_280, %eq3A_281 : i32
      %jit3A_283 = arith.constant 1 : i32
      %select_n3A_284 = arith.select %eq3A_282, %jit3A_283, %jit3A_280 : i32
      %rem3A_285 = arith.remsi %add3A_211, %select_n3A_284 : i32
      %ne3A_286 = arith.constant 0 : i32
      %ne3A_287 = arith.cmpi ne, %rem3A_285, %ne3A_286 : i32
      %lt3A_288 = arith.constant 0 : i32
      %lt3A_289 = arith.cmpi slt, %rem3A_285, %lt3A_288 : i32
      %lt3A_290 = arith.constant 0 : i32
      %lt3A_291 = arith.cmpi slt, %select_n3A_284, %lt3A_290 : i32
      %ne3A_292 = arith.xori %lt3A_289, %lt3A_291 : i1
      %and3A_293 = arith.andi %ne3A_292, %ne3A_287 : i1
      %add3A_294 = arith.addi %rem3A_285, %select_n3A_284 : i32
      %select_n3A_295 = arith.select %and3A_293, %add3A_294, %rem3A_285 : i32
      %mul3A_296 = arith.constant 32 : i32
      %mul3A_297 = arith.muli %add3A_279, %mul3A_296 : i32
      %mul3A_298 = arith.constant 8 : i32
      %mul3A_299 = arith.muli %select_n3A_295, %mul3A_298 : i32
      %add3A_300 = arith.addi %mul3A_297, %mul3A_299 : i32
      %multiple_of3A_301 = tpu.assume_multiple %add3A_300, 8 : i32
      %add3A_302 = arith.constant 0 : i32
      %add3A_303 = arith.addi %add3A_302, %multiple_of3A_301 : i32
      %multiple_of3A_304 = tpu.assume_multiple %add3A_303, 8 : i32
      %dma_wait3A_305 = arith.constant 0 : i32
      %dma_wait3A_306 = arith.constant 0 : i32
      %dma_wait3A_307 = arith.constant 0 : i32
      %dma_wait3A_308 = tpu.memref_slice %arg8[%dma_wait3A_305, %dma_wait3A_306, %dma_wait3A_307] : memref<5x8x1000xf32, #tpu.memory_space<vmem>> -> memref<1x8x1000xf32, #tpu.memory_space<vmem>>
      %dma_wait3A_309 = tpu.memref_squeeze %dma_wait3A_308 : memref<1x8x1000xf32, #tpu.memory_space<vmem>> -> memref<8x1000xf32, #tpu.memory_space<vmem>>
      %dma_wait3A_310 = arith.constant 0 : i32
      %dma_wait3A_311 = tpu.memref_slice %arg4[%multiple_of3A_304, %dma_wait3A_310] : memref<30720x1000xf32, #tpu.memory_space<hbm>> -> memref<8x1000xf32, #tpu.memory_space<hbm>>
      %dma_wait3A_312 = arith.constant 0 : i32
      %dma_wait3A_313 = arith.constant 0 : i32
      %dma_wait3A_314 = tpu.memref_slice %arg8[%dma_wait3A_305, %dma_wait3A_312, %dma_wait3A_313] : memref<5x8x1000xf32, #tpu.memory_space<vmem>> -> memref<1x8x1000xf32, #tpu.memory_space<vmem>>
      %dma_wait3A_315 = tpu.memref_squeeze %dma_wait3A_314 : memref<1x8x1000xf32, #tpu.memory_space<vmem>> -> memref<8x1000xf32, #tpu.memory_space<vmem>>
      %dma_wait3A_316 = arith.constant 0 : i32
      %dma_wait3A_317 = tpu.memref_slice %arg4[%multiple_of3A_304, %dma_wait3A_316] : memref<30720x1000xf32, #tpu.memory_space<hbm>> -> memref<8x1000xf32, #tpu.memory_space<hbm>>
      tpu.wait_dma2 semaphore(%arg12 : memref<!tpu.dma_semaphore, #tpu.memory_space<semaphore_mem>>) src(%dma_wait3A_317 : memref<8x1000xf32, #tpu.memory_space<hbm>>) dst(%dma_wait3A_315 : memref<8x1000xf32, #tpu.memory_space<vmem>>)
      %add3A_318 = arith.constant 3072 : i32
      %add3A_319 = arith.addi %add3A_318, %multiple_of3A_301 : i32
      %multiple_of3A_320 = tpu.assume_multiple %add3A_319, 8 : i32
      %dma_wait3A_321 = arith.constant 1 : i32
      %dma_wait3A_322 = arith.constant 0 : i32
      %dma_wait3A_323 = arith.constant 0 : i32
      %dma_wait3A_324 = tpu.memref_slice %arg8[%dma_wait3A_321, %dma_wait3A_322, %dma_wait3A_323] : memref<5x8x1000xf32, #tpu.memory_space<vmem>> -> memref<1x8x1000xf32, #tpu.memory_space<vmem>>
      %dma_wait3A_325 = tpu.memref_squeeze %dma_wait3A_324 : memref<1x8x1000xf32, #tpu.memory_space<vmem>> -> memref<8x1000xf32, #tpu.memory_space<vmem>>
      %dma_wait3A_326 = arith.constant 0 : i32
      %dma_wait3A_327 = tpu.memref_slice %arg4[%multiple_of3A_320, %dma_wait3A_326] : memref<30720x1000xf32, #tpu.memory_space<hbm>> -> memref<8x1000xf32, #tpu.memory_space<hbm>>
      %dma_wait3A_328 = arith.constant 0 : i32
      %dma_wait3A_329 = arith.constant 0 : i32
      %dma_wait3A_330 = tpu.memref_slice %arg8[%dma_wait3A_321, %dma_wait3A_328, %dma_wait3A_329] : memref<5x8x1000xf32, #tpu.memory_space<vmem>> -> memref<1x8x1000xf32, #tpu.memory_space<vmem>>
      %dma_wait3A_331 = tpu.memref_squeeze %dma_wait3A_330 : memref<1x8x1000xf32, #tpu.memory_space<vmem>> -> memref<8x1000xf32, #tpu.memory_space<vmem>>
      %dma_wait3A_332 = arith.constant 0 : i32
      %dma_wait3A_333 = tpu.memref_slice %arg4[%multiple_of3A_320, %dma_wait3A_332] : memref<30720x1000xf32, #tpu.memory_space<hbm>> -> memref<8x1000xf32, #tpu.memory_space<hbm>>
      tpu.wait_dma2 semaphore(%arg12 : memref<!tpu.dma_semaphore, #tpu.memory_space<semaphore_mem>>) src(%dma_wait3A_333 : memref<8x1000xf32, #tpu.memory_space<hbm>>) dst(%dma_wait3A_331 : memref<8x1000xf32, #tpu.memory_space<vmem>>)
      %add3A_334 = arith.constant 6144 : i32
      %add3A_335 = arith.addi %add3A_334, %multiple_of3A_301 : i32
      %multiple_of3A_336 = tpu.assume_multiple %add3A_335, 8 : i32
      %dma_wait3A_337 = arith.constant 2 : i32
      %dma_wait3A_338 = arith.constant 0 : i32
      %dma_wait3A_339 = arith.constant 0 : i32
      %dma_wait3A_340 = tpu.memref_slice %arg8[%dma_wait3A_337, %dma_wait3A_338, %dma_wait3A_339] : memref<5x8x1000xf32, #tpu.memory_space<vmem>> -> memref<1x8x1000xf32, #tpu.memory_space<vmem>>
      %dma_wait3A_341 = tpu.memref_squeeze %dma_wait3A_340 : memref<1x8x1000xf32, #tpu.memory_space<vmem>> -> memref<8x1000xf32, #tpu.memory_space<vmem>>
      %dma_wait3A_342 = arith.constant 0 : i32
      %dma_wait3A_343 = tpu.memref_slice %arg4[%multiple_of3A_336, %dma_wait3A_342] : memref<30720x1000xf32, #tpu.memory_space<hbm>> -> memref<8x1000xf32, #tpu.memory_space<hbm>>
      %dma_wait3A_344 = arith.constant 0 : i32
      %dma_wait3A_345 = arith.constant 0 : i32
      %dma_wait3A_346 = tpu.memref_slice %arg8[%dma_wait3A_337, %dma_wait3A_344, %dma_wait3A_345] : memref<5x8x1000xf32, #tpu.memory_space<vmem>> -> memref<1x8x1000xf32, #tpu.memory_space<vmem>>
      %dma_wait3A_347 = tpu.memref_squeeze %dma_wait3A_346 : memref<1x8x1000xf32, #tpu.memory_space<vmem>> -> memref<8x1000xf32, #tpu.memory_space<vmem>>
      %dma_wait3A_348 = arith.constant 0 : i32
      %dma_wait3A_349 = tpu.memref_slice %arg4[%multiple_of3A_336, %dma_wait3A_348] : memref<30720x1000xf32, #tpu.memory_space<hbm>> -> memref<8x1000xf32, #tpu.memory_space<hbm>>
      tpu.wait_dma2 semaphore(%arg12 : memref<!tpu.dma_semaphore, #tpu.memory_space<semaphore_mem>>) src(%dma_wait3A_349 : memref<8x1000xf32, #tpu.memory_space<hbm>>) dst(%dma_wait3A_347 : memref<8x1000xf32, #tpu.memory_space<vmem>>)
      %add3A_350 = arith.constant 9216 : i32
      %add3A_351 = arith.addi %add3A_350, %multiple_of3A_301 : i32
      %multiple_of3A_352 = tpu.assume_multiple %add3A_351, 8 : i32
      %dma_wait3A_353 = arith.constant 3 : i32
      %dma_wait3A_354 = arith.constant 0 : i32
      %dma_wait3A_355 = arith.constant 0 : i32
      %dma_wait3A_356 = tpu.memref_slice %arg8[%dma_wait3A_353, %dma_wait3A_354, %dma_wait3A_355] : memref<5x8x1000xf32, #tpu.memory_space<vmem>> -> memref<1x8x1000xf32, #tpu.memory_space<vmem>>
      %dma_wait3A_357 = tpu.memref_squeeze %dma_wait3A_356 : memref<1x8x1000xf32, #tpu.memory_space<vmem>> -> memref<8x1000xf32, #tpu.memory_space<vmem>>
      %dma_wait3A_358 = arith.constant 0 : i32
      %dma_wait3A_359 = tpu.memref_slice %arg4[%multiple_of3A_352, %dma_wait3A_358] : memref<30720x1000xf32, #tpu.memory_space<hbm>> -> memref<8x1000xf32, #tpu.memory_space<hbm>>
      %dma_wait3A_360 = arith.constant 0 : i32
      %dma_wait3A_361 = arith.constant 0 : i32
      %dma_wait3A_362 = tpu.memref_slice %arg8[%dma_wait3A_353, %dma_wait3A_360, %dma_wait3A_361] : memref<5x8x1000xf32, #tpu.memory_space<vmem>> -> memref<1x8x1000xf32, #tpu.memory_space<vmem>>
      %dma_wait3A_363 = tpu.memref_squeeze %dma_wait3A_362 : memref<1x8x1000xf32, #tpu.memory_space<vmem>> -> memref<8x1000xf32, #tpu.memory_space<vmem>>
      %dma_wait3A_364 = arith.constant 0 : i32
      %dma_wait3A_365 = tpu.memref_slice %arg4[%multiple_of3A_352, %dma_wait3A_364] : memref<30720x1000xf32, #tpu.memory_space<hbm>> -> memref<8x1000xf32, #tpu.memory_space<hbm>>
      tpu.wait_dma2 semaphore(%arg12 : memref<!tpu.dma_semaphore, #tpu.memory_space<semaphore_mem>>) src(%dma_wait3A_365 : memref<8x1000xf32, #tpu.memory_space<hbm>>) dst(%dma_wait3A_363 : memref<8x1000xf32, #tpu.memory_space<vmem>>)
      %add3A_366 = arith.constant 12288 : i32
      %add3A_367 = arith.addi %add3A_366, %multiple_of3A_301 : i32
      %multiple_of3A_368 = tpu.assume_multiple %add3A_367, 8 : i32
      %dma_wait3A_369 = arith.constant 4 : i32
      %dma_wait3A_370 = arith.constant 0 : i32
      %dma_wait3A_371 = arith.constant 0 : i32
      %dma_wait3A_372 = tpu.memref_slice %arg8[%dma_wait3A_369, %dma_wait3A_370, %dma_wait3A_371] : memref<5x8x1000xf32, #tpu.memory_space<vmem>> -> memref<1x8x1000xf32, #tpu.memory_space<vmem>>
      %dma_wait3A_373 = tpu.memref_squeeze %dma_wait3A_372 : memref<1x8x1000xf32, #tpu.memory_space<vmem>> -> memref<8x1000xf32, #tpu.memory_space<vmem>>
      %dma_wait3A_374 = arith.constant 0 : i32
      %dma_wait3A_375 = tpu.memref_slice %arg4[%multiple_of3A_368, %dma_wait3A_374] : memref<30720x1000xf32, #tpu.memory_space<hbm>> -> memref<8x1000xf32, #tpu.memory_space<hbm>>
      %dma_wait3A_376 = arith.constant 0 : i32
      %dma_wait3A_377 = arith.constant 0 : i32
      %dma_wait3A_378 = tpu.memref_slice %arg8[%dma_wait3A_369, %dma_wait3A_376, %dma_wait3A_377] : memref<5x8x1000xf32, #tpu.memory_space<vmem>> -> memref<1x8x1000xf32, #tpu.memory_space<vmem>>
      %dma_wait3A_379 = tpu.memref_squeeze %dma_wait3A_378 : memref<1x8x1000xf32, #tpu.memory_space<vmem>> -> memref<8x1000xf32, #tpu.memory_space<vmem>>
      %dma_wait3A_380 = arith.constant 0 : i32
      %dma_wait3A_381 = tpu.memref_slice %arg4[%multiple_of3A_368, %dma_wait3A_380] : memref<30720x1000xf32, #tpu.memory_space<hbm>> -> memref<8x1000xf32, #tpu.memory_space<hbm>>
      tpu.wait_dma2 semaphore(%arg12 : memref<!tpu.dma_semaphore, #tpu.memory_space<semaphore_mem>>) src(%dma_wait3A_381 : memref<8x1000xf32, #tpu.memory_space<hbm>>) dst(%dma_wait3A_379 : memref<8x1000xf32, #tpu.memory_space<vmem>>)
      %scan3A_382 = arith.constant 0 : i32
      %scan3A_383 = arith.constant 0 : i32
      %scan3A_384 = arith.constant 64 : i32
      %scan3A_385 = arith.addi %scan3A_383, %scan3A_384 : i32
      %scan3A_386 = arith.constant 1 : i32
      scf.for %scan3A_1129 = %scan3A_383 to %scan3A_385 step %scan3A_386  : i32 {
        %mul3A_1130 = arith.constant 16 : i32
        %mul3A_1131 = arith.muli %scan3A_1129, %mul3A_1130 : i32
        %get3A = arith.index_cast %mul3A_1131 : i32 to index
        %get3A_1132 = tpu.vector_load %arg6[%get3A] {strides = array<i32>} : memref<1024xi32, #tpu.memory_space<vmem>>, vector<16xi32>,
        %min3A = arith.constant 4 : i32
        %min3A_1133 = vector.broadcast %min3A : i32 to vector<16xi32>
        %min3A_1134 = arith.minsi %get3A_1132, %min3A_1133 : vector<16xi32>
        %mul3A_1135 = arith.constant 16 : i32
        %mul3A_1136 = arith.muli %scan3A_1129, %mul3A_1135 : i32
        %get3A_1137 = arith.index_cast %mul3A_1136 : i32 to index
        %get3A_1138 = tpu.vector_load %arg7[%get3A_1137] {strides = array<i32>} : memref<1024xi32, #tpu.memory_space<vmem>>, vector<16xi32>,
        %broadcast_in_dim3A = arith.constant 0 : i32
        %broadcast_in_dim3A_1139 = vector.broadcast %broadcast_in_dim3A : i32 to vector<16xi32>
        %gather3A = tpu.vector_load_idx %arg8[%min3A_1134, %broadcast_in_dim3A_1139, %get3A_1138] : memref<5x8x1000xf32, #tpu.memory_space<vmem>>[vector<16xi32>, vector<16xi32>, vector<16xi32>], vector<16xf32>,
        %mul3A_1140 = arith.constant 16 : i32
        %mul3A_1141 = arith.muli %scan3A_1129, %mul3A_1140 : i32
        %swap3A = arith.constant 0 : i32
        %swap3A_1142 = arith.index_cast %swap3A : i32 to index
        %swap3A_1143 = arith.index_cast %mul3A_1141 : i32 to index
        %swap3A_1144 = tpu.vector_load %arg10[%swap3A_1142, %swap3A_1143] {strides = array<i32>} : memref<8x1024xf32, #tpu.memory_space<vmem>>, vector<16xf32>,
        tpu.vector_store %arg10[%swap3A_1142, %swap3A_1143], %gather3A {strides = array<i32>} : memref<8x1024xf32, #tpu.memory_space<vmem>>, vector<16xf32>,
        %broadcast_in_dim3A_1145 = arith.constant 1 : i32
        %broadcast_in_dim3A_1146 = vector.broadcast %broadcast_in_dim3A_1145 : i32 to vector<16xi32>
        %gather3A_1147 = tpu.vector_load_idx %arg8[%min3A_1134, %broadcast_in_dim3A_1146, %get3A_1138] : memref<5x8x1000xf32, #tpu.memory_space<vmem>>[vector<16xi32>, vector<16xi32>, vector<16xi32>], vector<16xf32>,
        %mul3A_1148 = arith.constant 16 : i32
        %mul3A_1149 = arith.muli %scan3A_1129, %mul3A_1148 : i32
        %swap3A_1150 = arith.constant 1 : i32
        %swap3A_1151 = arith.index_cast %swap3A_1150 : i32 to index
        %swap3A_1152 = arith.index_cast %mul3A_1149 : i32 to index
        %swap3A_1153 = tpu.vector_load %arg10[%swap3A_1151, %swap3A_1152] {strides = array<i32>} : memref<8x1024xf32, #tpu.memory_space<vmem>>, vector<16xf32>,
        tpu.vector_store %arg10[%swap3A_1151, %swap3A_1152], %gather3A_1147 {strides = array<i32>} : memref<8x1024xf32, #tpu.memory_space<vmem>>, vector<16xf32>,
        %broadcast_in_dim3A_1154 = arith.constant 2 : i32
        %broadcast_in_dim3A_1155 = vector.broadcast %broadcast_in_dim3A_1154 : i32 to vector<16xi32>
        %gather3A_1156 = tpu.vector_load_idx %arg8[%min3A_1134, %broadcast_in_dim3A_1155, %get3A_1138] : memref<5x8x1000xf32, #tpu.memory_space<vmem>>[vector<16xi32>, vector<16xi32>, vector<16xi32>], vector<16xf32>,
        %mul3A_1157 = arith.constant 16 : i32
        %mul3A_1158 = arith.muli %scan3A_1129, %mul3A_1157 : i32
        %swap3A_1159 = arith.constant 2 : i32
        %swap3A_1160 = arith.index_cast %swap3A_1159 : i32 to index
        %swap3A_1161 = arith.index_cast %mul3A_1158 : i32 to index
        %swap3A_1162 = tpu.vector_load %arg10[%swap3A_1160, %swap3A_1161] {strides = array<i32>} : memref<8x1024xf32, #tpu.memory_space<vmem>>, vector<16xf32>,
        tpu.vector_store %arg10[%swap3A_1160, %swap3A_1161], %gather3A_1156 {strides = array<i32>} : memref<8x1024xf32, #tpu.memory_space<vmem>>, vector<16xf32>,
        %broadcast_in_dim3A_1163 = arith.constant 3 : i32
        %broadcast_in_dim3A_1164 = vector.broadcast %broadcast_in_dim3A_1163 : i32 to vector<16xi32>
        %gather3A_1165 = tpu.vector_load_idx %arg8[%min3A_1134, %broadcast_in_dim3A_1164, %get3A_1138] : memref<5x8x1000xf32, #tpu.memory_space<vmem>>[vector<16xi32>, vector<16xi32>, vector<16xi32>], vector<16xf32>,
        %mul3A_1166 = arith.constant 16 : i32
        %mul3A_1167 = arith.muli %scan3A_1129, %mul3A_1166 : i32
        %swap3A_1168 = arith.constant 3 : i32
        %swap3A_1169 = arith.index_cast %swap3A_1168 : i32 to index
        %swap3A_1170 = arith.index_cast %mul3A_1167 : i32 to index
        %swap3A_1171 = tpu.vector_load %arg10[%swap3A_1169, %swap3A_1170] {strides = array<i32>} : memref<8x1024xf32, #tpu.memory_space<vmem>>, vector<16xf32>,
        tpu.vector_store %arg10[%swap3A_1169, %swap3A_1170], %gather3A_1165 {strides = array<i32>} : memref<8x1024xf32, #tpu.memory_space<vmem>>, vector<16xf32>,
        %broadcast_in_dim3A_1172 = arith.constant 4 : i32
        %broadcast_in_dim3A_1173 = vector.broadcast %broadcast_in_dim3A_1172 : i32 to vector<16xi32>
        %gather3A_1174 = tpu.vector_load_idx %arg8[%min3A_1134, %broadcast_in_dim3A_1173, %get3A_1138] : memref<5x8x1000xf32, #tpu.memory_space<vmem>>[vector<16xi32>, vector<16xi32>, vector<16xi32>], vector<16xf32>,
        %mul3A_1175 = arith.constant 16 : i32
        %mul3A_1176 = arith.muli %scan3A_1129, %mul3A_1175 : i32
        %swap3A_1177 = arith.constant 4 : i32
        %swap3A_1178 = arith.index_cast %swap3A_1177 : i32 to index
        %swap3A_1179 = arith.index_cast %mul3A_1176 : i32 to index
        %swap3A_1180 = tpu.vector_load %arg10[%swap3A_1178, %swap3A_1179] {strides = array<i32>} : memref<8x1024xf32, #tpu.memory_space<vmem>>, vector<16xf32>,
        tpu.vector_store %arg10[%swap3A_1178, %swap3A_1179], %gather3A_1174 {strides = array<i32>} : memref<8x1024xf32, #tpu.memory_space<vmem>>, vector<16xf32>,
        %broadcast_in_dim3A_1181 = arith.constant 5 : i32
        %broadcast_in_dim3A_1182 = vector.broadcast %broadcast_in_dim3A_1181 : i32 to vector<16xi32>
        %gather3A_1183 = tpu.vector_load_idx %arg8[%min3A_1134, %broadcast_in_dim3A_1182, %get3A_1138] : memref<5x8x1000xf32, #tpu.memory_space<vmem>>[vector<16xi32>, vector<16xi32>, vector<16xi32>], vector<16xf32>,
        %mul3A_1184 = arith.constant 16 : i32
        %mul3A_1185 = arith.muli %scan3A_1129, %mul3A_1184 : i32
        %swap3A_1186 = arith.constant 5 : i32
        %swap3A_1187 = arith.index_cast %swap3A_1186 : i32 to index
        %swap3A_1188 = arith.index_cast %mul3A_1185 : i32 to index
        %swap3A_1189 = tpu.vector_load %arg10[%swap3A_1187, %swap3A_1188] {strides = array<i32>} : memref<8x1024xf32, #tpu.memory_space<vmem>>, vector<16xf32>,
        tpu.vector_store %arg10[%swap3A_1187, %swap3A_1188], %gather3A_1183 {strides = array<i32>} : memref<8x1024xf32, #tpu.memory_space<vmem>>, vector<16xf32>,
        %broadcast_in_dim3A_1190 = arith.constant 6 : i32
        %broadcast_in_dim3A_1191 = vector.broadcast %broadcast_in_dim3A_1190 : i32 to vector<16xi32>
        %gather3A_1192 = tpu.vector_load_idx %arg8[%min3A_1134, %broadcast_in_dim3A_1191, %get3A_1138] : memref<5x8x1000xf32, #tpu.memory_space<vmem>>[vector<16xi32>, vector<16xi32>, vector<16xi32>], vector<16xf32>,
        %mul3A_1193 = arith.constant 16 : i32
        %mul3A_1194 = arith.muli %scan3A_1129, %mul3A_1193 : i32
        %swap3A_1195 = arith.constant 6 : i32
        %swap3A_1196 = arith.index_cast %swap3A_1195 : i32 to index
        %swap3A_1197 = arith.index_cast %mul3A_1194 : i32 to index
        %swap3A_1198 = tpu.vector_load %arg10[%swap3A_1196, %swap3A_1197] {strides = array<i32>} : memref<8x1024xf32, #tpu.memory_space<vmem>>, vector<16xf32>,
        tpu.vector_store %arg10[%swap3A_1196, %swap3A_1197], %gather3A_1192 {strides = array<i32>} : memref<8x1024xf32, #tpu.memory_space<vmem>>, vector<16xf32>,
        %broadcast_in_dim3A_1199 = arith.constant 7 : i32
        %broadcast_in_dim3A_1200 = vector.broadcast %broadcast_in_dim3A_1199 : i32 to vector<16xi32>
        %gather3A_1201 = tpu.vector_load_idx %arg8[%min3A_1134, %broadcast_in_dim3A_1200, %get3A_1138] : memref<5x8x1000xf32, #tpu.memory_space<vmem>>[vector<16xi32>, vector<16xi32>, vector<16xi32>], vector<16xf32>,
        %mul3A_1202 = arith.constant 16 : i32
        %mul3A_1203 = arith.muli %scan3A_1129, %mul3A_1202 : i32
        %swap3A_1204 = arith.constant 7 : i32
        %swap3A_1205 = arith.index_cast %swap3A_1204 : i32 to index
        %swap3A_1206 = arith.index_cast %mul3A_1203 : i32 to index
        %swap3A_1207 = tpu.vector_load %arg10[%swap3A_1205, %swap3A_1206] {strides = array<i32>} : memref<8x1024xf32, #tpu.memory_space<vmem>>, vector<16xf32>,
        tpu.vector_store %arg10[%swap3A_1205, %swap3A_1206], %gather3A_1201 {strides = array<i32>} : memref<8x1024xf32, #tpu.memory_space<vmem>>, vector<16xf32>,
      }
      %scan3A_387 = arith.constant 64 : i32
      %add3A_388 = arith.constant 1 : i32
      %add3A_389 = arith.addi %add3A_211, %add3A_388 : i32
      %mul3A_390 = arith.constant 3 : i32
      %mul3A_391 = arith.muli %add3A, %mul3A_390 : i32
      %jit3A_392 = arith.constant 4 : i32
      %div3A_393 = arith.divsi %add3A_389, %jit3A_392 : i32
      %sign3A_394 = arith.constant 0 : i32
      %sign3A_395 = arith.cmpi sgt, %add3A_389, %sign3A_394 : i32
      %sign3A_396 = arith.extui %sign3A_395 : i1 to i32
      %sign3A_397 = arith.constant 0 : i32
      %sign3A_398 = arith.cmpi slt, %add3A_389, %sign3A_397 : i32
      %sign3A_399 = arith.extui %sign3A_398 : i1 to i32
      %sign3A_400 = arith.subi %sign3A_396, %sign3A_399 : i32
      %sign3A_401 = arith.constant 0 : i32
      %sign3A_402 = arith.cmpi sgt, %jit3A_392, %sign3A_401 : i32
      %sign3A_403 = arith.extui %sign3A_402 : i1 to i32
      %sign3A_404 = arith.constant 0 : i32
      %sign3A_405 = arith.cmpi slt, %jit3A_392, %sign3A_404 : i32
      %sign3A_406 = arith.extui %sign3A_405 : i1 to i32
      %sign3A_407 = arith.subi %sign3A_403, %sign3A_406 : i32
      %ne3A_408 = arith.cmpi ne, %sign3A_400, %sign3A_407 : i32
      %rem3A_409 = arith.remsi %add3A_389, %jit3A_392 : i32
      %ne3A_410 = arith.constant 0 : i32
      %ne3A_411 = arith.cmpi ne, %rem3A_409, %ne3A_410 : i32
      %and3A_412 = arith.andi %ne3A_408, %ne3A_411 : i1
      %sub3A_413 = arith.constant 1 : i32
      %sub3A_414 = arith.subi %div3A_393, %sub3A_413 : i32
      %select_n3A_415 = arith.select %and3A_412, %sub3A_414, %div3A_393 : i32
      %add3A_416 = arith.addi %mul3A_391, %select_n3A_415 : i32
      %jit3A_417 = arith.constant 4 : i32
      %eq3A_418 = arith.constant 0 : i32
      %eq3A_419 = arith.cmpi eq, %jit3A_417, %eq3A_418 : i32
      %jit3A_420 = arith.constant 1 : i32
      %select_n3A_421 = arith.select %eq3A_419, %jit3A_420, %jit3A_417 : i32
      %rem3A_422 = arith.remsi %add3A_389, %select_n3A_421 : i32
      %ne3A_423 = arith.constant 0 : i32
      %ne3A_424 = arith.cmpi ne, %rem3A_422, %ne3A_423 : i32
      %lt3A_425 = arith.constant 0 : i32
      %lt3A_426 = arith.cmpi slt, %rem3A_422, %lt3A_425 : i32
      %lt3A_427 = arith.constant 0 : i32
      %lt3A_428 = arith.cmpi slt, %select_n3A_421, %lt3A_427 : i32
      %ne3A_429 = arith.xori %lt3A_426, %lt3A_428 : i1
      %and3A_430 = arith.andi %ne3A_429, %ne3A_424 : i1
      %add3A_431 = arith.addi %rem3A_422, %select_n3A_421 : i32
      %select_n3A_432 = arith.select %and3A_430, %add3A_431, %rem3A_422 : i32
      %mul3A_433 = arith.constant 32 : i32
      %mul3A_434 = arith.muli %add3A_416, %mul3A_433 : i32
      %mul3A_435 = arith.constant 8 : i32
      %mul3A_436 = arith.muli %select_n3A_432, %mul3A_435 : i32
      %add3A_437 = arith.addi %mul3A_434, %mul3A_436 : i32
      %multiple_of3A_438 = tpu.assume_multiple %add3A_437, 8 : i32
      %add3A_439 = arith.constant 0 : i32
      %add3A_440 = arith.addi %add3A_439, %multiple_of3A_438 : i32
      %multiple_of3A_441 = tpu.assume_multiple %add3A_440, 8 : i32
      %dma_start3A_442 = arith.constant 0 : i32
      %dma_start3A_443 = arith.constant 0 : i32
      %dma_start3A_444 = arith.constant 0 : i32
      %dma_start3A_445 = tpu.memref_slice %arg8[%dma_start3A_442, %dma_start3A_443, %dma_start3A_444] : memref<5x8x1000xf32, #tpu.memory_space<vmem>> -> memref<1x8x1000xf32, #tpu.memory_space<vmem>>
      %dma_start3A_446 = tpu.memref_squeeze %dma_start3A_445 : memref<1x8x1000xf32, #tpu.memory_space<vmem>> -> memref<8x1000xf32, #tpu.memory_space<vmem>>
      %dma_start3A_447 = arith.constant 0 : i32
      %dma_start3A_448 = tpu.memref_slice %arg4[%multiple_of3A_441, %dma_start3A_447] : memref<30720x1000xf32, #tpu.memory_space<hbm>> -> memref<8x1000xf32, #tpu.memory_space<hbm>>
      %dma_start3A_449 = arith.constant 0 : i32
      %dma_start3A_450 = arith.constant 0 : i32
      %dma_start3A_451 = tpu.memref_slice %arg8[%dma_start3A_442, %dma_start3A_449, %dma_start3A_450] : memref<5x8x1000xf32, #tpu.memory_space<vmem>> -> memref<1x8x1000xf32, #tpu.memory_space<vmem>>
      %dma_start3A_452 = tpu.memref_squeeze %dma_start3A_451 : memref<1x8x1000xf32, #tpu.memory_space<vmem>> -> memref<8x1000xf32, #tpu.memory_space<vmem>>
      %dma_start3A_453 = arith.constant 0 : i32
      %dma_start3A_454 = tpu.memref_slice %arg4[%multiple_of3A_441, %dma_start3A_453] : memref<30720x1000xf32, #tpu.memory_space<hbm>> -> memref<8x1000xf32, #tpu.memory_space<hbm>>
      tpu.enqueue_dma source(%dma_start3A_454 : memref<8x1000xf32, #tpu.memory_space<hbm>>) target(%dma_start3A_452 : memref<8x1000xf32, #tpu.memory_space<vmem>>) target_semaphore(%arg12 : memref<!tpu.dma_semaphore, #tpu.memory_space<semaphore_mem>>)
      %add3A_455 = arith.constant 3072 : i32
      %add3A_456 = arith.addi %add3A_455, %multiple_of3A_438 : i32
      %multiple_of3A_457 = tpu.assume_multiple %add3A_456, 8 : i32
      %dma_start3A_458 = arith.constant 1 : i32
      %dma_start3A_459 = arith.constant 0 : i32
      %dma_start3A_460 = arith.constant 0 : i32
      %dma_start3A_461 = tpu.memref_slice %arg8[%dma_start3A_458, %dma_start3A_459, %dma_start3A_460] : memref<5x8x1000xf32, #tpu.memory_space<vmem>> -> memref<1x8x1000xf32, #tpu.memory_space<vmem>>
      %dma_start3A_462 = tpu.memref_squeeze %dma_start3A_461 : memref<1x8x1000xf32, #tpu.memory_space<vmem>> -> memref<8x1000xf32, #tpu.memory_space<vmem>>
      %dma_start3A_463 = arith.constant 0 : i32
      %dma_start3A_464 = tpu.memref_slice %arg4[%multiple_of3A_457, %dma_start3A_463] : memref<30720x1000xf32, #tpu.memory_space<hbm>> -> memref<8x1000xf32, #tpu.memory_space<hbm>>
      %dma_start3A_465 = arith.constant 0 : i32
      %dma_start3A_466 = arith.constant 0 : i32
      %dma_start3A_467 = tpu.memref_slice %arg8[%dma_start3A_458, %dma_start3A_465, %dma_start3A_466] : memref<5x8x1000xf32, #tpu.memory_space<vmem>> -> memref<1x8x1000xf32, #tpu.memory_space<vmem>>
      %dma_start3A_468 = tpu.memref_squeeze %dma_start3A_467 : memref<1x8x1000xf32, #tpu.memory_space<vmem>> -> memref<8x1000xf32, #tpu.memory_space<vmem>>
      %dma_start3A_469 = arith.constant 0 : i32
      %dma_start3A_470 = tpu.memref_slice %arg4[%multiple_of3A_457, %dma_start3A_469] : memref<30720x1000xf32, #tpu.memory_space<hbm>> -> memref<8x1000xf32, #tpu.memory_space<hbm>>
      tpu.enqueue_dma source(%dma_start3A_470 : memref<8x1000xf32, #tpu.memory_space<hbm>>) target(%dma_start3A_468 : memref<8x1000xf32, #tpu.memory_space<vmem>>) target_semaphore(%arg12 : memref<!tpu.dma_semaphore, #tpu.memory_space<semaphore_mem>>)
      %add3A_471 = arith.constant 6144 : i32
      %add3A_472 = arith.addi %add3A_471, %multiple_of3A_438 : i32
      %multiple_of3A_473 = tpu.assume_multiple %add3A_472, 8 : i32
      %dma_start3A_474 = arith.constant 2 : i32
      %dma_start3A_475 = arith.constant 0 : i32
      %dma_start3A_476 = arith.constant 0 : i32
      %dma_start3A_477 = tpu.memref_slice %arg8[%dma_start3A_474, %dma_start3A_475, %dma_start3A_476] : memref<5x8x1000xf32, #tpu.memory_space<vmem>> -> memref<1x8x1000xf32, #tpu.memory_space<vmem>>
      %dma_start3A_478 = tpu.memref_squeeze %dma_start3A_477 : memref<1x8x1000xf32, #tpu.memory_space<vmem>> -> memref<8x1000xf32, #tpu.memory_space<vmem>>
      %dma_start3A_479 = arith.constant 0 : i32
      %dma_start3A_480 = tpu.memref_slice %arg4[%multiple_of3A_473, %dma_start3A_479] : memref<30720x1000xf32, #tpu.memory_space<hbm>> -> memref<8x1000xf32, #tpu.memory_space<hbm>>
      %dma_start3A_481 = arith.constant 0 : i32
      %dma_start3A_482 = arith.constant 0 : i32
      %dma_start3A_483 = tpu.memref_slice %arg8[%dma_start3A_474, %dma_start3A_481, %dma_start3A_482] : memref<5x8x1000xf32, #tpu.memory_space<vmem>> -> memref<1x8x1000xf32, #tpu.memory_space<vmem>>
      %dma_start3A_484 = tpu.memref_squeeze %dma_start3A_483 : memref<1x8x1000xf32, #tpu.memory_space<vmem>> -> memref<8x1000xf32, #tpu.memory_space<vmem>>
      %dma_start3A_485 = arith.constant 0 : i32
      %dma_start3A_486 = tpu.memref_slice %arg4[%multiple_of3A_473, %dma_start3A_485] : memref<30720x1000xf32, #tpu.memory_space<hbm>> -> memref<8x1000xf32, #tpu.memory_space<hbm>>
      tpu.enqueue_dma source(%dma_start3A_486 : memref<8x1000xf32, #tpu.memory_space<hbm>>) target(%dma_start3A_484 : memref<8x1000xf32, #tpu.memory_space<vmem>>) target_semaphore(%arg12 : memref<!tpu.dma_semaphore, #tpu.memory_space<semaphore_mem>>)
      %add3A_487 = arith.constant 9216 : i32
      %add3A_488 = arith.addi %add3A_487, %multiple_of3A_438 : i32
      %multiple_of3A_489 = tpu.assume_multiple %add3A_488, 8 : i32
      %dma_start3A_490 = arith.constant 3 : i32
      %dma_start3A_491 = arith.constant 0 : i32
      %dma_start3A_492 = arith.constant 0 : i32
      %dma_start3A_493 = tpu.memref_slice %arg8[%dma_start3A_490, %dma_start3A_491, %dma_start3A_492] : memref<5x8x1000xf32, #tpu.memory_space<vmem>> -> memref<1x8x1000xf32, #tpu.memory_space<vmem>>
      %dma_start3A_494 = tpu.memref_squeeze %dma_start3A_493 : memref<1x8x1000xf32, #tpu.memory_space<vmem>> -> memref<8x1000xf32, #tpu.memory_space<vmem>>
      %dma_start3A_495 = arith.constant 0 : i32
      %dma_start3A_496 = tpu.memref_slice %arg4[%multiple_of3A_489, %dma_start3A_495] : memref<30720x1000xf32, #tpu.memory_space<hbm>> -> memref<8x1000xf32, #tpu.memory_space<hbm>>
      %dma_start3A_497 = arith.constant 0 : i32
      %dma_start3A_498 = arith.constant 0 : i32
      %dma_start3A_499 = tpu.memref_slice %arg8[%dma_start3A_490, %dma_start3A_497, %dma_start3A_498] : memref<5x8x1000xf32, #tpu.memory_space<vmem>> -> memref<1x8x1000xf32, #tpu.memory_space<vmem>>
      %dma_start3A_500 = tpu.memref_squeeze %dma_start3A_499 : memref<1x8x1000xf32, #tpu.memory_space<vmem>> -> memref<8x1000xf32, #tpu.memory_space<vmem>>
      %dma_start3A_501 = arith.constant 0 : i32
      %dma_start3A_502 = tpu.memref_slice %arg4[%multiple_of3A_489, %dma_start3A_501] : memref<30720x1000xf32, #tpu.memory_space<hbm>> -> memref<8x1000xf32, #tpu.memory_space<hbm>>
      tpu.enqueue_dma source(%dma_start3A_502 : memref<8x1000xf32, #tpu.memory_space<hbm>>) target(%dma_start3A_500 : memref<8x1000xf32, #tpu.memory_space<vmem>>) target_semaphore(%arg12 : memref<!tpu.dma_semaphore, #tpu.memory_space<semaphore_mem>>)
      %add3A_503 = arith.constant 12288 : i32
      %add3A_504 = arith.addi %add3A_503, %multiple_of3A_438 : i32
      %multiple_of3A_505 = tpu.assume_multiple %add3A_504, 8 : i32
      %dma_start3A_506 = arith.constant 4 : i32
      %dma_start3A_507 = arith.constant 0 : i32
      %dma_start3A_508 = arith.constant 0 : i32
      %dma_start3A_509 = tpu.memref_slice %arg8[%dma_start3A_506, %dma_start3A_507, %dma_start3A_508] : memref<5x8x1000xf32, #tpu.memory_space<vmem>> -> memref<1x8x1000xf32, #tpu.memory_space<vmem>>
      %dma_start3A_510 = tpu.memref_squeeze %dma_start3A_509 : memref<1x8x1000xf32, #tpu.memory_space<vmem>> -> memref<8x1000xf32, #tpu.memory_space<vmem>>
      %dma_start3A_511 = arith.constant 0 : i32
      %dma_start3A_512 = tpu.memref_slice %arg4[%multiple_of3A_505, %dma_start3A_511] : memref<30720x1000xf32, #tpu.memory_space<hbm>> -> memref<8x1000xf32, #tpu.memory_space<hbm>>
      %dma_start3A_513 = arith.constant 0 : i32
      %dma_start3A_514 = arith.constant 0 : i32
      %dma_start3A_515 = tpu.memref_slice %arg8[%dma_start3A_506, %dma_start3A_513, %dma_start3A_514] : memref<5x8x1000xf32, #tpu.memory_space<vmem>> -> memref<1x8x1000xf32, #tpu.memory_space<vmem>>
      %dma_start3A_516 = tpu.memref_squeeze %dma_start3A_515 : memref<1x8x1000xf32, #tpu.memory_space<vmem>> -> memref<8x1000xf32, #tpu.memory_space<vmem>>
      %dma_start3A_517 = arith.constant 0 : i32
      %dma_start3A_518 = tpu.memref_slice %arg4[%multiple_of3A_505, %dma_start3A_517] : memref<30720x1000xf32, #tpu.memory_space<hbm>> -> memref<8x1000xf32, #tpu.memory_space<hbm>>
      tpu.enqueue_dma source(%dma_start3A_518 : memref<8x1000xf32, #tpu.memory_space<hbm>>) target(%dma_start3A_516 : memref<8x1000xf32, #tpu.memory_space<vmem>>) target_semaphore(%arg12 : memref<!tpu.dma_semaphore, #tpu.memory_space<semaphore_mem>>)
      %mul3A_519 = arith.constant 3 : i32
      %mul3A_520 = arith.muli %add3A, %mul3A_519 : i32
      %jit3A_521 = arith.constant 4 : i32
      %div3A_522 = arith.divsi %add3A_211, %jit3A_521 : i32
      %sign3A_523 = arith.constant 0 : i32
      %sign3A_524 = arith.cmpi sgt, %add3A_211, %sign3A_523 : i32
      %sign3A_525 = arith.extui %sign3A_524 : i1 to i32
      %sign3A_526 = arith.constant 0 : i32
      %sign3A_527 = arith.cmpi slt, %add3A_211, %sign3A_526 : i32
      %sign3A_528 = arith.extui %sign3A_527 : i1 to i32
      %sign3A_529 = arith.subi %sign3A_525, %sign3A_528 : i32
      %sign3A_530 = arith.constant 0 : i32
      %sign3A_531 = arith.cmpi sgt, %jit3A_521, %sign3A_530 : i32
      %sign3A_532 = arith.extui %sign3A_531 : i1 to i32
      %sign3A_533 = arith.constant 0 : i32
      %sign3A_534 = arith.cmpi slt, %jit3A_521, %sign3A_533 : i32
      %sign3A_535 = arith.extui %sign3A_534 : i1 to i32
      %sign3A_536 = arith.subi %sign3A_532, %sign3A_535 : i32
      %ne3A_537 = arith.cmpi ne, %sign3A_529, %sign3A_536 : i32
      %rem3A_538 = arith.remsi %add3A_211, %jit3A_521 : i32
      %ne3A_539 = arith.constant 0 : i32
      %ne3A_540 = arith.cmpi ne, %rem3A_538, %ne3A_539 : i32
      %and3A_541 = arith.andi %ne3A_537, %ne3A_540 : i1
      %sub3A_542 = arith.constant 1 : i32
      %sub3A_543 = arith.subi %div3A_522, %sub3A_542 : i32
      %select_n3A_544 = arith.select %and3A_541, %sub3A_543, %div3A_522 : i32
      %add3A_545 = arith.addi %mul3A_520, %select_n3A_544 : i32
      %jit3A_546 = arith.constant 4 : i32
      %eq3A_547 = arith.constant 0 : i32
      %eq3A_548 = arith.cmpi eq, %jit3A_546, %eq3A_547 : i32
      %jit3A_549 = arith.constant 1 : i32
      %select_n3A_550 = arith.select %eq3A_548, %jit3A_549, %jit3A_546 : i32
      %rem3A_551 = arith.remsi %add3A_211, %select_n3A_550 : i32
      %ne3A_552 = arith.constant 0 : i32
      %ne3A_553 = arith.cmpi ne, %rem3A_551, %ne3A_552 : i32
      %lt3A_554 = arith.constant 0 : i32
      %lt3A_555 = arith.cmpi slt, %rem3A_551, %lt3A_554 : i32
      %lt3A_556 = arith.constant 0 : i32
      %lt3A_557 = arith.cmpi slt, %select_n3A_550, %lt3A_556 : i32
      %ne3A_558 = arith.xori %lt3A_555, %lt3A_557 : i1
      %and3A_559 = arith.andi %ne3A_558, %ne3A_553 : i1
      %add3A_560 = arith.addi %rem3A_551, %select_n3A_550 : i32
      %select_n3A_561 = arith.select %and3A_559, %add3A_560, %rem3A_551 : i32
      %mul3A_562 = arith.constant 32 : i32
      %mul3A_563 = arith.muli %add3A_545, %mul3A_562 : i32
      %mul3A_564 = arith.constant 8 : i32
      %mul3A_565 = arith.muli %select_n3A_561, %mul3A_564 : i32
      %add3A_566 = arith.addi %mul3A_563, %mul3A_565 : i32
      %multiple_of3A_567 = tpu.assume_multiple %add3A_566, 8 : i32
      %add3A_568 = arith.constant 15360 : i32
      %add3A_569 = arith.addi %add3A_568, %multiple_of3A_567 : i32
      %multiple_of3A_570 = tpu.assume_multiple %add3A_569, 8 : i32
      %dma_wait3A_571 = arith.constant 0 : i32
      %dma_wait3A_572 = arith.constant 0 : i32
      %dma_wait3A_573 = arith.constant 0 : i32
      %dma_wait3A_574 = tpu.memref_slice %arg9[%dma_wait3A_571, %dma_wait3A_572, %dma_wait3A_573] : memref<5x8x1000xf32, #tpu.memory_space<vmem>> -> memref<1x8x1000xf32, #tpu.memory_space<vmem>>
      %dma_wait3A_575 = tpu.memref_squeeze %dma_wait3A_574 : memref<1x8x1000xf32, #tpu.memory_space<vmem>> -> memref<8x1000xf32, #tpu.memory_space<vmem>>
      %dma_wait3A_576 = arith.constant 0 : i32
      %dma_wait3A_577 = tpu.memref_slice %arg4[%multiple_of3A_570, %dma_wait3A_576] : memref<30720x1000xf32, #tpu.memory_space<hbm>> -> memref<8x1000xf32, #tpu.memory_space<hbm>>
      %dma_wait3A_578 = arith.constant 0 : i32
      %dma_wait3A_579 = arith.constant 0 : i32
      %dma_wait3A_580 = tpu.memref_slice %arg9[%dma_wait3A_571, %dma_wait3A_578, %dma_wait3A_579] : memref<5x8x1000xf32, #tpu.memory_space<vmem>> -> memref<1x8x1000xf32, #tpu.memory_space<vmem>>
      %dma_wait3A_581 = tpu.memref_squeeze %dma_wait3A_580 : memref<1x8x1000xf32, #tpu.memory_space<vmem>> -> memref<8x1000xf32, #tpu.memory_space<vmem>>
      %dma_wait3A_582 = arith.constant 0 : i32
      %dma_wait3A_583 = tpu.memref_slice %arg4[%multiple_of3A_570, %dma_wait3A_582] : memref<30720x1000xf32, #tpu.memory_space<hbm>> -> memref<8x1000xf32, #tpu.memory_space<hbm>>
      tpu.wait_dma2 semaphore(%arg13 : memref<!tpu.dma_semaphore, #tpu.memory_space<semaphore_mem>>) src(%dma_wait3A_583 : memref<8x1000xf32, #tpu.memory_space<hbm>>) dst(%dma_wait3A_581 : memref<8x1000xf32, #tpu.memory_space<vmem>>)
      %add3A_584 = arith.constant 18432 : i32
      %add3A_585 = arith.addi %add3A_584, %multiple_of3A_567 : i32
      %multiple_of3A_586 = tpu.assume_multiple %add3A_585, 8 : i32
      %dma_wait3A_587 = arith.constant 1 : i32
      %dma_wait3A_588 = arith.constant 0 : i32
      %dma_wait3A_589 = arith.constant 0 : i32
      %dma_wait3A_590 = tpu.memref_slice %arg9[%dma_wait3A_587, %dma_wait3A_588, %dma_wait3A_589] : memref<5x8x1000xf32, #tpu.memory_space<vmem>> -> memref<1x8x1000xf32, #tpu.memory_space<vmem>>
      %dma_wait3A_591 = tpu.memref_squeeze %dma_wait3A_590 : memref<1x8x1000xf32, #tpu.memory_space<vmem>> -> memref<8x1000xf32, #tpu.memory_space<vmem>>
      %dma_wait3A_592 = arith.constant 0 : i32
      %dma_wait3A_593 = tpu.memref_slice %arg4[%multiple_of3A_586, %dma_wait3A_592] : memref<30720x1000xf32, #tpu.memory_space<hbm>> -> memref<8x1000xf32, #tpu.memory_space<hbm>>
      %dma_wait3A_594 = arith.constant 0 : i32
      %dma_wait3A_595 = arith.constant 0 : i32
      %dma_wait3A_596 = tpu.memref_slice %arg9[%dma_wait3A_587, %dma_wait3A_594, %dma_wait3A_595] : memref<5x8x1000xf32, #tpu.memory_space<vmem>> -> memref<1x8x1000xf32, #tpu.memory_space<vmem>>
      %dma_wait3A_597 = tpu.memref_squeeze %dma_wait3A_596 : memref<1x8x1000xf32, #tpu.memory_space<vmem>> -> memref<8x1000xf32, #tpu.memory_space<vmem>>
      %dma_wait3A_598 = arith.constant 0 : i32
      %dma_wait3A_599 = tpu.memref_slice %arg4[%multiple_of3A_586, %dma_wait3A_598] : memref<30720x1000xf32, #tpu.memory_space<hbm>> -> memref<8x1000xf32, #tpu.memory_space<hbm>>
      tpu.wait_dma2 semaphore(%arg13 : memref<!tpu.dma_semaphore, #tpu.memory_space<semaphore_mem>>) src(%dma_wait3A_599 : memref<8x1000xf32, #tpu.memory_space<hbm>>) dst(%dma_wait3A_597 : memref<8x1000xf32, #tpu.memory_space<vmem>>)
      %add3A_600 = arith.constant 21504 : i32
      %add3A_601 = arith.addi %add3A_600, %multiple_of3A_567 : i32
      %multiple_of3A_602 = tpu.assume_multiple %add3A_601, 8 : i32
      %dma_wait3A_603 = arith.constant 2 : i32
      %dma_wait3A_604 = arith.constant 0 : i32
      %dma_wait3A_605 = arith.constant 0 : i32
      %dma_wait3A_606 = tpu.memref_slice %arg9[%dma_wait3A_603, %dma_wait3A_604, %dma_wait3A_605] : memref<5x8x1000xf32, #tpu.memory_space<vmem>> -> memref<1x8x1000xf32, #tpu.memory_space<vmem>>
      %dma_wait3A_607 = tpu.memref_squeeze %dma_wait3A_606 : memref<1x8x1000xf32, #tpu.memory_space<vmem>> -> memref<8x1000xf32, #tpu.memory_space<vmem>>
      %dma_wait3A_608 = arith.constant 0 : i32
      %dma_wait3A_609 = tpu.memref_slice %arg4[%multiple_of3A_602, %dma_wait3A_608] : memref<30720x1000xf32, #tpu.memory_space<hbm>> -> memref<8x1000xf32, #tpu.memory_space<hbm>>
      %dma_wait3A_610 = arith.constant 0 : i32
      %dma_wait3A_611 = arith.constant 0 : i32
      %dma_wait3A_612 = tpu.memref_slice %arg9[%dma_wait3A_603, %dma_wait3A_610, %dma_wait3A_611] : memref<5x8x1000xf32, #tpu.memory_space<vmem>> -> memref<1x8x1000xf32, #tpu.memory_space<vmem>>
      %dma_wait3A_613 = tpu.memref_squeeze %dma_wait3A_612 : memref<1x8x1000xf32, #tpu.memory_space<vmem>> -> memref<8x1000xf32, #tpu.memory_space<vmem>>
      %dma_wait3A_614 = arith.constant 0 : i32
      %dma_wait3A_615 = tpu.memref_slice %arg4[%multiple_of3A_602, %dma_wait3A_614] : memref<30720x1000xf32, #tpu.memory_space<hbm>> -> memref<8x1000xf32, #tpu.memory_space<hbm>>
      tpu.wait_dma2 semaphore(%arg13 : memref<!tpu.dma_semaphore, #tpu.memory_space<semaphore_mem>>) src(%dma_wait3A_615 : memref<8x1000xf32, #tpu.memory_space<hbm>>) dst(%dma_wait3A_613 : memref<8x1000xf32, #tpu.memory_space<vmem>>)
      %add3A_616 = arith.constant 24576 : i32
      %add3A_617 = arith.addi %add3A_616, %multiple_of3A_567 : i32
      %multiple_of3A_618 = tpu.assume_multiple %add3A_617, 8 : i32
      %dma_wait3A_619 = arith.constant 3 : i32
      %dma_wait3A_620 = arith.constant 0 : i32
      %dma_wait3A_621 = arith.constant 0 : i32
      %dma_wait3A_622 = tpu.memref_slice %arg9[%dma_wait3A_619, %dma_wait3A_620, %dma_wait3A_621] : memref<5x8x1000xf32, #tpu.memory_space<vmem>> -> memref<1x8x1000xf32, #tpu.memory_space<vmem>>
      %dma_wait3A_623 = tpu.memref_squeeze %dma_wait3A_622 : memref<1x8x1000xf32, #tpu.memory_space<vmem>> -> memref<8x1000xf32, #tpu.memory_space<vmem>>
      %dma_wait3A_624 = arith.constant 0 : i32
      %dma_wait3A_625 = tpu.memref_slice %arg4[%multiple_of3A_618, %dma_wait3A_624] : memref<30720x1000xf32, #tpu.memory_space<hbm>> -> memref<8x1000xf32, #tpu.memory_space<hbm>>
      %dma_wait3A_626 = arith.constant 0 : i32
      %dma_wait3A_627 = arith.constant 0 : i32
      %dma_wait3A_628 = tpu.memref_slice %arg9[%dma_wait3A_619, %dma_wait3A_626, %dma_wait3A_627] : memref<5x8x1000xf32, #tpu.memory_space<vmem>> -> memref<1x8x1000xf32, #tpu.memory_space<vmem>>
      %dma_wait3A_629 = tpu.memref_squeeze %dma_wait3A_628 : memref<1x8x1000xf32, #tpu.memory_space<vmem>> -> memref<8x1000xf32, #tpu.memory_space<vmem>>
      %dma_wait3A_630 = arith.constant 0 : i32
      %dma_wait3A_631 = tpu.memref_slice %arg4[%multiple_of3A_618, %dma_wait3A_630] : memref<30720x1000xf32, #tpu.memory_space<hbm>> -> memref<8x1000xf32, #tpu.memory_space<hbm>>
      tpu.wait_dma2 semaphore(%arg13 : memref<!tpu.dma_semaphore, #tpu.memory_space<semaphore_mem>>) src(%dma_wait3A_631 : memref<8x1000xf32, #tpu.memory_space<hbm>>) dst(%dma_wait3A_629 : memref<8x1000xf32, #tpu.memory_space<vmem>>)
      %add3A_632 = arith.constant 27648 : i32
      %add3A_633 = arith.addi %add3A_632, %multiple_of3A_567 : i32
      %multiple_of3A_634 = tpu.assume_multiple %add3A_633, 8 : i32
      %dma_wait3A_635 = arith.constant 4 : i32
      %dma_wait3A_636 = arith.constant 0 : i32
      %dma_wait3A_637 = arith.constant 0 : i32
      %dma_wait3A_638 = tpu.memref_slice %arg9[%dma_wait3A_635, %dma_wait3A_636, %dma_wait3A_637] : memref<5x8x1000xf32, #tpu.memory_space<vmem>> -> memref<1x8x1000xf32, #tpu.memory_space<vmem>>
      %dma_wait3A_639 = tpu.memref_squeeze %dma_wait3A_638 : memref<1x8x1000xf32, #tpu.memory_space<vmem>> -> memref<8x1000xf32, #tpu.memory_space<vmem>>
      %dma_wait3A_640 = arith.constant 0 : i32
      %dma_wait3A_641 = tpu.memref_slice %arg4[%multiple_of3A_634, %dma_wait3A_640] : memref<30720x1000xf32, #tpu.memory_space<hbm>> -> memref<8x1000xf32, #tpu.memory_space<hbm>>
      %dma_wait3A_642 = arith.constant 0 : i32
      %dma_wait3A_643 = arith.constant 0 : i32
      %dma_wait3A_644 = tpu.memref_slice %arg9[%dma_wait3A_635, %dma_wait3A_642, %dma_wait3A_643] : memref<5x8x1000xf32, #tpu.memory_space<vmem>> -> memref<1x8x1000xf32, #tpu.memory_space<vmem>>
      %dma_wait3A_645 = tpu.memref_squeeze %dma_wait3A_644 : memref<1x8x1000xf32, #tpu.memory_space<vmem>> -> memref<8x1000xf32, #tpu.memory_space<vmem>>
      %dma_wait3A_646 = arith.constant 0 : i32
      %dma_wait3A_647 = tpu.memref_slice %arg4[%multiple_of3A_634, %dma_wait3A_646] : memref<30720x1000xf32, #tpu.memory_space<hbm>> -> memref<8x1000xf32, #tpu.memory_space<hbm>>
      tpu.wait_dma2 semaphore(%arg13 : memref<!tpu.dma_semaphore, #tpu.memory_space<semaphore_mem>>) src(%dma_wait3A_647 : memref<8x1000xf32, #tpu.memory_space<hbm>>) dst(%dma_wait3A_645 : memref<8x1000xf32, #tpu.memory_space<vmem>>)
      %scan3A_648 = arith.constant 0 : i32
      %scan3A_649 = arith.constant 0 : i32
      %scan3A_650 = arith.constant 64 : i32
      %scan3A_651 = arith.addi %scan3A_649, %scan3A_650 : i32
      %scan3A_652 = arith.constant 1 : i32
      scf.for %scan3A_1129 = %scan3A_649 to %scan3A_651 step %scan3A_652  : i32 {
        %mul3A_1130 = arith.constant 16 : i32
        %mul3A_1131 = arith.muli %scan3A_1129, %mul3A_1130 : i32
        %get3A = arith.index_cast %mul3A_1131 : i32 to index
        %get3A_1132 = tpu.vector_load %arg6[%get3A] {strides = array<i32>} : memref<1024xi32, #tpu.memory_space<vmem>>, vector<16xi32>,
        %ge3A_1133 = arith.constant 5 : i32
        %ge3A_1134 = vector.broadcast %ge3A_1133 : i32 to vector<16xi32>
        %ge3A_1135 = arith.cmpi sge, %get3A_1132, %ge3A_1134 : vector<16xi32>
        %sub3A_1136 = arith.constant 5 : i32
        %sub3A_1137 = vector.broadcast %sub3A_1136 : i32 to vector<16xi32>
        %sub3A_1138 = arith.subi %get3A_1132, %sub3A_1137 : vector<16xi32>
        %max3A = arith.constant 0 : i32
        %max3A_1139 = vector.broadcast %max3A : i32 to vector<16xi32>
        %max3A_1140 = arith.maxsi %sub3A_1138, %max3A_1139 : vector<16xi32>
        %mul3A_1141 = arith.constant 16 : i32
        %mul3A_1142 = arith.muli %scan3A_1129, %mul3A_1141 : i32
        %get3A_1143 = arith.index_cast %mul3A_1142 : i32 to index
        %get3A_1144 = tpu.vector_load %arg7[%get3A_1143] {strides = array<i32>} : memref<1024xi32, #tpu.memory_space<vmem>>, vector<16xi32>,
        %mul3A_1145 = arith.constant 16 : i32
        %mul3A_1146 = arith.muli %scan3A_1129, %mul3A_1145 : i32
        %iota3A = tpu.iota {dimensions = array<i32: 0>} : vector<16xi32>
        %add3A_1147 = vector.broadcast %mul3A_1146 : i32 to vector<16xi32>
        %add3A_1148 = arith.addi %add3A_1147, %iota3A : vector<16xi32>
        %broadcast_in_dim3A = arith.constant 0 : i32
        %broadcast_in_dim3A_1149 = vector.broadcast %broadcast_in_dim3A : i32 to vector<16xi32>
        %gather3A = tpu.vector_load_idx %arg9[%max3A_1140, %broadcast_in_dim3A_1149, %get3A_1144] : memref<5x8x1000xf32, #tpu.memory_space<vmem>>[vector<16xi32>, vector<16xi32>, vector<16xi32>], vector<16xf32>,
        tpu.vector_store_idx %arg10[%broadcast_in_dim3A_1149, %add3A_1148], %gather3A masked %ge3A_1135 : memref<8x1024xf32, #tpu.memory_space<vmem>>[vector<16xi32>, vector<16xi32>], vector<16xf32>, vector<16xi1>
        %broadcast_in_dim3A_1150 = arith.constant 1 : i32
        %broadcast_in_dim3A_1151 = vector.broadcast %broadcast_in_dim3A_1150 : i32 to vector<16xi32>
        %gather3A_1152 = tpu.vector_load_idx %arg9[%max3A_1140, %broadcast_in_dim3A_1151, %get3A_1144] : memref<5x8x1000xf32, #tpu.memory_space<vmem>>[vector<16xi32>, vector<16xi32>, vector<16xi32>], vector<16xf32>,
        tpu.vector_store_idx %arg10[%broadcast_in_dim3A_1151, %add3A_1148], %gather3A_1152 masked %ge3A_1135 : memref<8x1024xf32, #tpu.memory_space<vmem>>[vector<16xi32>, vector<16xi32>], vector<16xf32>, vector<16xi1>
        %broadcast_in_dim3A_1153 = arith.constant 2 : i32
        %broadcast_in_dim3A_1154 = vector.broadcast %broadcast_in_dim3A_1153 : i32 to vector<16xi32>
        %gather3A_1155 = tpu.vector_load_idx %arg9[%max3A_1140, %broadcast_in_dim3A_1154, %get3A_1144] : memref<5x8x1000xf32, #tpu.memory_space<vmem>>[vector<16xi32>, vector<16xi32>, vector<16xi32>], vector<16xf32>,
        tpu.vector_store_idx %arg10[%broadcast_in_dim3A_1154, %add3A_1148], %gather3A_1155 masked %ge3A_1135 : memref<8x1024xf32, #tpu.memory_space<vmem>>[vector<16xi32>, vector<16xi32>], vector<16xf32>, vector<16xi1>
        %broadcast_in_dim3A_1156 = arith.constant 3 : i32
        %broadcast_in_dim3A_1157 = vector.broadcast %broadcast_in_dim3A_1156 : i32 to vector<16xi32>
        %gather3A_1158 = tpu.vector_load_idx %arg9[%max3A_1140, %broadcast_in_dim3A_1157, %get3A_1144] : memref<5x8x1000xf32, #tpu.memory_space<vmem>>[vector<16xi32>, vector<16xi32>, vector<16xi32>], vector<16xf32>,
        tpu.vector_store_idx %arg10[%broadcast_in_dim3A_1157, %add3A_1148], %gather3A_1158 masked %ge3A_1135 : memref<8x1024xf32, #tpu.memory_space<vmem>>[vector<16xi32>, vector<16xi32>], vector<16xf32>, vector<16xi1>
        %broadcast_in_dim3A_1159 = arith.constant 4 : i32
        %broadcast_in_dim3A_1160 = vector.broadcast %broadcast_in_dim3A_1159 : i32 to vector<16xi32>
        %gather3A_1161 = tpu.vector_load_idx %arg9[%max3A_1140, %broadcast_in_dim3A_1160, %get3A_1144] : memref<5x8x1000xf32, #tpu.memory_space<vmem>>[vector<16xi32>, vector<16xi32>, vector<16xi32>], vector<16xf32>,
        tpu.vector_store_idx %arg10[%broadcast_in_dim3A_1160, %add3A_1148], %gather3A_1161 masked %ge3A_1135 : memref<8x1024xf32, #tpu.memory_space<vmem>>[vector<16xi32>, vector<16xi32>], vector<16xf32>, vector<16xi1>
        %broadcast_in_dim3A_1162 = arith.constant 5 : i32
        %broadcast_in_dim3A_1163 = vector.broadcast %broadcast_in_dim3A_1162 : i32 to vector<16xi32>
        %gather3A_1164 = tpu.vector_load_idx %arg9[%max3A_1140, %broadcast_in_dim3A_1163, %get3A_1144] : memref<5x8x1000xf32, #tpu.memory_space<vmem>>[vector<16xi32>, vector<16xi32>, vector<16xi32>], vector<16xf32>,
        tpu.vector_store_idx %arg10[%broadcast_in_dim3A_1163, %add3A_1148], %gather3A_1164 masked %ge3A_1135 : memref<8x1024xf32, #tpu.memory_space<vmem>>[vector<16xi32>, vector<16xi32>], vector<16xf32>, vector<16xi1>
        %broadcast_in_dim3A_1165 = arith.constant 6 : i32
        %broadcast_in_dim3A_1166 = vector.broadcast %broadcast_in_dim3A_1165 : i32 to vector<16xi32>
        %gather3A_1167 = tpu.vector_load_idx %arg9[%max3A_1140, %broadcast_in_dim3A_1166, %get3A_1144] : memref<5x8x1000xf32, #tpu.memory_space<vmem>>[vector<16xi32>, vector<16xi32>, vector<16xi32>], vector<16xf32>,
        tpu.vector_store_idx %arg10[%broadcast_in_dim3A_1166, %add3A_1148], %gather3A_1167 masked %ge3A_1135 : memref<8x1024xf32, #tpu.memory_space<vmem>>[vector<16xi32>, vector<16xi32>], vector<16xf32>, vector<16xi1>
        %broadcast_in_dim3A_1168 = arith.constant 7 : i32
        %broadcast_in_dim3A_1169 = vector.broadcast %broadcast_in_dim3A_1168 : i32 to vector<16xi32>
        %gather3A_1170 = tpu.vector_load_idx %arg9[%max3A_1140, %broadcast_in_dim3A_1169, %get3A_1144] : memref<5x8x1000xf32, #tpu.memory_space<vmem>>[vector<16xi32>, vector<16xi32>, vector<16xi32>], vector<16xf32>,
        tpu.vector_store_idx %arg10[%broadcast_in_dim3A_1169, %add3A_1148], %gather3A_1170 masked %ge3A_1135 : memref<8x1024xf32, #tpu.memory_space<vmem>>[vector<16xi32>, vector<16xi32>], vector<16xf32>, vector<16xi1>
      }
      %scan3A_653 = arith.constant 64 : i32
      %add3A_654 = arith.constant 1 : i32
      %add3A_655 = arith.addi %add3A_211, %add3A_654 : i32
      %mul3A_656 = arith.constant 3 : i32
      %mul3A_657 = arith.muli %add3A, %mul3A_656 : i32
      %jit3A_658 = arith.constant 4 : i32
      %div3A_659 = arith.divsi %add3A_655, %jit3A_658 : i32
      %sign3A_660 = arith.constant 0 : i32
      %sign3A_661 = arith.cmpi sgt, %add3A_655, %sign3A_660 : i32
      %sign3A_662 = arith.extui %sign3A_661 : i1 to i32
      %sign3A_663 = arith.constant 0 : i32
      %sign3A_664 = arith.cmpi slt, %add3A_655, %sign3A_663 : i32
      %sign3A_665 = arith.extui %sign3A_664 : i1 to i32
      %sign3A_666 = arith.subi %sign3A_662, %sign3A_665 : i32
      %sign3A_667 = arith.constant 0 : i32
      %sign3A_668 = arith.cmpi sgt, %jit3A_658, %sign3A_667 : i32
      %sign3A_669 = arith.extui %sign3A_668 : i1 to i32
      %sign3A_670 = arith.constant 0 : i32
      %sign3A_671 = arith.cmpi slt, %jit3A_658, %sign3A_670 : i32
      %sign3A_672 = arith.extui %sign3A_671 : i1 to i32
      %sign3A_673 = arith.subi %sign3A_669, %sign3A_672 : i32
      %ne3A_674 = arith.cmpi ne, %sign3A_666, %sign3A_673 : i32
      %rem3A_675 = arith.remsi %add3A_655, %jit3A_658 : i32
      %ne3A_676 = arith.constant 0 : i32
      %ne3A_677 = arith.cmpi ne, %rem3A_675, %ne3A_676 : i32
      %and3A_678 = arith.andi %ne3A_674, %ne3A_677 : i1
      %sub3A_679 = arith.constant 1 : i32
      %sub3A_680 = arith.subi %div3A_659, %sub3A_679 : i32
      %select_n3A_681 = arith.select %and3A_678, %sub3A_680, %div3A_659 : i32
      %add3A_682 = arith.addi %mul3A_657, %select_n3A_681 : i32
      %jit3A_683 = arith.constant 4 : i32
      %eq3A_684 = arith.constant 0 : i32
      %eq3A_685 = arith.cmpi eq, %jit3A_683, %eq3A_684 : i32
      %jit3A_686 = arith.constant 1 : i32
      %select_n3A_687 = arith.select %eq3A_685, %jit3A_686, %jit3A_683 : i32
      %rem3A_688 = arith.remsi %add3A_655, %select_n3A_687 : i32
      %ne3A_689 = arith.constant 0 : i32
      %ne3A_690 = arith.cmpi ne, %rem3A_688, %ne3A_689 : i32
      %lt3A_691 = arith.constant 0 : i32
      %lt3A_692 = arith.cmpi slt, %rem3A_688, %lt3A_691 : i32
      %lt3A_693 = arith.constant 0 : i32
      %lt3A_694 = arith.cmpi slt, %select_n3A_687, %lt3A_693 : i32
      %ne3A_695 = arith.xori %lt3A_692, %lt3A_694 : i1
      %and3A_696 = arith.andi %ne3A_695, %ne3A_690 : i1
      %add3A_697 = arith.addi %rem3A_688, %select_n3A_687 : i32
      %select_n3A_698 = arith.select %and3A_696, %add3A_697, %rem3A_688 : i32
      %mul3A_699 = arith.constant 32 : i32
      %mul3A_700 = arith.muli %add3A_682, %mul3A_699 : i32
      %mul3A_701 = arith.constant 8 : i32
      %mul3A_702 = arith.muli %select_n3A_698, %mul3A_701 : i32
      %add3A_703 = arith.addi %mul3A_700, %mul3A_702 : i32
      %multiple_of3A_704 = tpu.assume_multiple %add3A_703, 8 : i32
      %add3A_705 = arith.constant 15360 : i32
      %add3A_706 = arith.addi %add3A_705, %multiple_of3A_704 : i32
      %multiple_of3A_707 = tpu.assume_multiple %add3A_706, 8 : i32
      %dma_start3A_708 = arith.constant 0 : i32
      %dma_start3A_709 = arith.constant 0 : i32
      %dma_start3A_710 = arith.constant 0 : i32
      %dma_start3A_711 = tpu.memref_slice %arg9[%dma_start3A_708, %dma_start3A_709, %dma_start3A_710] : memref<5x8x1000xf32, #tpu.memory_space<vmem>> -> memref<1x8x1000xf32, #tpu.memory_space<vmem>>
      %dma_start3A_712 = tpu.memref_squeeze %dma_start3A_711 : memref<1x8x1000xf32, #tpu.memory_space<vmem>> -> memref<8x1000xf32, #tpu.memory_space<vmem>>
      %dma_start3A_713 = arith.constant 0 : i32
      %dma_start3A_714 = tpu.memref_slice %arg4[%multiple_of3A_707, %dma_start3A_713] : memref<30720x1000xf32, #tpu.memory_space<hbm>> -> memref<8x1000xf32, #tpu.memory_space<hbm>>
      %dma_start3A_715 = arith.constant 0 : i32
      %dma_start3A_716 = arith.constant 0 : i32
      %dma_start3A_717 = tpu.memref_slice %arg9[%dma_start3A_708, %dma_start3A_715, %dma_start3A_716] : memref<5x8x1000xf32, #tpu.memory_space<vmem>> -> memref<1x8x1000xf32, #tpu.memory_space<vmem>>
      %dma_start3A_718 = tpu.memref_squeeze %dma_start3A_717 : memref<1x8x1000xf32, #tpu.memory_space<vmem>> -> memref<8x1000xf32, #tpu.memory_space<vmem>>
      %dma_start3A_719 = arith.constant 0 : i32
      %dma_start3A_720 = tpu.memref_slice %arg4[%multiple_of3A_707, %dma_start3A_719] : memref<30720x1000xf32, #tpu.memory_space<hbm>> -> memref<8x1000xf32, #tpu.memory_space<hbm>>
      tpu.enqueue_dma source(%dma_start3A_720 : memref<8x1000xf32, #tpu.memory_space<hbm>>) target(%dma_start3A_718 : memref<8x1000xf32, #tpu.memory_space<vmem>>) target_semaphore(%arg13 : memref<!tpu.dma_semaphore, #tpu.memory_space<semaphore_mem>>)
      %add3A_721 = arith.constant 18432 : i32
      %add3A_722 = arith.addi %add3A_721, %multiple_of3A_704 : i32
      %multiple_of3A_723 = tpu.assume_multiple %add3A_722, 8 : i32
      %dma_start3A_724 = arith.constant 1 : i32
      %dma_start3A_725 = arith.constant 0 : i32
      %dma_start3A_726 = arith.constant 0 : i32
      %dma_start3A_727 = tpu.memref_slice %arg9[%dma_start3A_724, %dma_start3A_725, %dma_start3A_726] : memref<5x8x1000xf32, #tpu.memory_space<vmem>> -> memref<1x8x1000xf32, #tpu.memory_space<vmem>>
      %dma_start3A_728 = tpu.memref_squeeze %dma_start3A_727 : memref<1x8x1000xf32, #tpu.memory_space<vmem>> -> memref<8x1000xf32, #tpu.memory_space<vmem>>
      %dma_start3A_729 = arith.constant 0 : i32
      %dma_start3A_730 = tpu.memref_slice %arg4[%multiple_of3A_723, %dma_start3A_729] : memref<30720x1000xf32, #tpu.memory_space<hbm>> -> memref<8x1000xf32, #tpu.memory_space<hbm>>
      %dma_start3A_731 = arith.constant 0 : i32
      %dma_start3A_732 = arith.constant 0 : i32
      %dma_start3A_733 = tpu.memref_slice %arg9[%dma_start3A_724, %dma_start3A_731, %dma_start3A_732] : memref<5x8x1000xf32, #tpu.memory_space<vmem>> -> memref<1x8x1000xf32, #tpu.memory_space<vmem>>
      %dma_start3A_734 = tpu.memref_squeeze %dma_start3A_733 : memref<1x8x1000xf32, #tpu.memory_space<vmem>> -> memref<8x1000xf32, #tpu.memory_space<vmem>>
      %dma_start3A_735 = arith.constant 0 : i32
      %dma_start3A_736 = tpu.memref_slice %arg4[%multiple_of3A_723, %dma_start3A_735] : memref<30720x1000xf32, #tpu.memory_space<hbm>> -> memref<8x1000xf32, #tpu.memory_space<hbm>>
      tpu.enqueue_dma source(%dma_start3A_736 : memref<8x1000xf32, #tpu.memory_space<hbm>>) target(%dma_start3A_734 : memref<8x1000xf32, #tpu.memory_space<vmem>>) target_semaphore(%arg13 : memref<!tpu.dma_semaphore, #tpu.memory_space<semaphore_mem>>)
      %add3A_737 = arith.constant 21504 : i32
      %add3A_738 = arith.addi %add3A_737, %multiple_of3A_704 : i32
      %multiple_of3A_739 = tpu.assume_multiple %add3A_738, 8 : i32
      %dma_start3A_740 = arith.constant 2 : i32
      %dma_start3A_741 = arith.constant 0 : i32
      %dma_start3A_742 = arith.constant 0 : i32
      %dma_start3A_743 = tpu.memref_slice %arg9[%dma_start3A_740, %dma_start3A_741, %dma_start3A_742] : memref<5x8x1000xf32, #tpu.memory_space<vmem>> -> memref<1x8x1000xf32, #tpu.memory_space<vmem>>
      %dma_start3A_744 = tpu.memref_squeeze %dma_start3A_743 : memref<1x8x1000xf32, #tpu.memory_space<vmem>> -> memref<8x1000xf32, #tpu.memory_space<vmem>>
      %dma_start3A_745 = arith.constant 0 : i32
      %dma_start3A_746 = tpu.memref_slice %arg4[%multiple_of3A_739, %dma_start3A_745] : memref<30720x1000xf32, #tpu.memory_space<hbm>> -> memref<8x1000xf32, #tpu.memory_space<hbm>>
      %dma_start3A_747 = arith.constant 0 : i32
      %dma_start3A_748 = arith.constant 0 : i32
      %dma_start3A_749 = tpu.memref_slice %arg9[%dma_start3A_740, %dma_start3A_747, %dma_start3A_748] : memref<5x8x1000xf32, #tpu.memory_space<vmem>> -> memref<1x8x1000xf32, #tpu.memory_space<vmem>>
      %dma_start3A_750 = tpu.memref_squeeze %dma_start3A_749 : memref<1x8x1000xf32, #tpu.memory_space<vmem>> -> memref<8x1000xf32, #tpu.memory_space<vmem>>
      %dma_start3A_751 = arith.constant 0 : i32
      %dma_start3A_752 = tpu.memref_slice %arg4[%multiple_of3A_739, %dma_start3A_751] : memref<30720x1000xf32, #tpu.memory_space<hbm>> -> memref<8x1000xf32, #tpu.memory_space<hbm>>
      tpu.enqueue_dma source(%dma_start3A_752 : memref<8x1000xf32, #tpu.memory_space<hbm>>) target(%dma_start3A_750 : memref<8x1000xf32, #tpu.memory_space<vmem>>) target_semaphore(%arg13 : memref<!tpu.dma_semaphore, #tpu.memory_space<semaphore_mem>>)
      %add3A_753 = arith.constant 24576 : i32
      %add3A_754 = arith.addi %add3A_753, %multiple_of3A_704 : i32
      %multiple_of3A_755 = tpu.assume_multiple %add3A_754, 8 : i32
      %dma_start3A_756 = arith.constant 3 : i32
      %dma_start3A_757 = arith.constant 0 : i32
      %dma_start3A_758 = arith.constant 0 : i32
      %dma_start3A_759 = tpu.memref_slice %arg9[%dma_start3A_756, %dma_start3A_757, %dma_start3A_758] : memref<5x8x1000xf32, #tpu.memory_space<vmem>> -> memref<1x8x1000xf32, #tpu.memory_space<vmem>>
      %dma_start3A_760 = tpu.memref_squeeze %dma_start3A_759 : memref<1x8x1000xf32, #tpu.memory_space<vmem>> -> memref<8x1000xf32, #tpu.memory_space<vmem>>
      %dma_start3A_761 = arith.constant 0 : i32
      %dma_start3A_762 = tpu.memref_slice %arg4[%multiple_of3A_755, %dma_start3A_761] : memref<30720x1000xf32, #tpu.memory_space<hbm>> -> memref<8x1000xf32, #tpu.memory_space<hbm>>
      %dma_start3A_763 = arith.constant 0 : i32
      %dma_start3A_764 = arith.constant 0 : i32
      %dma_start3A_765 = tpu.memref_slice %arg9[%dma_start3A_756, %dma_start3A_763, %dma_start3A_764] : memref<5x8x1000xf32, #tpu.memory_space<vmem>> -> memref<1x8x1000xf32, #tpu.memory_space<vmem>>
      %dma_start3A_766 = tpu.memref_squeeze %dma_start3A_765 : memref<1x8x1000xf32, #tpu.memory_space<vmem>> -> memref<8x1000xf32, #tpu.memory_space<vmem>>
      %dma_start3A_767 = arith.constant 0 : i32
      %dma_start3A_768 = tpu.memref_slice %arg4[%multiple_of3A_755, %dma_start3A_767] : memref<30720x1000xf32, #tpu.memory_space<hbm>> -> memref<8x1000xf32, #tpu.memory_space<hbm>>
      tpu.enqueue_dma source(%dma_start3A_768 : memref<8x1000xf32, #tpu.memory_space<hbm>>) target(%dma_start3A_766 : memref<8x1000xf32, #tpu.memory_space<vmem>>) target_semaphore(%arg13 : memref<!tpu.dma_semaphore, #tpu.memory_space<semaphore_mem>>)
      %add3A_769 = arith.constant 27648 : i32
      %add3A_770 = arith.addi %add3A_769, %multiple_of3A_704 : i32
      %multiple_of3A_771 = tpu.assume_multiple %add3A_770, 8 : i32
      %dma_start3A_772 = arith.constant 4 : i32
      %dma_start3A_773 = arith.constant 0 : i32
      %dma_start3A_774 = arith.constant 0 : i32
      %dma_start3A_775 = tpu.memref_slice %arg9[%dma_start3A_772, %dma_start3A_773, %dma_start3A_774] : memref<5x8x1000xf32, #tpu.memory_space<vmem>> -> memref<1x8x1000xf32, #tpu.memory_space<vmem>>
      %dma_start3A_776 = tpu.memref_squeeze %dma_start3A_775 : memref<1x8x1000xf32, #tpu.memory_space<vmem>> -> memref<8x1000xf32, #tpu.memory_space<vmem>>
      %dma_start3A_777 = arith.constant 0 : i32
      %dma_start3A_778 = tpu.memref_slice %arg4[%multiple_of3A_771, %dma_start3A_777] : memref<30720x1000xf32, #tpu.memory_space<hbm>> -> memref<8x1000xf32, #tpu.memory_space<hbm>>
      %dma_start3A_779 = arith.constant 0 : i32
      %dma_start3A_780 = arith.constant 0 : i32
      %dma_start3A_781 = tpu.memref_slice %arg9[%dma_start3A_772, %dma_start3A_779, %dma_start3A_780] : memref<5x8x1000xf32, #tpu.memory_space<vmem>> -> memref<1x8x1000xf32, #tpu.memory_space<vmem>>
      %dma_start3A_782 = tpu.memref_squeeze %dma_start3A_781 : memref<1x8x1000xf32, #tpu.memory_space<vmem>> -> memref<8x1000xf32, #tpu.memory_space<vmem>>
      %dma_start3A_783 = arith.constant 0 : i32
      %dma_start3A_784 = tpu.memref_slice %arg4[%multiple_of3A_771, %dma_start3A_783] : memref<30720x1000xf32, #tpu.memory_space<hbm>> -> memref<8x1000xf32, #tpu.memory_space<hbm>>
      tpu.enqueue_dma source(%dma_start3A_784 : memref<8x1000xf32, #tpu.memory_space<hbm>>) target(%dma_start3A_782 : memref<8x1000xf32, #tpu.memory_space<vmem>>) target_semaphore(%arg13 : memref<!tpu.dma_semaphore, #tpu.memory_space<semaphore_mem>>)
      %dma_start3A_785 = arith.constant 0 : i32
      %dma_start3A_786 = tpu.memref_slice %arg5[%multiple_of3A_252, %dma_start3A_785] : memref<3072x1024xf32, #tpu.memory_space<hbm>> -> memref<8x1024xf32, #tpu.memory_space<hbm>>
      %dma_start3A_787 = arith.constant 0 : i32
      %dma_start3A_788 = tpu.memref_slice %arg5[%multiple_of3A_252, %dma_start3A_787] : memref<3072x1024xf32, #tpu.memory_space<hbm>> -> memref<8x1024xf32, #tpu.memory_space<hbm>>
      tpu.enqueue_dma source(%arg10 : memref<8x1024xf32, #tpu.memory_space<vmem>>) target(%dma_start3A_788 : memref<8x1024xf32, #tpu.memory_space<hbm>>) target_semaphore(%arg14 : memref<!tpu.dma_semaphore, #tpu.memory_space<semaphore_mem>>)
      %mul3A_789 = arith.constant 2 : i32
      %mul3A_790 = arith.muli %mul3A_789, %scan3A_207 : i32
      %add3A_791 = arith.constant 1 : i32
      %add3A_792 = arith.addi %mul3A_790, %add3A_791 : i32
      %ge3A_793 = arith.constant 1 : i32
      %ge3A_794 = arith.cmpi sge, %scan3A_207, %ge3A_793 : i32
      %convert_element_type3A_795 = arith.extui %ge3A_794 : i1 to i32
      %cond3A_796 = arith.constant 0 : i32
      %cond3A_797 = arith.cmpi ne, %convert_element_type3A_795, %cond3A_796 : i32
      scf.if %cond3A_797 {
        %sub3A_1129 = arith.constant 2 : i32
        %sub3A_1130 = arith.subi %add3A_792, %sub3A_1129 : i32
        %mul3A_1131 = arith.constant 3 : i32
        %mul3A_1132 = arith.muli %add3A, %mul3A_1131 : i32
        %jit3A_1133 = arith.constant 4 : i32
        %div3A_1134 = arith.divsi %sub3A_1130, %jit3A_1133 : i32
        %sign3A_1135 = arith.constant 0 : i32
        %sign3A_1136 = arith.cmpi sgt, %sub3A_1130, %sign3A_1135 : i32
        %sign3A_1137 = arith.extui %sign3A_1136 : i1 to i32
        %sign3A_1138 = arith.constant 0 : i32
        %sign3A_1139 = arith.cmpi slt, %sub3A_1130, %sign3A_1138 : i32
        %sign3A_1140 = arith.extui %sign3A_1139 : i1 to i32
        %sign3A_1141 = arith.subi %sign3A_1137, %sign3A_1140 : i32
        %sign3A_1142 = arith.constant 0 : i32
        %sign3A_1143 = arith.cmpi sgt, %jit3A_1133, %sign3A_1142 : i32
        %sign3A_1144 = arith.extui %sign3A_1143 : i1 to i32
        %sign3A_1145 = arith.constant 0 : i32
        %sign3A_1146 = arith.cmpi slt, %jit3A_1133, %sign3A_1145 : i32
        %sign3A_1147 = arith.extui %sign3A_1146 : i1 to i32
        %sign3A_1148 = arith.subi %sign3A_1144, %sign3A_1147 : i32
        %ne3A_1149 = arith.cmpi ne, %sign3A_1141, %sign3A_1148 : i32
        %rem3A_1150 = arith.remsi %sub3A_1130, %jit3A_1133 : i32
        %ne3A_1151 = arith.constant 0 : i32
        %ne3A_1152 = arith.cmpi ne, %rem3A_1150, %ne3A_1151 : i32
        %and3A_1153 = arith.andi %ne3A_1149, %ne3A_1152 : i1
        %sub3A_1154 = arith.constant 1 : i32
        %sub3A_1155 = arith.subi %div3A_1134, %sub3A_1154 : i32
        %select_n3A_1156 = arith.select %and3A_1153, %sub3A_1155, %div3A_1134 : i32
        %add3A_1157 = arith.addi %mul3A_1132, %select_n3A_1156 : i32
        %jit3A_1158 = arith.constant 4 : i32
        %eq3A_1159 = arith.constant 0 : i32
        %eq3A_1160 = arith.cmpi eq, %jit3A_1158, %eq3A_1159 : i32
        %jit3A_1161 = arith.constant 1 : i32
        %select_n3A_1162 = arith.select %eq3A_1160, %jit3A_1161, %jit3A_1158 : i32
        %rem3A_1163 = arith.remsi %sub3A_1130, %select_n3A_1162 : i32
        %ne3A_1164 = arith.constant 0 : i32
        %ne3A_1165 = arith.cmpi ne, %rem3A_1163, %ne3A_1164 : i32
        %lt3A_1166 = arith.constant 0 : i32
        %lt3A_1167 = arith.cmpi slt, %rem3A_1163, %lt3A_1166 : i32
        %lt3A_1168 = arith.constant 0 : i32
        %lt3A_1169 = arith.cmpi slt, %select_n3A_1162, %lt3A_1168 : i32
        %ne3A_1170 = arith.xori %lt3A_1167, %lt3A_1169 : i1
        %and3A_1171 = arith.andi %ne3A_1170, %ne3A_1165 : i1
        %add3A_1172 = arith.addi %rem3A_1163, %select_n3A_1162 : i32
        %select_n3A_1173 = arith.select %and3A_1171, %add3A_1172, %rem3A_1163 : i32
        %mul3A_1174 = arith.constant 32 : i32
        %mul3A_1175 = arith.muli %add3A_1157, %mul3A_1174 : i32
        %mul3A_1176 = arith.constant 8 : i32
        %mul3A_1177 = arith.muli %select_n3A_1173, %mul3A_1176 : i32
        %add3A_1178 = arith.addi %mul3A_1175, %mul3A_1177 : i32
        %multiple_of3A_1179 = tpu.assume_multiple %add3A_1178, 8 : i32
        %dma_wait3A_1180 = arith.constant 0 : i32
        %dma_wait3A_1181 = tpu.memref_slice %arg5[%multiple_of3A_1179, %dma_wait3A_1180] : memref<3072x1024xf32, #tpu.memory_space<hbm>> -> memref<8x1024xf32, #tpu.memory_space<hbm>>
        %dma_wait3A_1182 = arith.constant 0 : i32
        %dma_wait3A_1183 = tpu.memref_slice %arg5[%multiple_of3A_1179, %dma_wait3A_1182] : memref<3072x1024xf32, #tpu.memory_space<hbm>> -> memref<8x1024xf32, #tpu.memory_space<hbm>>
        tpu.wait_dma2 semaphore(%arg14 : memref<!tpu.dma_semaphore, #tpu.memory_space<semaphore_mem>>) src(%arg11 : memref<8x1024xf32, #tpu.memory_space<vmem>>) dst(%dma_wait3A_1183 : memref<8x1024xf32, #tpu.memory_space<hbm>>)
      } else {
      }
      %lt3A_798 = arith.constant 5 : i32
      %lt3A_799 = arith.cmpi slt, %scan3A_207, %lt3A_798 : i32
      %mul3A_800 = arith.constant 3 : i32
      %mul3A_801 = arith.muli %add3A, %mul3A_800 : i32
      %jit3A_802 = arith.constant 4 : i32
      %div3A_803 = arith.divsi %add3A_792, %jit3A_802 : i32
      %sign3A_804 = arith.constant 0 : i32
      %sign3A_805 = arith.cmpi sgt, %add3A_792, %sign3A_804 : i32
      %sign3A_806 = arith.extui %sign3A_805 : i1 to i32
      %sign3A_807 = arith.constant 0 : i32
      %sign3A_808 = arith.cmpi slt, %add3A_792, %sign3A_807 : i32
      %sign3A_809 = arith.extui %sign3A_808 : i1 to i32
      %sign3A_810 = arith.subi %sign3A_806, %sign3A_809 : i32
      %sign3A_811 = arith.constant 0 : i32
      %sign3A_812 = arith.cmpi sgt, %jit3A_802, %sign3A_811 : i32
      %sign3A_813 = arith.extui %sign3A_812 : i1 to i32
      %sign3A_814 = arith.constant 0 : i32
      %sign3A_815 = arith.cmpi slt, %jit3A_802, %sign3A_814 : i32
      %sign3A_816 = arith.extui %sign3A_815 : i1 to i32
      %sign3A_817 = arith.subi %sign3A_813, %sign3A_816 : i32
      %ne3A_818 = arith.cmpi ne, %sign3A_810, %sign3A_817 : i32
      %rem3A_819 = arith.remsi %add3A_792, %jit3A_802 : i32
      %ne3A_820 = arith.constant 0 : i32
      %ne3A_821 = arith.cmpi ne, %rem3A_819, %ne3A_820 : i32
      %and3A_822 = arith.andi %ne3A_818, %ne3A_821 : i1
      %sub3A_823 = arith.constant 1 : i32
      %sub3A_824 = arith.subi %div3A_803, %sub3A_823 : i32
      %select_n3A_825 = arith.select %and3A_822, %sub3A_824, %div3A_803 : i32
      %add3A_826 = arith.addi %mul3A_801, %select_n3A_825 : i32
      %jit3A_827 = arith.constant 4 : i32
      %eq3A_828 = arith.constant 0 : i32
      %eq3A_829 = arith.cmpi eq, %jit3A_827, %eq3A_828 : i32
      %jit3A_830 = arith.constant 1 : i32
      %select_n3A_831 = arith.select %eq3A_829, %jit3A_830, %jit3A_827 : i32
      %rem3A_832 = arith.remsi %add3A_792, %select_n3A_831 : i32
      %ne3A_833 = arith.constant 0 : i32
      %ne3A_834 = arith.cmpi ne, %rem3A_832, %ne3A_833 : i32
      %lt3A_835 = arith.constant 0 : i32
      %lt3A_836 = arith.cmpi slt, %rem3A_832, %lt3A_835 : i32
      %lt3A_837 = arith.constant 0 : i32
      %lt3A_838 = arith.cmpi slt, %select_n3A_831, %lt3A_837 : i32
      %ne3A_839 = arith.xori %lt3A_836, %lt3A_838 : i1
      %and3A_840 = arith.andi %ne3A_839, %ne3A_834 : i1
      %add3A_841 = arith.addi %rem3A_832, %select_n3A_831 : i32
      %select_n3A_842 = arith.select %and3A_840, %add3A_841, %rem3A_832 : i32
      %mul3A_843 = arith.constant 32 : i32
      %mul3A_844 = arith.muli %add3A_826, %mul3A_843 : i32
      %mul3A_845 = arith.constant 8 : i32
      %mul3A_846 = arith.muli %select_n3A_842, %mul3A_845 : i32
      %add3A_847 = arith.addi %mul3A_844, %mul3A_846 : i32
      %multiple_of3A_848 = tpu.assume_multiple %add3A_847, 8 : i32
      %mul3A_849 = arith.constant 3 : i32
      %mul3A_850 = arith.muli %add3A, %mul3A_849 : i32
      %jit3A_851 = arith.constant 4 : i32
      %div3A_852 = arith.divsi %add3A_792, %jit3A_851 : i32
      %sign3A_853 = arith.constant 0 : i32
      %sign3A_854 = arith.cmpi sgt, %add3A_792, %sign3A_853 : i32
      %sign3A_855 = arith.extui %sign3A_854 : i1 to i32
      %sign3A_856 = arith.constant 0 : i32
      %sign3A_857 = arith.cmpi slt, %add3A_792, %sign3A_856 : i32
      %sign3A_858 = arith.extui %sign3A_857 : i1 to i32
      %sign3A_859 = arith.subi %sign3A_855, %sign3A_858 : i32
      %sign3A_860 = arith.constant 0 : i32
      %sign3A_861 = arith.cmpi sgt, %jit3A_851, %sign3A_860 : i32
      %sign3A_862 = arith.extui %sign3A_861 : i1 to i32
      %sign3A_863 = arith.constant 0 : i32
      %sign3A_864 = arith.cmpi slt, %jit3A_851, %sign3A_863 : i32
      %sign3A_865 = arith.extui %sign3A_864 : i1 to i32
      %sign3A_866 = arith.subi %sign3A_862, %sign3A_865 : i32
      %ne3A_867 = arith.cmpi ne, %sign3A_859, %sign3A_866 : i32
      %rem3A_868 = arith.remsi %add3A_792, %jit3A_851 : i32
      %ne3A_869 = arith.constant 0 : i32
      %ne3A_870 = arith.cmpi ne, %rem3A_868, %ne3A_869 : i32
      %and3A_871 = arith.andi %ne3A_867, %ne3A_870 : i1
      %sub3A_872 = arith.constant 1 : i32
      %sub3A_873 = arith.subi %div3A_852, %sub3A_872 : i32
      %select_n3A_874 = arith.select %and3A_871, %sub3A_873, %div3A_852 : i32
      %add3A_875 = arith.addi %mul3A_850, %select_n3A_874 : i32
      %jit3A_876 = arith.constant 4 : i32
      %eq3A_877 = arith.constant 0 : i32
      %eq3A_878 = arith.cmpi eq, %jit3A_876, %eq3A_877 : i32
      %jit3A_879 = arith.constant 1 : i32
      %select_n3A_880 = arith.select %eq3A_878, %jit3A_879, %jit3A_876 : i32
      %rem3A_881 = arith.remsi %add3A_792, %select_n3A_880 : i32
      %ne3A_882 = arith.constant 0 : i32
      %ne3A_883 = arith.cmpi ne, %rem3A_881, %ne3A_882 : i32
      %lt3A_884 = arith.constant 0 : i32
      %lt3A_885 = arith.cmpi slt, %rem3A_881, %lt3A_884 : i32
      %lt3A_886 = arith.constant 0 : i32
      %lt3A_887 = arith.cmpi slt, %select_n3A_880, %lt3A_886 : i32
      %ne3A_888 = arith.xori %lt3A_885, %lt3A_887 : i1
      %and3A_889 = arith.andi %ne3A_888, %ne3A_883 : i1
      %add3A_890 = arith.addi %rem3A_881, %select_n3A_880 : i32
      %select_n3A_891 = arith.select %and3A_889, %add3A_890, %rem3A_881 : i32
      %mul3A_892 = arith.constant 32 : i32
      %mul3A_893 = arith.muli %add3A_875, %mul3A_892 : i32
      %mul3A_894 = arith.constant 8 : i32
      %mul3A_895 = arith.muli %select_n3A_891, %mul3A_894 : i32
      %add3A_896 = arith.addi %mul3A_893, %mul3A_895 : i32
      %multiple_of3A_897 = tpu.assume_multiple %add3A_896, 8 : i32
      %add3A_898 = arith.constant 0 : i32
      %add3A_899 = arith.addi %add3A_898, %multiple_of3A_897 : i32
      %multiple_of3A_900 = tpu.assume_multiple %add3A_899, 8 : i32
      %dma_wait3A_901 = arith.constant 0 : i32
      %dma_wait3A_902 = arith.constant 0 : i32
      %dma_wait3A_903 = arith.constant 0 : i32
      %dma_wait3A_904 = tpu.memref_slice %arg8[%dma_wait3A_901, %dma_wait3A_902, %dma_wait3A_903] : memref<5x8x1000xf32, #tpu.memory_space<vmem>> -> memref<1x8x1000xf32, #tpu.memory_space<vmem>>
      %dma_wait3A_905 = tpu.memref_squeeze %dma_wait3A_904 : memref<1x8x1000xf32, #tpu.memory_space<vmem>> -> memref<8x1000xf32, #tpu.memory_space<vmem>>
      %dma_wait3A_906 = arith.constant 0 : i32
      %dma_wait3A_907 = tpu.memref_slice %arg4[%multiple_of3A_900, %dma_wait3A_906] : memref<30720x1000xf32, #tpu.memory_space<hbm>> -> memref<8x1000xf32, #tpu.memory_space<hbm>>
      %dma_wait3A_908 = arith.constant 0 : i32
      %dma_wait3A_909 = arith.constant 0 : i32
      %dma_wait3A_910 = tpu.memref_slice %arg8[%dma_wait3A_901, %dma_wait3A_908, %dma_wait3A_909] : memref<5x8x1000xf32, #tpu.memory_space<vmem>> -> memref<1x8x1000xf32, #tpu.memory_space<vmem>>
      %dma_wait3A_911 = tpu.memref_squeeze %dma_wait3A_910 : memref<1x8x1000xf32, #tpu.memory_space<vmem>> -> memref<8x1000xf32, #tpu.memory_space<vmem>>
      %dma_wait3A_912 = arith.constant 0 : i32
      %dma_wait3A_913 = tpu.memref_slice %arg4[%multiple_of3A_900, %dma_wait3A_912] : memref<30720x1000xf32, #tpu.memory_space<hbm>> -> memref<8x1000xf32, #tpu.memory_space<hbm>>
      tpu.wait_dma2 semaphore(%arg12 : memref<!tpu.dma_semaphore, #tpu.memory_space<semaphore_mem>>) src(%dma_wait3A_913 : memref<8x1000xf32, #tpu.memory_space<hbm>>) dst(%dma_wait3A_911 : memref<8x1000xf32, #tpu.memory_space<vmem>>)
      %add3A_914 = arith.constant 3072 : i32
      %add3A_915 = arith.addi %add3A_914, %multiple_of3A_897 : i32
      %multiple_of3A_916 = tpu.assume_multiple %add3A_915, 8 : i32
      %dma_wait3A_917 = arith.constant 1 : i32
      %dma_wait3A_918 = arith.constant 0 : i32
      %dma_wait3A_919 = arith.constant 0 : i32
      %dma_wait3A_920 = tpu.memref_slice %arg8[%dma_wait3A_917, %dma_wait3A_918, %dma_wait3A_919] : memref<5x8x1000xf32, #tpu.memory_space<vmem>> -> memref<1x8x1000xf32, #tpu.memory_space<vmem>>
      %dma_wait3A_921 = tpu.memref_squeeze %dma_wait3A_920 : memref<1x8x1000xf32, #tpu.memory_space<vmem>> -> memref<8x1000xf32, #tpu.memory_space<vmem>>
      %dma_wait3A_922 = arith.constant 0 : i32
      %dma_wait3A_923 = tpu.memref_slice %arg4[%multiple_of3A_916, %dma_wait3A_922] : memref<30720x1000xf32, #tpu.memory_space<hbm>> -> memref<8x1000xf32, #tpu.memory_space<hbm>>
      %dma_wait3A_924 = arith.constant 0 : i32
      %dma_wait3A_925 = arith.constant 0 : i32
      %dma_wait3A_926 = tpu.memref_slice %arg8[%dma_wait3A_917, %dma_wait3A_924, %dma_wait3A_925] : memref<5x8x1000xf32, #tpu.memory_space<vmem>> -> memref<1x8x1000xf32, #tpu.memory_space<vmem>>
      %dma_wait3A_927 = tpu.memref_squeeze %dma_wait3A_926 : memref<1x8x1000xf32, #tpu.memory_space<vmem>> -> memref<8x1000xf32, #tpu.memory_space<vmem>>
      %dma_wait3A_928 = arith.constant 0 : i32
      %dma_wait3A_929 = tpu.memref_slice %arg4[%multiple_of3A_916, %dma_wait3A_928] : memref<30720x1000xf32, #tpu.memory_space<hbm>> -> memref<8x1000xf32, #tpu.memory_space<hbm>>
      tpu.wait_dma2 semaphore(%arg12 : memref<!tpu.dma_semaphore, #tpu.memory_space<semaphore_mem>>) src(%dma_wait3A_929 : memref<8x1000xf32, #tpu.memory_space<hbm>>) dst(%dma_wait3A_927 : memref<8x1000xf32, #tpu.memory_space<vmem>>)
      %add3A_930 = arith.constant 6144 : i32
      %add3A_931 = arith.addi %add3A_930, %multiple_of3A_897 : i32
      %multiple_of3A_932 = tpu.assume_multiple %add3A_931, 8 : i32
      %dma_wait3A_933 = arith.constant 2 : i32
      %dma_wait3A_934 = arith.constant 0 : i32
      %dma_wait3A_935 = arith.constant 0 : i32
      %dma_wait3A_936 = tpu.memref_slice %arg8[%dma_wait3A_933, %dma_wait3A_934, %dma_wait3A_935] : memref<5x8x1000xf32, #tpu.memory_space<vmem>> -> memref<1x8x1000xf32, #tpu.memory_space<vmem>>
      %dma_wait3A_937 = tpu.memref_squeeze %dma_wait3A_936 : memref<1x8x1000xf32, #tpu.memory_space<vmem>> -> memref<8x1000xf32, #tpu.memory_space<vmem>>
      %dma_wait3A_938 = arith.constant 0 : i32
      %dma_wait3A_939 = tpu.memref_slice %arg4[%multiple_of3A_932, %dma_wait3A_938] : memref<30720x1000xf32, #tpu.memory_space<hbm>> -> memref<8x1000xf32, #tpu.memory_space<hbm>>
      %dma_wait3A_940 = arith.constant 0 : i32
      %dma_wait3A_941 = arith.constant 0 : i32
      %dma_wait3A_942 = tpu.memref_slice %arg8[%dma_wait3A_933, %dma_wait3A_940, %dma_wait3A_941] : memref<5x8x1000xf32, #tpu.memory_space<vmem>> -> memref<1x8x1000xf32, #tpu.memory_space<vmem>>
      %dma_wait3A_943 = tpu.memref_squeeze %dma_wait3A_942 : memref<1x8x1000xf32, #tpu.memory_space<vmem>> -> memref<8x1000xf32, #tpu.memory_space<vmem>>
      %dma_wait3A_944 = arith.constant 0 : i32
      %dma_wait3A_945 = tpu.memref_slice %arg4[%multiple_of3A_932, %dma_wait3A_944] : memref<30720x1000xf32, #tpu.memory_space<hbm>> -> memref<8x1000xf32, #tpu.memory_space<hbm>>
      tpu.wait_dma2 semaphore(%arg12 : memref<!tpu.dma_semaphore, #tpu.memory_space<semaphore_mem>>) src(%dma_wait3A_945 : memref<8x1000xf32, #tpu.memory_space<hbm>>) dst(%dma_wait3A_943 : memref<8x1000xf32, #tpu.memory_space<vmem>>)
      %add3A_946 = arith.constant 9216 : i32
      %add3A_947 = arith.addi %add3A_946, %multiple_of3A_897 : i32
      %multiple_of3A_948 = tpu.assume_multiple %add3A_947, 8 : i32
      %dma_wait3A_949 = arith.constant 3 : i32
      %dma_wait3A_950 = arith.constant 0 : i32
      %dma_wait3A_951 = arith.constant 0 : i32
      %dma_wait3A_952 = tpu.memref_slice %arg8[%dma_wait3A_949, %dma_wait3A_950, %dma_wait3A_951] : memref<5x8x1000xf32, #tpu.memory_space<vmem>> -> memref<1x8x1000xf32, #tpu.memory_space<vmem>>
      %dma_wait3A_953 = tpu.memref_squeeze %dma_wait3A_952 : memref<1x8x1000xf32, #tpu.memory_space<vmem>> -> memref<8x1000xf32, #tpu.memory_space<vmem>>
      %dma_wait3A_954 = arith.constant 0 : i32
      %dma_wait3A_955 = tpu.memref_slice %arg4[%multiple_of3A_948, %dma_wait3A_954] : memref<30720x1000xf32, #tpu.memory_space<hbm>> -> memref<8x1000xf32, #tpu.memory_space<hbm>>
      %dma_wait3A_956 = arith.constant 0 : i32
      %dma_wait3A_957 = arith.constant 0 : i32
      %dma_wait3A_958 = tpu.memref_slice %arg8[%dma_wait3A_949, %dma_wait3A_956, %dma_wait3A_957] : memref<5x8x1000xf32, #tpu.memory_space<vmem>> -> memref<1x8x1000xf32, #tpu.memory_space<vmem>>
      %dma_wait3A_959 = tpu.memref_squeeze %dma_wait3A_958 : memref<1x8x1000xf32, #tpu.memory_space<vmem>> -> memref<8x1000xf32, #tpu.memory_space<vmem>>
      %dma_wait3A_960 = arith.constant 0 : i32
      %dma_wait3A_961 = tpu.memref_slice %arg4[%multiple_of3A_948, %dma_wait3A_960] : memref<30720x1000xf32, #tpu.memory_space<hbm>> -> memref<8x1000xf32, #tpu.memory_space<hbm>>
      tpu.wait_dma2 semaphore(%arg12 : memref<!tpu.dma_semaphore, #tpu.memory_space<semaphore_mem>>) src(%dma_wait3A_961 : memref<8x1000xf32, #tpu.memory_space<hbm>>) dst(%dma_wait3A_959 : memref<8x1000xf32, #tpu.memory_space<vmem>>)
      %add3A_962 = arith.constant 12288 : i32
      %add3A_963 = arith.addi %add3A_962, %multiple_of3A_897 : i32
      %multiple_of3A_964 = tpu.assume_multiple %add3A_963, 8 : i32
      %dma_wait3A_965 = arith.constant 4 : i32
      %dma_wait3A_966 = arith.constant 0 : i32
      %dma_wait3A_967 = arith.constant 0 : i32
      %dma_wait3A_968 = tpu.memref_slice %arg8[%dma_wait3A_965, %dma_wait3A_966, %dma_wait3A_967] : memref<5x8x1000xf32, #tpu.memory_space<vmem>> -> memref<1x8x1000xf32, #tpu.memory_space<vmem>>
      %dma_wait3A_969 = tpu.memref_squeeze %dma_wait3A_968 : memref<1x8x1000xf32, #tpu.memory_space<vmem>> -> memref<8x1000xf32, #tpu.memory_space<vmem>>
      %dma_wait3A_970 = arith.constant 0 : i32
      %dma_wait3A_971 = tpu.memref_slice %arg4[%multiple_of3A_964, %dma_wait3A_970] : memref<30720x1000xf32, #tpu.memory_space<hbm>> -> memref<8x1000xf32, #tpu.memory_space<hbm>>
      %dma_wait3A_972 = arith.constant 0 : i32
      %dma_wait3A_973 = arith.constant 0 : i32
      %dma_wait3A_974 = tpu.memref_slice %arg8[%dma_wait3A_965, %dma_wait3A_972, %dma_wait3A_973] : memref<5x8x1000xf32, #tpu.memory_space<vmem>> -> memref<1x8x1000xf32, #tpu.memory_space<vmem>>
      %dma_wait3A_975 = tpu.memref_squeeze %dma_wait3A_974 : memref<1x8x1000xf32, #tpu.memory_space<vmem>> -> memref<8x1000xf32, #tpu.memory_space<vmem>>
      %dma_wait3A_976 = arith.constant 0 : i32
      %dma_wait3A_977 = tpu.memref_slice %arg4[%multiple_of3A_964, %dma_wait3A_976] : memref<30720x1000xf32, #tpu.memory_space<hbm>> -> memref<8x1000xf32, #tpu.memory_space<hbm>>
      tpu.wait_dma2 semaphore(%arg12 : memref<!tpu.dma_semaphore, #tpu.memory_space<semaphore_mem>>) src(%dma_wait3A_977 : memref<8x1000xf32, #tpu.memory_space<hbm>>) dst(%dma_wait3A_975 : memref<8x1000xf32, #tpu.memory_space<vmem>>)
      %scan3A_978 = arith.constant 0 : i32
      %scan3A_979 = arith.constant 0 : i32
      %scan3A_980 = arith.constant 64 : i32
      %scan3A_981 = arith.addi %scan3A_979, %scan3A_980 : i32
      %scan3A_982 = arith.constant 1 : i32
      scf.for %scan3A_1129 = %scan3A_979 to %scan3A_981 step %scan3A_982  : i32 {
        %mul3A_1130 = arith.constant 16 : i32
        %mul3A_1131 = arith.muli %scan3A_1129, %mul3A_1130 : i32
        %get3A = arith.index_cast %mul3A_1131 : i32 to index
        %get3A_1132 = tpu.vector_load %arg6[%get3A] {strides = array<i32>} : memref<1024xi32, #tpu.memory_space<vmem>>, vector<16xi32>,
        %min3A = arith.constant 4 : i32
        %min3A_1133 = vector.broadcast %min3A : i32 to vector<16xi32>
        %min3A_1134 = arith.minsi %get3A_1132, %min3A_1133 : vector<16xi32>
        %mul3A_1135 = arith.constant 16 : i32
        %mul3A_1136 = arith.muli %scan3A_1129, %mul3A_1135 : i32
        %get3A_1137 = arith.index_cast %mul3A_1136 : i32 to index
        %get3A_1138 = tpu.vector_load %arg7[%get3A_1137] {strides = array<i32>} : memref<1024xi32, #tpu.memory_space<vmem>>, vector<16xi32>,
        %broadcast_in_dim3A = arith.constant 0 : i32
        %broadcast_in_dim3A_1139 = vector.broadcast %broadcast_in_dim3A : i32 to vector<16xi32>
        %gather3A = tpu.vector_load_idx %arg8[%min3A_1134, %broadcast_in_dim3A_1139, %get3A_1138] : memref<5x8x1000xf32, #tpu.memory_space<vmem>>[vector<16xi32>, vector<16xi32>, vector<16xi32>], vector<16xf32>,
        %mul3A_1140 = arith.constant 16 : i32
        %mul3A_1141 = arith.muli %scan3A_1129, %mul3A_1140 : i32
        %swap3A = arith.constant 0 : i32
        %swap3A_1142 = arith.index_cast %swap3A : i32 to index
        %swap3A_1143 = arith.index_cast %mul3A_1141 : i32 to index
        %swap3A_1144 = tpu.vector_load %arg11[%swap3A_1142, %swap3A_1143] {strides = array<i32>} : memref<8x1024xf32, #tpu.memory_space<vmem>>, vector<16xf32>,
        tpu.vector_store %arg11[%swap3A_1142, %swap3A_1143], %gather3A {strides = array<i32>} : memref<8x1024xf32, #tpu.memory_space<vmem>>, vector<16xf32>,
        %broadcast_in_dim3A_1145 = arith.constant 1 : i32
        %broadcast_in_dim3A_1146 = vector.broadcast %broadcast_in_dim3A_1145 : i32 to vector<16xi32>
        %gather3A_1147 = tpu.vector_load_idx %arg8[%min3A_1134, %broadcast_in_dim3A_1146, %get3A_1138] : memref<5x8x1000xf32, #tpu.memory_space<vmem>>[vector<16xi32>, vector<16xi32>, vector<16xi32>], vector<16xf32>,
        %mul3A_1148 = arith.constant 16 : i32
        %mul3A_1149 = arith.muli %scan3A_1129, %mul3A_1148 : i32
        %swap3A_1150 = arith.constant 1 : i32
        %swap3A_1151 = arith.index_cast %swap3A_1150 : i32 to index
        %swap3A_1152 = arith.index_cast %mul3A_1149 : i32 to index
        %swap3A_1153 = tpu.vector_load %arg11[%swap3A_1151, %swap3A_1152] {strides = array<i32>} : memref<8x1024xf32, #tpu.memory_space<vmem>>, vector<16xf32>,
        tpu.vector_store %arg11[%swap3A_1151, %swap3A_1152], %gather3A_1147 {strides = array<i32>} : memref<8x1024xf32, #tpu.memory_space<vmem>>, vector<16xf32>,
        %broadcast_in_dim3A_1154 = arith.constant 2 : i32
        %broadcast_in_dim3A_1155 = vector.broadcast %broadcast_in_dim3A_1154 : i32 to vector<16xi32>
        %gather3A_1156 = tpu.vector_load_idx %arg8[%min3A_1134, %broadcast_in_dim3A_1155, %get3A_1138] : memref<5x8x1000xf32, #tpu.memory_space<vmem>>[vector<16xi32>, vector<16xi32>, vector<16xi32>], vector<16xf32>,
        %mul3A_1157 = arith.constant 16 : i32
        %mul3A_1158 = arith.muli %scan3A_1129, %mul3A_1157 : i32
        %swap3A_1159 = arith.constant 2 : i32
        %swap3A_1160 = arith.index_cast %swap3A_1159 : i32 to index
        %swap3A_1161 = arith.index_cast %mul3A_1158 : i32 to index
        %swap3A_1162 = tpu.vector_load %arg11[%swap3A_1160, %swap3A_1161] {strides = array<i32>} : memref<8x1024xf32, #tpu.memory_space<vmem>>, vector<16xf32>,
        tpu.vector_store %arg11[%swap3A_1160, %swap3A_1161], %gather3A_1156 {strides = array<i32>} : memref<8x1024xf32, #tpu.memory_space<vmem>>, vector<16xf32>,
        %broadcast_in_dim3A_1163 = arith.constant 3 : i32
        %broadcast_in_dim3A_1164 = vector.broadcast %broadcast_in_dim3A_1163 : i32 to vector<16xi32>
        %gather3A_1165 = tpu.vector_load_idx %arg8[%min3A_1134, %broadcast_in_dim3A_1164, %get3A_1138] : memref<5x8x1000xf32, #tpu.memory_space<vmem>>[vector<16xi32>, vector<16xi32>, vector<16xi32>], vector<16xf32>,
        %mul3A_1166 = arith.constant 16 : i32
        %mul3A_1167 = arith.muli %scan3A_1129, %mul3A_1166 : i32
        %swap3A_1168 = arith.constant 3 : i32
        %swap3A_1169 = arith.index_cast %swap3A_1168 : i32 to index
        %swap3A_1170 = arith.index_cast %mul3A_1167 : i32 to index
        %swap3A_1171 = tpu.vector_load %arg11[%swap3A_1169, %swap3A_1170] {strides = array<i32>} : memref<8x1024xf32, #tpu.memory_space<vmem>>, vector<16xf32>,
        tpu.vector_store %arg11[%swap3A_1169, %swap3A_1170], %gather3A_1165 {strides = array<i32>} : memref<8x1024xf32, #tpu.memory_space<vmem>>, vector<16xf32>,
        %broadcast_in_dim3A_1172 = arith.constant 4 : i32
        %broadcast_in_dim3A_1173 = vector.broadcast %broadcast_in_dim3A_1172 : i32 to vector<16xi32>
        %gather3A_1174 = tpu.vector_load_idx %arg8[%min3A_1134, %broadcast_in_dim3A_1173, %get3A_1138] : memref<5x8x1000xf32, #tpu.memory_space<vmem>>[vector<16xi32>, vector<16xi32>, vector<16xi32>], vector<16xf32>,
        %mul3A_1175 = arith.constant 16 : i32
        %mul3A_1176 = arith.muli %scan3A_1129, %mul3A_1175 : i32
        %swap3A_1177 = arith.constant 4 : i32
        %swap3A_1178 = arith.index_cast %swap3A_1177 : i32 to index
        %swap3A_1179 = arith.index_cast %mul3A_1176 : i32 to index
        %swap3A_1180 = tpu.vector_load %arg11[%swap3A_1178, %swap3A_1179] {strides = array<i32>} : memref<8x1024xf32, #tpu.memory_space<vmem>>, vector<16xf32>,
        tpu.vector_store %arg11[%swap3A_1178, %swap3A_1179], %gather3A_1174 {strides = array<i32>} : memref<8x1024xf32, #tpu.memory_space<vmem>>, vector<16xf32>,
        %broadcast_in_dim3A_1181 = arith.constant 5 : i32
        %broadcast_in_dim3A_1182 = vector.broadcast %broadcast_in_dim3A_1181 : i32 to vector<16xi32>
        %gather3A_1183 = tpu.vector_load_idx %arg8[%min3A_1134, %broadcast_in_dim3A_1182, %get3A_1138] : memref<5x8x1000xf32, #tpu.memory_space<vmem>>[vector<16xi32>, vector<16xi32>, vector<16xi32>], vector<16xf32>,
        %mul3A_1184 = arith.constant 16 : i32
        %mul3A_1185 = arith.muli %scan3A_1129, %mul3A_1184 : i32
        %swap3A_1186 = arith.constant 5 : i32
        %swap3A_1187 = arith.index_cast %swap3A_1186 : i32 to index
        %swap3A_1188 = arith.index_cast %mul3A_1185 : i32 to index
        %swap3A_1189 = tpu.vector_load %arg11[%swap3A_1187, %swap3A_1188] {strides = array<i32>} : memref<8x1024xf32, #tpu.memory_space<vmem>>, vector<16xf32>,
        tpu.vector_store %arg11[%swap3A_1187, %swap3A_1188], %gather3A_1183 {strides = array<i32>} : memref<8x1024xf32, #tpu.memory_space<vmem>>, vector<16xf32>,
        %broadcast_in_dim3A_1190 = arith.constant 6 : i32
        %broadcast_in_dim3A_1191 = vector.broadcast %broadcast_in_dim3A_1190 : i32 to vector<16xi32>
        %gather3A_1192 = tpu.vector_load_idx %arg8[%min3A_1134, %broadcast_in_dim3A_1191, %get3A_1138] : memref<5x8x1000xf32, #tpu.memory_space<vmem>>[vector<16xi32>, vector<16xi32>, vector<16xi32>], vector<16xf32>,
        %mul3A_1193 = arith.constant 16 : i32
        %mul3A_1194 = arith.muli %scan3A_1129, %mul3A_1193 : i32
        %swap3A_1195 = arith.constant 6 : i32
        %swap3A_1196 = arith.index_cast %swap3A_1195 : i32 to index
        %swap3A_1197 = arith.index_cast %mul3A_1194 : i32 to index
        %swap3A_1198 = tpu.vector_load %arg11[%swap3A_1196, %swap3A_1197] {strides = array<i32>} : memref<8x1024xf32, #tpu.memory_space<vmem>>, vector<16xf32>,
        tpu.vector_store %arg11[%swap3A_1196, %swap3A_1197], %gather3A_1192 {strides = array<i32>} : memref<8x1024xf32, #tpu.memory_space<vmem>>, vector<16xf32>,
        %broadcast_in_dim3A_1199 = arith.constant 7 : i32
        %broadcast_in_dim3A_1200 = vector.broadcast %broadcast_in_dim3A_1199 : i32 to vector<16xi32>
        %gather3A_1201 = tpu.vector_load_idx %arg8[%min3A_1134, %broadcast_in_dim3A_1200, %get3A_1138] : memref<5x8x1000xf32, #tpu.memory_space<vmem>>[vector<16xi32>, vector<16xi32>, vector<16xi32>], vector<16xf32>,
        %mul3A_1202 = arith.constant 16 : i32
        %mul3A_1203 = arith.muli %scan3A_1129, %mul3A_1202 : i32
        %swap3A_1204 = arith.constant 7 : i32
        %swap3A_1205 = arith.index_cast %swap3A_1204 : i32 to index
        %swap3A_1206 = arith.index_cast %mul3A_1203 : i32 to index
        %swap3A_1207 = tpu.vector_load %arg11[%swap3A_1205, %swap3A_1206] {strides = array<i32>} : memref<8x1024xf32, #tpu.memory_space<vmem>>, vector<16xf32>,
        tpu.vector_store %arg11[%swap3A_1205, %swap3A_1206], %gather3A_1201 {strides = array<i32>} : memref<8x1024xf32, #tpu.memory_space<vmem>>, vector<16xf32>,
      }
      %scan3A_983 = arith.constant 64 : i32
      %convert_element_type3A_984 = arith.extui %lt3A_799 : i1 to i32
      %cond3A_985 = arith.constant 0 : i32
      %cond3A_986 = arith.cmpi ne, %convert_element_type3A_984, %cond3A_985 : i32
      scf.if %cond3A_986 {
        %add3A_1129 = arith.constant 1 : i32
        %add3A_1130 = arith.addi %add3A_792, %add3A_1129 : i32
        %mul3A_1131 = arith.constant 3 : i32
        %mul3A_1132 = arith.muli %add3A, %mul3A_1131 : i32
        %jit3A_1133 = arith.constant 4 : i32
        %div3A_1134 = arith.divsi %add3A_1130, %jit3A_1133 : i32
        %sign3A_1135 = arith.constant 0 : i32
        %sign3A_1136 = arith.cmpi sgt, %add3A_1130, %sign3A_1135 : i32
        %sign3A_1137 = arith.extui %sign3A_1136 : i1 to i32
        %sign3A_1138 = arith.constant 0 : i32
        %sign3A_1139 = arith.cmpi slt, %add3A_1130, %sign3A_1138 : i32
        %sign3A_1140 = arith.extui %sign3A_1139 : i1 to i32
        %sign3A_1141 = arith.subi %sign3A_1137, %sign3A_1140 : i32
        %sign3A_1142 = arith.constant 0 : i32
        %sign3A_1143 = arith.cmpi sgt, %jit3A_1133, %sign3A_1142 : i32
        %sign3A_1144 = arith.extui %sign3A_1143 : i1 to i32
        %sign3A_1145 = arith.constant 0 : i32
        %sign3A_1146 = arith.cmpi slt, %jit3A_1133, %sign3A_1145 : i32
        %sign3A_1147 = arith.extui %sign3A_1146 : i1 to i32
        %sign3A_1148 = arith.subi %sign3A_1144, %sign3A_1147 : i32
        %ne3A_1149 = arith.cmpi ne, %sign3A_1141, %sign3A_1148 : i32
        %rem3A_1150 = arith.remsi %add3A_1130, %jit3A_1133 : i32
        %ne3A_1151 = arith.constant 0 : i32
        %ne3A_1152 = arith.cmpi ne, %rem3A_1150, %ne3A_1151 : i32
        %and3A_1153 = arith.andi %ne3A_1149, %ne3A_1152 : i1
        %sub3A_1154 = arith.constant 1 : i32
        %sub3A_1155 = arith.subi %div3A_1134, %sub3A_1154 : i32
        %select_n3A_1156 = arith.select %and3A_1153, %sub3A_1155, %div3A_1134 : i32
        %add3A_1157 = arith.addi %mul3A_1132, %select_n3A_1156 : i32
        %jit3A_1158 = arith.constant 4 : i32
        %eq3A_1159 = arith.constant 0 : i32
        %eq3A_1160 = arith.cmpi eq, %jit3A_1158, %eq3A_1159 : i32
        %jit3A_1161 = arith.constant 1 : i32
        %select_n3A_1162 = arith.select %eq3A_1160, %jit3A_1161, %jit3A_1158 : i32
        %rem3A_1163 = arith.remsi %add3A_1130, %select_n3A_1162 : i32
        %ne3A_1164 = arith.constant 0 : i32
        %ne3A_1165 = arith.cmpi ne, %rem3A_1163, %ne3A_1164 : i32
        %lt3A_1166 = arith.constant 0 : i32
        %lt3A_1167 = arith.cmpi slt, %rem3A_1163, %lt3A_1166 : i32
        %lt3A_1168 = arith.constant 0 : i32
        %lt3A_1169 = arith.cmpi slt, %select_n3A_1162, %lt3A_1168 : i32
        %ne3A_1170 = arith.xori %lt3A_1167, %lt3A_1169 : i1
        %and3A_1171 = arith.andi %ne3A_1170, %ne3A_1165 : i1
        %add3A_1172 = arith.addi %rem3A_1163, %select_n3A_1162 : i32
        %select_n3A_1173 = arith.select %and3A_1171, %add3A_1172, %rem3A_1163 : i32
        %mul3A_1174 = arith.constant 32 : i32
        %mul3A_1175 = arith.muli %add3A_1157, %mul3A_1174 : i32
        %mul3A_1176 = arith.constant 8 : i32
        %mul3A_1177 = arith.muli %select_n3A_1173, %mul3A_1176 : i32
        %add3A_1178 = arith.addi %mul3A_1175, %mul3A_1177 : i32
        %multiple_of3A_1179 = tpu.assume_multiple %add3A_1178, 8 : i32
        %add3A_1180 = arith.constant 0 : i32
        %add3A_1181 = arith.addi %add3A_1180, %multiple_of3A_1179 : i32
        %multiple_of3A_1182 = tpu.assume_multiple %add3A_1181, 8 : i32
        %dma_start3A_1183 = arith.constant 0 : i32
        %dma_start3A_1184 = arith.constant 0 : i32
        %dma_start3A_1185 = arith.constant 0 : i32
        %dma_start3A_1186 = tpu.memref_slice %arg8[%dma_start3A_1183, %dma_start3A_1184, %dma_start3A_1185] : memref<5x8x1000xf32, #tpu.memory_space<vmem>> -> memref<1x8x1000xf32, #tpu.memory_space<vmem>>
        %dma_start3A_1187 = tpu.memref_squeeze %dma_start3A_1186 : memref<1x8x1000xf32, #tpu.memory_space<vmem>> -> memref<8x1000xf32, #tpu.memory_space<vmem>>
        %dma_start3A_1188 = arith.constant 0 : i32
        %dma_start3A_1189 = tpu.memref_slice %arg4[%multiple_of3A_1182, %dma_start3A_1188] : memref<30720x1000xf32, #tpu.memory_space<hbm>> -> memref<8x1000xf32, #tpu.memory_space<hbm>>
        %dma_start3A_1190 = arith.constant 0 : i32
        %dma_start3A_1191 = arith.constant 0 : i32
        %dma_start3A_1192 = tpu.memref_slice %arg8[%dma_start3A_1183, %dma_start3A_1190, %dma_start3A_1191] : memref<5x8x1000xf32, #tpu.memory_space<vmem>> -> memref<1x8x1000xf32, #tpu.memory_space<vmem>>
        %dma_start3A_1193 = tpu.memref_squeeze %dma_start3A_1192 : memref<1x8x1000xf32, #tpu.memory_space<vmem>> -> memref<8x1000xf32, #tpu.memory_space<vmem>>
        %dma_start3A_1194 = arith.constant 0 : i32
        %dma_start3A_1195 = tpu.memref_slice %arg4[%multiple_of3A_1182, %dma_start3A_1194] : memref<30720x1000xf32, #tpu.memory_space<hbm>> -> memref<8x1000xf32, #tpu.memory_space<hbm>>
        tpu.enqueue_dma source(%dma_start3A_1195 : memref<8x1000xf32, #tpu.memory_space<hbm>>) target(%dma_start3A_1193 : memref<8x1000xf32, #tpu.memory_space<vmem>>) target_semaphore(%arg12 : memref<!tpu.dma_semaphore, #tpu.memory_space<semaphore_mem>>)
        %add3A_1196 = arith.constant 3072 : i32
        %add3A_1197 = arith.addi %add3A_1196, %multiple_of3A_1179 : i32
        %multiple_of3A_1198 = tpu.assume_multiple %add3A_1197, 8 : i32
        %dma_start3A_1199 = arith.constant 1 : i32
        %dma_start3A_1200 = arith.constant 0 : i32
        %dma_start3A_1201 = arith.constant 0 : i32
        %dma_start3A_1202 = tpu.memref_slice %arg8[%dma_start3A_1199, %dma_start3A_1200, %dma_start3A_1201] : memref<5x8x1000xf32, #tpu.memory_space<vmem>> -> memref<1x8x1000xf32, #tpu.memory_space<vmem>>
        %dma_start3A_1203 = tpu.memref_squeeze %dma_start3A_1202 : memref<1x8x1000xf32, #tpu.memory_space<vmem>> -> memref<8x1000xf32, #tpu.memory_space<vmem>>
        %dma_start3A_1204 = arith.constant 0 : i32
        %dma_start3A_1205 = tpu.memref_slice %arg4[%multiple_of3A_1198, %dma_start3A_1204] : memref<30720x1000xf32, #tpu.memory_space<hbm>> -> memref<8x1000xf32, #tpu.memory_space<hbm>>
        %dma_start3A_1206 = arith.constant 0 : i32
        %dma_start3A_1207 = arith.constant 0 : i32
        %dma_start3A_1208 = tpu.memref_slice %arg8[%dma_start3A_1199, %dma_start3A_1206, %dma_start3A_1207] : memref<5x8x1000xf32, #tpu.memory_space<vmem>> -> memref<1x8x1000xf32, #tpu.memory_space<vmem>>
        %dma_start3A_1209 = tpu.memref_squeeze %dma_start3A_1208 : memref<1x8x1000xf32, #tpu.memory_space<vmem>> -> memref<8x1000xf32, #tpu.memory_space<vmem>>
        %dma_start3A_1210 = arith.constant 0 : i32
        %dma_start3A_1211 = tpu.memref_slice %arg4[%multiple_of3A_1198, %dma_start3A_1210] : memref<30720x1000xf32, #tpu.memory_space<hbm>> -> memref<8x1000xf32, #tpu.memory_space<hbm>>
        tpu.enqueue_dma source(%dma_start3A_1211 : memref<8x1000xf32, #tpu.memory_space<hbm>>) target(%dma_start3A_1209 : memref<8x1000xf32, #tpu.memory_space<vmem>>) target_semaphore(%arg12 : memref<!tpu.dma_semaphore, #tpu.memory_space<semaphore_mem>>)
        %add3A_1212 = arith.constant 6144 : i32
        %add3A_1213 = arith.addi %add3A_1212, %multiple_of3A_1179 : i32
        %multiple_of3A_1214 = tpu.assume_multiple %add3A_1213, 8 : i32
        %dma_start3A_1215 = arith.constant 2 : i32
        %dma_start3A_1216 = arith.constant 0 : i32
        %dma_start3A_1217 = arith.constant 0 : i32
        %dma_start3A_1218 = tpu.memref_slice %arg8[%dma_start3A_1215, %dma_start3A_1216, %dma_start3A_1217] : memref<5x8x1000xf32, #tpu.memory_space<vmem>> -> memref<1x8x1000xf32, #tpu.memory_space<vmem>>
        %dma_start3A_1219 = tpu.memref_squeeze %dma_start3A_1218 : memref<1x8x1000xf32, #tpu.memory_space<vmem>> -> memref<8x1000xf32, #tpu.memory_space<vmem>>
        %dma_start3A_1220 = arith.constant 0 : i32
        %dma_start3A_1221 = tpu.memref_slice %arg4[%multiple_of3A_1214, %dma_start3A_1220] : memref<30720x1000xf32, #tpu.memory_space<hbm>> -> memref<8x1000xf32, #tpu.memory_space<hbm>>
        %dma_start3A_1222 = arith.constant 0 : i32
        %dma_start3A_1223 = arith.constant 0 : i32
        %dma_start3A_1224 = tpu.memref_slice %arg8[%dma_start3A_1215, %dma_start3A_1222, %dma_start3A_1223] : memref<5x8x1000xf32, #tpu.memory_space<vmem>> -> memref<1x8x1000xf32, #tpu.memory_space<vmem>>
        %dma_start3A_1225 = tpu.memref_squeeze %dma_start3A_1224 : memref<1x8x1000xf32, #tpu.memory_space<vmem>> -> memref<8x1000xf32, #tpu.memory_space<vmem>>
        %dma_start3A_1226 = arith.constant 0 : i32
        %dma_start3A_1227 = tpu.memref_slice %arg4[%multiple_of3A_1214, %dma_start3A_1226] : memref<30720x1000xf32, #tpu.memory_space<hbm>> -> memref<8x1000xf32, #tpu.memory_space<hbm>>
        tpu.enqueue_dma source(%dma_start3A_1227 : memref<8x1000xf32, #tpu.memory_space<hbm>>) target(%dma_start3A_1225 : memref<8x1000xf32, #tpu.memory_space<vmem>>) target_semaphore(%arg12 : memref<!tpu.dma_semaphore, #tpu.memory_space<semaphore_mem>>)
        %add3A_1228 = arith.constant 9216 : i32
        %add3A_1229 = arith.addi %add3A_1228, %multiple_of3A_1179 : i32
        %multiple_of3A_1230 = tpu.assume_multiple %add3A_1229, 8 : i32
        %dma_start3A_1231 = arith.constant 3 : i32
        %dma_start3A_1232 = arith.constant 0 : i32
        %dma_start3A_1233 = arith.constant 0 : i32
        %dma_start3A_1234 = tpu.memref_slice %arg8[%dma_start3A_1231, %dma_start3A_1232, %dma_start3A_1233] : memref<5x8x1000xf32, #tpu.memory_space<vmem>> -> memref<1x8x1000xf32, #tpu.memory_space<vmem>>
        %dma_start3A_1235 = tpu.memref_squeeze %dma_start3A_1234 : memref<1x8x1000xf32, #tpu.memory_space<vmem>> -> memref<8x1000xf32, #tpu.memory_space<vmem>>
        %dma_start3A_1236 = arith.constant 0 : i32
        %dma_start3A_1237 = tpu.memref_slice %arg4[%multiple_of3A_1230, %dma_start3A_1236] : memref<30720x1000xf32, #tpu.memory_space<hbm>> -> memref<8x1000xf32, #tpu.memory_space<hbm>>
        %dma_start3A_1238 = arith.constant 0 : i32
        %dma_start3A_1239 = arith.constant 0 : i32
        %dma_start3A_1240 = tpu.memref_slice %arg8[%dma_start3A_1231, %dma_start3A_1238, %dma_start3A_1239] : memref<5x8x1000xf32, #tpu.memory_space<vmem>> -> memref<1x8x1000xf32, #tpu.memory_space<vmem>>
        %dma_start3A_1241 = tpu.memref_squeeze %dma_start3A_1240 : memref<1x8x1000xf32, #tpu.memory_space<vmem>> -> memref<8x1000xf32, #tpu.memory_space<vmem>>
        %dma_start3A_1242 = arith.constant 0 : i32
        %dma_start3A_1243 = tpu.memref_slice %arg4[%multiple_of3A_1230, %dma_start3A_1242] : memref<30720x1000xf32, #tpu.memory_space<hbm>> -> memref<8x1000xf32, #tpu.memory_space<hbm>>
        tpu.enqueue_dma source(%dma_start3A_1243 : memref<8x1000xf32, #tpu.memory_space<hbm>>) target(%dma_start3A_1241 : memref<8x1000xf32, #tpu.memory_space<vmem>>) target_semaphore(%arg12 : memref<!tpu.dma_semaphore, #tpu.memory_space<semaphore_mem>>)
        %add3A_1244 = arith.constant 12288 : i32
        %add3A_1245 = arith.addi %add3A_1244, %multiple_of3A_1179 : i32
        %multiple_of3A_1246 = tpu.assume_multiple %add3A_1245, 8 : i32
        %dma_start3A_1247 = arith.constant 4 : i32
        %dma_start3A_1248 = arith.constant 0 : i32
        %dma_start3A_1249 = arith.constant 0 : i32
        %dma_start3A_1250 = tpu.memref_slice %arg8[%dma_start3A_1247, %dma_start3A_1248, %dma_start3A_1249] : memref<5x8x1000xf32, #tpu.memory_space<vmem>> -> memref<1x8x1000xf32, #tpu.memory_space<vmem>>
        %dma_start3A_1251 = tpu.memref_squeeze %dma_start3A_1250 : memref<1x8x1000xf32, #tpu.memory_space<vmem>> -> memref<8x1000xf32, #tpu.memory_space<vmem>>
        %dma_start3A_1252 = arith.constant 0 : i32
        %dma_start3A_1253 = tpu.memref_slice %arg4[%multiple_of3A_1246, %dma_start3A_1252] : memref<30720x1000xf32, #tpu.memory_space<hbm>> -> memref<8x1000xf32, #tpu.memory_space<hbm>>
        %dma_start3A_1254 = arith.constant 0 : i32
        %dma_start3A_1255 = arith.constant 0 : i32
        %dma_start3A_1256 = tpu.memref_slice %arg8[%dma_start3A_1247, %dma_start3A_1254, %dma_start3A_1255] : memref<5x8x1000xf32, #tpu.memory_space<vmem>> -> memref<1x8x1000xf32, #tpu.memory_space<vmem>>
        %dma_start3A_1257 = tpu.memref_squeeze %dma_start3A_1256 : memref<1x8x1000xf32, #tpu.memory_space<vmem>> -> memref<8x1000xf32, #tpu.memory_space<vmem>>
        %dma_start3A_1258 = arith.constant 0 : i32
        %dma_start3A_1259 = tpu.memref_slice %arg4[%multiple_of3A_1246, %dma_start3A_1258] : memref<30720x1000xf32, #tpu.memory_space<hbm>> -> memref<8x1000xf32, #tpu.memory_space<hbm>>
        tpu.enqueue_dma source(%dma_start3A_1259 : memref<8x1000xf32, #tpu.memory_space<hbm>>) target(%dma_start3A_1257 : memref<8x1000xf32, #tpu.memory_space<vmem>>) target_semaphore(%arg12 : memref<!tpu.dma_semaphore, #tpu.memory_space<semaphore_mem>>)
      } else {
      }
      %mul3A_987 = arith.constant 3 : i32
      %mul3A_988 = arith.muli %add3A, %mul3A_987 : i32
      %jit3A_989 = arith.constant 4 : i32
      %div3A_990 = arith.divsi %add3A_792, %jit3A_989 : i32
      %sign3A_991 = arith.constant 0 : i32
      %sign3A_992 = arith.cmpi sgt, %add3A_792, %sign3A_991 : i32
      %sign3A_993 = arith.extui %sign3A_992 : i1 to i32
      %sign3A_994 = arith.constant 0 : i32
      %sign3A_995 = arith.cmpi slt, %add3A_792, %sign3A_994 : i32
      %sign3A_996 = arith.extui %sign3A_995 : i1 to i32
      %sign3A_997 = arith.subi %sign3A_993, %sign3A_996 : i32
      %sign3A_998 = arith.constant 0 : i32
      %sign3A_999 = arith.cmpi sgt, %jit3A_989, %sign3A_998 : i32
      %sign3A_1000 = arith.extui %sign3A_999 : i1 to i32
      %sign3A_1001 = arith.constant 0 : i32
      %sign3A_1002 = arith.cmpi slt, %jit3A_989, %sign3A_1001 : i32
      %sign3A_1003 = arith.extui %sign3A_1002 : i1 to i32
      %sign3A_1004 = arith.subi %sign3A_1000, %sign3A_1003 : i32
      %ne3A_1005 = arith.cmpi ne, %sign3A_997, %sign3A_1004 : i32
      %rem3A_1006 = arith.remsi %add3A_792, %jit3A_989 : i32
      %ne3A_1007 = arith.constant 0 : i32
      %ne3A_1008 = arith.cmpi ne, %rem3A_1006, %ne3A_1007 : i32
      %and3A_1009 = arith.andi %ne3A_1005, %ne3A_1008 : i1
      %sub3A_1010 = arith.constant 1 : i32
      %sub3A_1011 = arith.subi %div3A_990, %sub3A_1010 : i32
      %select_n3A_1012 = arith.select %and3A_1009, %sub3A_1011, %div3A_990 : i32
      %add3A_1013 = arith.addi %mul3A_988, %select_n3A_1012 : i32
      %jit3A_1014 = arith.constant 4 : i32
      %eq3A_1015 = arith.constant 0 : i32
      %eq3A_1016 = arith.cmpi eq, %jit3A_1014, %eq3A_1015 : i32
      %jit3A_1017 = arith.constant 1 : i32
      %select_n3A_1018 = arith.select %eq3A_1016, %jit3A_1017, %jit3A_1014 : i32
      %rem3A_1019 = arith.remsi %add3A_792, %select_n3A_1018 : i32
      %ne3A_1020 = arith.constant 0 : i32
      %ne3A_1021 = arith.cmpi ne, %rem3A_1019, %ne3A_1020 : i32
      %lt3A_1022 = arith.constant 0 : i32
      %lt3A_1023 = arith.cmpi slt, %rem3A_1019, %lt3A_1022 : i32
      %lt3A_1024 = arith.constant 0 : i32
      %lt3A_1025 = arith.cmpi slt, %select_n3A_1018, %lt3A_1024 : i32
      %ne3A_1026 = arith.xori %lt3A_1023, %lt3A_1025 : i1
      %and3A_1027 = arith.andi %ne3A_1026, %ne3A_1021 : i1
      %add3A_1028 = arith.addi %rem3A_1019, %select_n3A_1018 : i32
      %select_n3A_1029 = arith.select %and3A_1027, %add3A_1028, %rem3A_1019 : i32
      %mul3A_1030 = arith.constant 32 : i32
      %mul3A_1031 = arith.muli %add3A_1013, %mul3A_1030 : i32
      %mul3A_1032 = arith.constant 8 : i32
      %mul3A_1033 = arith.muli %select_n3A_1029, %mul3A_1032 : i32
      %add3A_1034 = arith.addi %mul3A_1031, %mul3A_1033 : i32
      %multiple_of3A_1035 = tpu.assume_multiple %add3A_1034, 8 : i32
      %add3A_1036 = arith.constant 15360 : i32
      %add3A_1037 = arith.addi %add3A_1036, %multiple_of3A_1035 : i32
      %multiple_of3A_1038 = tpu.assume_multiple %add3A_1037, 8 : i32
      %dma_wait3A_1039 = arith.constant 0 : i32
      %dma_wait3A_1040 = arith.constant 0 : i32
      %dma_wait3A_1041 = arith.constant 0 : i32
      %dma_wait3A_1042 = tpu.memref_slice %arg9[%dma_wait3A_1039, %dma_wait3A_1040, %dma_wait3A_1041] : memref<5x8x1000xf32, #tpu.memory_space<vmem>> -> memref<1x8x1000xf32, #tpu.memory_space<vmem>>
      %dma_wait3A_1043 = tpu.memref_squeeze %dma_wait3A_1042 : memref<1x8x1000xf32, #tpu.memory_space<vmem>> -> memref<8x1000xf32, #tpu.memory_space<vmem>>
      %dma_wait3A_1044 = arith.constant 0 : i32
      %dma_wait3A_1045 = tpu.memref_slice %arg4[%multiple_of3A_1038, %dma_wait3A_1044] : memref<30720x1000xf32, #tpu.memory_space<hbm>> -> memref<8x1000xf32, #tpu.memory_space<hbm>>
      %dma_wait3A_1046 = arith.constant 0 : i32
      %dma_wait3A_1047 = arith.constant 0 : i32
      %dma_wait3A_1048 = tpu.memref_slice %arg9[%dma_wait3A_1039, %dma_wait3A_1046, %dma_wait3A_1047] : memref<5x8x1000xf32, #tpu.memory_space<vmem>> -> memref<1x8x1000xf32, #tpu.memory_space<vmem>>
      %dma_wait3A_1049 = tpu.memref_squeeze %dma_wait3A_1048 : memref<1x8x1000xf32, #tpu.memory_space<vmem>> -> memref<8x1000xf32, #tpu.memory_space<vmem>>
      %dma_wait3A_1050 = arith.constant 0 : i32
      %dma_wait3A_1051 = tpu.memref_slice %arg4[%multiple_of3A_1038, %dma_wait3A_1050] : memref<30720x1000xf32, #tpu.memory_space<hbm>> -> memref<8x1000xf32, #tpu.memory_space<hbm>>
      tpu.wait_dma2 semaphore(%arg13 : memref<!tpu.dma_semaphore, #tpu.memory_space<semaphore_mem>>) src(%dma_wait3A_1051 : memref<8x1000xf32, #tpu.memory_space<hbm>>) dst(%dma_wait3A_1049 : memref<8x1000xf32, #tpu.memory_space<vmem>>)
      %add3A_1052 = arith.constant 18432 : i32
      %add3A_1053 = arith.addi %add3A_1052, %multiple_of3A_1035 : i32
      %multiple_of3A_1054 = tpu.assume_multiple %add3A_1053, 8 : i32
      %dma_wait3A_1055 = arith.constant 1 : i32
      %dma_wait3A_1056 = arith.constant 0 : i32
      %dma_wait3A_1057 = arith.constant 0 : i32
      %dma_wait3A_1058 = tpu.memref_slice %arg9[%dma_wait3A_1055, %dma_wait3A_1056, %dma_wait3A_1057] : memref<5x8x1000xf32, #tpu.memory_space<vmem>> -> memref<1x8x1000xf32, #tpu.memory_space<vmem>>
      %dma_wait3A_1059 = tpu.memref_squeeze %dma_wait3A_1058 : memref<1x8x1000xf32, #tpu.memory_space<vmem>> -> memref<8x1000xf32, #tpu.memory_space<vmem>>
      %dma_wait3A_1060 = arith.constant 0 : i32
      %dma_wait3A_1061 = tpu.memref_slice %arg4[%multiple_of3A_1054, %dma_wait3A_1060] : memref<30720x1000xf32, #tpu.memory_space<hbm>> -> memref<8x1000xf32, #tpu.memory_space<hbm>>
      %dma_wait3A_1062 = arith.constant 0 : i32
      %dma_wait3A_1063 = arith.constant 0 : i32
      %dma_wait3A_1064 = tpu.memref_slice %arg9[%dma_wait3A_1055, %dma_wait3A_1062, %dma_wait3A_1063] : memref<5x8x1000xf32, #tpu.memory_space<vmem>> -> memref<1x8x1000xf32, #tpu.memory_space<vmem>>
      %dma_wait3A_1065 = tpu.memref_squeeze %dma_wait3A_1064 : memref<1x8x1000xf32, #tpu.memory_space<vmem>> -> memref<8x1000xf32, #tpu.memory_space<vmem>>
      %dma_wait3A_1066 = arith.constant 0 : i32
      %dma_wait3A_1067 = tpu.memref_slice %arg4[%multiple_of3A_1054, %dma_wait3A_1066] : memref<30720x1000xf32, #tpu.memory_space<hbm>> -> memref<8x1000xf32, #tpu.memory_space<hbm>>
      tpu.wait_dma2 semaphore(%arg13 : memref<!tpu.dma_semaphore, #tpu.memory_space<semaphore_mem>>) src(%dma_wait3A_1067 : memref<8x1000xf32, #tpu.memory_space<hbm>>) dst(%dma_wait3A_1065 : memref<8x1000xf32, #tpu.memory_space<vmem>>)
      %add3A_1068 = arith.constant 21504 : i32
      %add3A_1069 = arith.addi %add3A_1068, %multiple_of3A_1035 : i32
      %multiple_of3A_1070 = tpu.assume_multiple %add3A_1069, 8 : i32
      %dma_wait3A_1071 = arith.constant 2 : i32
      %dma_wait3A_1072 = arith.constant 0 : i32
      %dma_wait3A_1073 = arith.constant 0 : i32
      %dma_wait3A_1074 = tpu.memref_slice %arg9[%dma_wait3A_1071, %dma_wait3A_1072, %dma_wait3A_1073] : memref<5x8x1000xf32, #tpu.memory_space<vmem>> -> memref<1x8x1000xf32, #tpu.memory_space<vmem>>
      %dma_wait3A_1075 = tpu.memref_squeeze %dma_wait3A_1074 : memref<1x8x1000xf32, #tpu.memory_space<vmem>> -> memref<8x1000xf32, #tpu.memory_space<vmem>>
      %dma_wait3A_1076 = arith.constant 0 : i32
      %dma_wait3A_1077 = tpu.memref_slice %arg4[%multiple_of3A_1070, %dma_wait3A_1076] : memref<30720x1000xf32, #tpu.memory_space<hbm>> -> memref<8x1000xf32, #tpu.memory_space<hbm>>
      %dma_wait3A_1078 = arith.constant 0 : i32
      %dma_wait3A_1079 = arith.constant 0 : i32
      %dma_wait3A_1080 = tpu.memref_slice %arg9[%dma_wait3A_1071, %dma_wait3A_1078, %dma_wait3A_1079] : memref<5x8x1000xf32, #tpu.memory_space<vmem>> -> memref<1x8x1000xf32, #tpu.memory_space<vmem>>
      %dma_wait3A_1081 = tpu.memref_squeeze %dma_wait3A_1080 : memref<1x8x1000xf32, #tpu.memory_space<vmem>> -> memref<8x1000xf32, #tpu.memory_space<vmem>>
      %dma_wait3A_1082 = arith.constant 0 : i32
      %dma_wait3A_1083 = tpu.memref_slice %arg4[%multiple_of3A_1070, %dma_wait3A_1082] : memref<30720x1000xf32, #tpu.memory_space<hbm>> -> memref<8x1000xf32, #tpu.memory_space<hbm>>
      tpu.wait_dma2 semaphore(%arg13 : memref<!tpu.dma_semaphore, #tpu.memory_space<semaphore_mem>>) src(%dma_wait3A_1083 : memref<8x1000xf32, #tpu.memory_space<hbm>>) dst(%dma_wait3A_1081 : memref<8x1000xf32, #tpu.memory_space<vmem>>)
      %add3A_1084 = arith.constant 24576 : i32
      %add3A_1085 = arith.addi %add3A_1084, %multiple_of3A_1035 : i32
      %multiple_of3A_1086 = tpu.assume_multiple %add3A_1085, 8 : i32
      %dma_wait3A_1087 = arith.constant 3 : i32
      %dma_wait3A_1088 = arith.constant 0 : i32
      %dma_wait3A_1089 = arith.constant 0 : i32
      %dma_wait3A_1090 = tpu.memref_slice %arg9[%dma_wait3A_1087, %dma_wait3A_1088, %dma_wait3A_1089] : memref<5x8x1000xf32, #tpu.memory_space<vmem>> -> memref<1x8x1000xf32, #tpu.memory_space<vmem>>
      %dma_wait3A_1091 = tpu.memref_squeeze %dma_wait3A_1090 : memref<1x8x1000xf32, #tpu.memory_space<vmem>> -> memref<8x1000xf32, #tpu.memory_space<vmem>>
      %dma_wait3A_1092 = arith.constant 0 : i32
      %dma_wait3A_1093 = tpu.memref_slice %arg4[%multiple_of3A_1086, %dma_wait3A_1092] : memref<30720x1000xf32, #tpu.memory_space<hbm>> -> memref<8x1000xf32, #tpu.memory_space<hbm>>
      %dma_wait3A_1094 = arith.constant 0 : i32
      %dma_wait3A_1095 = arith.constant 0 : i32
      %dma_wait3A_1096 = tpu.memref_slice %arg9[%dma_wait3A_1087, %dma_wait3A_1094, %dma_wait3A_1095] : memref<5x8x1000xf32, #tpu.memory_space<vmem>> -> memref<1x8x1000xf32, #tpu.memory_space<vmem>>
      %dma_wait3A_1097 = tpu.memref_squeeze %dma_wait3A_1096 : memref<1x8x1000xf32, #tpu.memory_space<vmem>> -> memref<8x1000xf32, #tpu.memory_space<vmem>>
      %dma_wait3A_1098 = arith.constant 0 : i32
      %dma_wait3A_1099 = tpu.memref_slice %arg4[%multiple_of3A_1086, %dma_wait3A_1098] : memref<30720x1000xf32, #tpu.memory_space<hbm>> -> memref<8x1000xf32, #tpu.memory_space<hbm>>
      tpu.wait_dma2 semaphore(%arg13 : memref<!tpu.dma_semaphore, #tpu.memory_space<semaphore_mem>>) src(%dma_wait3A_1099 : memref<8x1000xf32, #tpu.memory_space<hbm>>) dst(%dma_wait3A_1097 : memref<8x1000xf32, #tpu.memory_space<vmem>>)
      %add3A_1100 = arith.constant 27648 : i32
      %add3A_1101 = arith.addi %add3A_1100, %multiple_of3A_1035 : i32
      %multiple_of3A_1102 = tpu.assume_multiple %add3A_1101, 8 : i32
      %dma_wait3A_1103 = arith.constant 4 : i32
      %dma_wait3A_1104 = arith.constant 0 : i32
      %dma_wait3A_1105 = arith.constant 0 : i32
      %dma_wait3A_1106 = tpu.memref_slice %arg9[%dma_wait3A_1103, %dma_wait3A_1104, %dma_wait3A_1105] : memref<5x8x1000xf32, #tpu.memory_space<vmem>> -> memref<1x8x1000xf32, #tpu.memory_space<vmem>>
      %dma_wait3A_1107 = tpu.memref_squeeze %dma_wait3A_1106 : memref<1x8x1000xf32, #tpu.memory_space<vmem>> -> memref<8x1000xf32, #tpu.memory_space<vmem>>
      %dma_wait3A_1108 = arith.constant 0 : i32
      %dma_wait3A_1109 = tpu.memref_slice %arg4[%multiple_of3A_1102, %dma_wait3A_1108] : memref<30720x1000xf32, #tpu.memory_space<hbm>> -> memref<8x1000xf32, #tpu.memory_space<hbm>>
      %dma_wait3A_1110 = arith.constant 0 : i32
      %dma_wait3A_1111 = arith.constant 0 : i32
      %dma_wait3A_1112 = tpu.memref_slice %arg9[%dma_wait3A_1103, %dma_wait3A_1110, %dma_wait3A_1111] : memref<5x8x1000xf32, #tpu.memory_space<vmem>> -> memref<1x8x1000xf32, #tpu.memory_space<vmem>>
      %dma_wait3A_1113 = tpu.memref_squeeze %dma_wait3A_1112 : memref<1x8x1000xf32, #tpu.memory_space<vmem>> -> memref<8x1000xf32, #tpu.memory_space<vmem>>
      %dma_wait3A_1114 = arith.constant 0 : i32
      %dma_wait3A_1115 = tpu.memref_slice %arg4[%multiple_of3A_1102, %dma_wait3A_1114] : memref<30720x1000xf32, #tpu.memory_space<hbm>> -> memref<8x1000xf32, #tpu.memory_space<hbm>>
      tpu.wait_dma2 semaphore(%arg13 : memref<!tpu.dma_semaphore, #tpu.memory_space<semaphore_mem>>) src(%dma_wait3A_1115 : memref<8x1000xf32, #tpu.memory_space<hbm>>) dst(%dma_wait3A_1113 : memref<8x1000xf32, #tpu.memory_space<vmem>>)
      %scan3A_1116 = arith.constant 0 : i32
      %scan3A_1117 = arith.constant 0 : i32
      %scan3A_1118 = arith.constant 64 : i32
      %scan3A_1119 = arith.addi %scan3A_1117, %scan3A_1118 : i32
      %scan3A_1120 = arith.constant 1 : i32
      scf.for %scan3A_1129 = %scan3A_1117 to %scan3A_1119 step %scan3A_1120  : i32 {
        %mul3A_1130 = arith.constant 16 : i32
        %mul3A_1131 = arith.muli %scan3A_1129, %mul3A_1130 : i32
        %get3A = arith.index_cast %mul3A_1131 : i32 to index
        %get3A_1132 = tpu.vector_load %arg6[%get3A] {strides = array<i32>} : memref<1024xi32, #tpu.memory_space<vmem>>, vector<16xi32>,
        %ge3A_1133 = arith.constant 5 : i32
        %ge3A_1134 = vector.broadcast %ge3A_1133 : i32 to vector<16xi32>
        %ge3A_1135 = arith.cmpi sge, %get3A_1132, %ge3A_1134 : vector<16xi32>
        %sub3A_1136 = arith.constant 5 : i32
        %sub3A_1137 = vector.broadcast %sub3A_1136 : i32 to vector<16xi32>
        %sub3A_1138 = arith.subi %get3A_1132, %sub3A_1137 : vector<16xi32>
        %max3A = arith.constant 0 : i32
        %max3A_1139 = vector.broadcast %max3A : i32 to vector<16xi32>
        %max3A_1140 = arith.maxsi %sub3A_1138, %max3A_1139 : vector<16xi32>
        %mul3A_1141 = arith.constant 16 : i32
        %mul3A_1142 = arith.muli %scan3A_1129, %mul3A_1141 : i32
        %get3A_1143 = arith.index_cast %mul3A_1142 : i32 to index
        %get3A_1144 = tpu.vector_load %arg7[%get3A_1143] {strides = array<i32>} : memref<1024xi32, #tpu.memory_space<vmem>>, vector<16xi32>,
        %mul3A_1145 = arith.constant 16 : i32
        %mul3A_1146 = arith.muli %scan3A_1129, %mul3A_1145 : i32
        %iota3A = tpu.iota {dimensions = array<i32: 0>} : vector<16xi32>
        %add3A_1147 = vector.broadcast %mul3A_1146 : i32 to vector<16xi32>
        %add3A_1148 = arith.addi %add3A_1147, %iota3A : vector<16xi32>
        %broadcast_in_dim3A = arith.constant 0 : i32
        %broadcast_in_dim3A_1149 = vector.broadcast %broadcast_in_dim3A : i32 to vector<16xi32>
        %gather3A = tpu.vector_load_idx %arg9[%max3A_1140, %broadcast_in_dim3A_1149, %get3A_1144] : memref<5x8x1000xf32, #tpu.memory_space<vmem>>[vector<16xi32>, vector<16xi32>, vector<16xi32>], vector<16xf32>,
        tpu.vector_store_idx %arg11[%broadcast_in_dim3A_1149, %add3A_1148], %gather3A masked %ge3A_1135 : memref<8x1024xf32, #tpu.memory_space<vmem>>[vector<16xi32>, vector<16xi32>], vector<16xf32>, vector<16xi1>
        %broadcast_in_dim3A_1150 = arith.constant 1 : i32
        %broadcast_in_dim3A_1151 = vector.broadcast %broadcast_in_dim3A_1150 : i32 to vector<16xi32>
        %gather3A_1152 = tpu.vector_load_idx %arg9[%max3A_1140, %broadcast_in_dim3A_1151, %get3A_1144] : memref<5x8x1000xf32, #tpu.memory_space<vmem>>[vector<16xi32>, vector<16xi32>, vector<16xi32>], vector<16xf32>,
        tpu.vector_store_idx %arg11[%broadcast_in_dim3A_1151, %add3A_1148], %gather3A_1152 masked %ge3A_1135 : memref<8x1024xf32, #tpu.memory_space<vmem>>[vector<16xi32>, vector<16xi32>], vector<16xf32>, vector<16xi1>
        %broadcast_in_dim3A_1153 = arith.constant 2 : i32
        %broadcast_in_dim3A_1154 = vector.broadcast %broadcast_in_dim3A_1153 : i32 to vector<16xi32>
        %gather3A_1155 = tpu.vector_load_idx %arg9[%max3A_1140, %broadcast_in_dim3A_1154, %get3A_1144] : memref<5x8x1000xf32, #tpu.memory_space<vmem>>[vector<16xi32>, vector<16xi32>, vector<16xi32>], vector<16xf32>,
        tpu.vector_store_idx %arg11[%broadcast_in_dim3A_1154, %add3A_1148], %gather3A_1155 masked %ge3A_1135 : memref<8x1024xf32, #tpu.memory_space<vmem>>[vector<16xi32>, vector<16xi32>], vector<16xf32>, vector<16xi1>
        %broadcast_in_dim3A_1156 = arith.constant 3 : i32
        %broadcast_in_dim3A_1157 = vector.broadcast %broadcast_in_dim3A_1156 : i32 to vector<16xi32>
        %gather3A_1158 = tpu.vector_load_idx %arg9[%max3A_1140, %broadcast_in_dim3A_1157, %get3A_1144] : memref<5x8x1000xf32, #tpu.memory_space<vmem>>[vector<16xi32>, vector<16xi32>, vector<16xi32>], vector<16xf32>,
        tpu.vector_store_idx %arg11[%broadcast_in_dim3A_1157, %add3A_1148], %gather3A_1158 masked %ge3A_1135 : memref<8x1024xf32, #tpu.memory_space<vmem>>[vector<16xi32>, vector<16xi32>], vector<16xf32>, vector<16xi1>
        %broadcast_in_dim3A_1159 = arith.constant 4 : i32
        %broadcast_in_dim3A_1160 = vector.broadcast %broadcast_in_dim3A_1159 : i32 to vector<16xi32>
        %gather3A_1161 = tpu.vector_load_idx %arg9[%max3A_1140, %broadcast_in_dim3A_1160, %get3A_1144] : memref<5x8x1000xf32, #tpu.memory_space<vmem>>[vector<16xi32>, vector<16xi32>, vector<16xi32>], vector<16xf32>,
        tpu.vector_store_idx %arg11[%broadcast_in_dim3A_1160, %add3A_1148], %gather3A_1161 masked %ge3A_1135 : memref<8x1024xf32, #tpu.memory_space<vmem>>[vector<16xi32>, vector<16xi32>], vector<16xf32>, vector<16xi1>
        %broadcast_in_dim3A_1162 = arith.constant 5 : i32
        %broadcast_in_dim3A_1163 = vector.broadcast %broadcast_in_dim3A_1162 : i32 to vector<16xi32>
        %gather3A_1164 = tpu.vector_load_idx %arg9[%max3A_1140, %broadcast_in_dim3A_1163, %get3A_1144] : memref<5x8x1000xf32, #tpu.memory_space<vmem>>[vector<16xi32>, vector<16xi32>, vector<16xi32>], vector<16xf32>,
        tpu.vector_store_idx %arg11[%broadcast_in_dim3A_1163, %add3A_1148], %gather3A_1164 masked %ge3A_1135 : memref<8x1024xf32, #tpu.memory_space<vmem>>[vector<16xi32>, vector<16xi32>], vector<16xf32>, vector<16xi1>
        %broadcast_in_dim3A_1165 = arith.constant 6 : i32
        %broadcast_in_dim3A_1166 = vector.broadcast %broadcast_in_dim3A_1165 : i32 to vector<16xi32>
        %gather3A_1167 = tpu.vector_load_idx %arg9[%max3A_1140, %broadcast_in_dim3A_1166, %get3A_1144] : memref<5x8x1000xf32, #tpu.memory_space<vmem>>[vector<16xi32>, vector<16xi32>, vector<16xi32>], vector<16xf32>,
        tpu.vector_store_idx %arg11[%broadcast_in_dim3A_1166, %add3A_1148], %gather3A_1167 masked %ge3A_1135 : memref<8x1024xf32, #tpu.memory_space<vmem>>[vector<16xi32>, vector<16xi32>], vector<16xf32>, vector<16xi1>
        %broadcast_in_dim3A_1168 = arith.constant 7 : i32
        %broadcast_in_dim3A_1169 = vector.broadcast %broadcast_in_dim3A_1168 : i32 to vector<16xi32>
        %gather3A_1170 = tpu.vector_load_idx %arg9[%max3A_1140, %broadcast_in_dim3A_1169, %get3A_1144] : memref<5x8x1000xf32, #tpu.memory_space<vmem>>[vector<16xi32>, vector<16xi32>, vector<16xi32>], vector<16xf32>,
        tpu.vector_store_idx %arg11[%broadcast_in_dim3A_1169, %add3A_1148], %gather3A_1170 masked %ge3A_1135 : memref<8x1024xf32, #tpu.memory_space<vmem>>[vector<16xi32>, vector<16xi32>], vector<16xf32>, vector<16xi1>
      }
      %scan3A_1121 = arith.constant 64 : i32
      %convert_element_type3A_1122 = arith.extui %lt3A_799 : i1 to i32
      %cond3A_1123 = arith.constant 0 : i32
      %cond3A_1124 = arith.cmpi ne, %convert_element_type3A_1122, %cond3A_1123 : i32
      scf.if %cond3A_1124 {
        %add3A_1129 = arith.constant 1 : i32
        %add3A_1130 = arith.addi %add3A_792, %add3A_1129 : i32
        %mul3A_1131 = arith.constant 3 : i32
        %mul3A_1132 = arith.muli %add3A, %mul3A_1131 : i32
        %jit3A_1133 = arith.constant 4 : i32
        %div3A_1134 = arith.divsi %add3A_1130, %jit3A_1133 : i32
        %sign3A_1135 = arith.constant 0 : i32
        %sign3A_1136 = arith.cmpi sgt, %add3A_1130, %sign3A_1135 : i32
        %sign3A_1137 = arith.extui %sign3A_1136 : i1 to i32
        %sign3A_1138 = arith.constant 0 : i32
        %sign3A_1139 = arith.cmpi slt, %add3A_1130, %sign3A_1138 : i32
        %sign3A_1140 = arith.extui %sign3A_1139 : i1 to i32
        %sign3A_1141 = arith.subi %sign3A_1137, %sign3A_1140 : i32
        %sign3A_1142 = arith.constant 0 : i32
        %sign3A_1143 = arith.cmpi sgt, %jit3A_1133, %sign3A_1142 : i32
        %sign3A_1144 = arith.extui %sign3A_1143 : i1 to i32
        %sign3A_1145 = arith.constant 0 : i32
        %sign3A_1146 = arith.cmpi slt, %jit3A_1133, %sign3A_1145 : i32
        %sign3A_1147 = arith.extui %sign3A_1146 : i1 to i32
        %sign3A_1148 = arith.subi %sign3A_1144, %sign3A_1147 : i32
        %ne3A_1149 = arith.cmpi ne, %sign3A_1141, %sign3A_1148 : i32
        %rem3A_1150 = arith.remsi %add3A_1130, %jit3A_1133 : i32
        %ne3A_1151 = arith.constant 0 : i32
        %ne3A_1152 = arith.cmpi ne, %rem3A_1150, %ne3A_1151 : i32
        %and3A_1153 = arith.andi %ne3A_1149, %ne3A_1152 : i1
        %sub3A_1154 = arith.constant 1 : i32
        %sub3A_1155 = arith.subi %div3A_1134, %sub3A_1154 : i32
        %select_n3A_1156 = arith.select %and3A_1153, %sub3A_1155, %div3A_1134 : i32
        %add3A_1157 = arith.addi %mul3A_1132, %select_n3A_1156 : i32
        %jit3A_1158 = arith.constant 4 : i32
        %eq3A_1159 = arith.constant 0 : i32
        %eq3A_1160 = arith.cmpi eq, %jit3A_1158, %eq3A_1159 : i32
        %jit3A_1161 = arith.constant 1 : i32
        %select_n3A_1162 = arith.select %eq3A_1160, %jit3A_1161, %jit3A_1158 : i32
        %rem3A_1163 = arith.remsi %add3A_1130, %select_n3A_1162 : i32
        %ne3A_1164 = arith.constant 0 : i32
        %ne3A_1165 = arith.cmpi ne, %rem3A_1163, %ne3A_1164 : i32
        %lt3A_1166 = arith.constant 0 : i32
        %lt3A_1167 = arith.cmpi slt, %rem3A_1163, %lt3A_1166 : i32
        %lt3A_1168 = arith.constant 0 : i32
        %lt3A_1169 = arith.cmpi slt, %select_n3A_1162, %lt3A_1168 : i32
        %ne3A_1170 = arith.xori %lt3A_1167, %lt3A_1169 : i1
        %and3A_1171 = arith.andi %ne3A_1170, %ne3A_1165 : i1
        %add3A_1172 = arith.addi %rem3A_1163, %select_n3A_1162 : i32
        %select_n3A_1173 = arith.select %and3A_1171, %add3A_1172, %rem3A_1163 : i32
        %mul3A_1174 = arith.constant 32 : i32
        %mul3A_1175 = arith.muli %add3A_1157, %mul3A_1174 : i32
        %mul3A_1176 = arith.constant 8 : i32
        %mul3A_1177 = arith.muli %select_n3A_1173, %mul3A_1176 : i32
        %add3A_1178 = arith.addi %mul3A_1175, %mul3A_1177 : i32
        %multiple_of3A_1179 = tpu.assume_multiple %add3A_1178, 8 : i32
        %add3A_1180 = arith.constant 15360 : i32
        %add3A_1181 = arith.addi %add3A_1180, %multiple_of3A_1179 : i32
        %multiple_of3A_1182 = tpu.assume_multiple %add3A_1181, 8 : i32
        %dma_start3A_1183 = arith.constant 0 : i32
        %dma_start3A_1184 = arith.constant 0 : i32
        %dma_start3A_1185 = arith.constant 0 : i32
        %dma_start3A_1186 = tpu.memref_slice %arg9[%dma_start3A_1183, %dma_start3A_1184, %dma_start3A_1185] : memref<5x8x1000xf32, #tpu.memory_space<vmem>> -> memref<1x8x1000xf32, #tpu.memory_space<vmem>>
        %dma_start3A_1187 = tpu.memref_squeeze %dma_start3A_1186 : memref<1x8x1000xf32, #tpu.memory_space<vmem>> -> memref<8x1000xf32, #tpu.memory_space<vmem>>
        %dma_start3A_1188 = arith.constant 0 : i32
        %dma_start3A_1189 = tpu.memref_slice %arg4[%multiple_of3A_1182, %dma_start3A_1188] : memref<30720x1000xf32, #tpu.memory_space<hbm>> -> memref<8x1000xf32, #tpu.memory_space<hbm>>
        %dma_start3A_1190 = arith.constant 0 : i32
        %dma_start3A_1191 = arith.constant 0 : i32
        %dma_start3A_1192 = tpu.memref_slice %arg9[%dma_start3A_1183, %dma_start3A_1190, %dma_start3A_1191] : memref<5x8x1000xf32, #tpu.memory_space<vmem>> -> memref<1x8x1000xf32, #tpu.memory_space<vmem>>
        %dma_start3A_1193 = tpu.memref_squeeze %dma_start3A_1192 : memref<1x8x1000xf32, #tpu.memory_space<vmem>> -> memref<8x1000xf32, #tpu.memory_space<vmem>>
        %dma_start3A_1194 = arith.constant 0 : i32
        %dma_start3A_1195 = tpu.memref_slice %arg4[%multiple_of3A_1182, %dma_start3A_1194] : memref<30720x1000xf32, #tpu.memory_space<hbm>> -> memref<8x1000xf32, #tpu.memory_space<hbm>>
        tpu.enqueue_dma source(%dma_start3A_1195 : memref<8x1000xf32, #tpu.memory_space<hbm>>) target(%dma_start3A_1193 : memref<8x1000xf32, #tpu.memory_space<vmem>>) target_semaphore(%arg13 : memref<!tpu.dma_semaphore, #tpu.memory_space<semaphore_mem>>)
        %add3A_1196 = arith.constant 18432 : i32
        %add3A_1197 = arith.addi %add3A_1196, %multiple_of3A_1179 : i32
        %multiple_of3A_1198 = tpu.assume_multiple %add3A_1197, 8 : i32
        %dma_start3A_1199 = arith.constant 1 : i32
        %dma_start3A_1200 = arith.constant 0 : i32
        %dma_start3A_1201 = arith.constant 0 : i32
        %dma_start3A_1202 = tpu.memref_slice %arg9[%dma_start3A_1199, %dma_start3A_1200, %dma_start3A_1201] : memref<5x8x1000xf32, #tpu.memory_space<vmem>> -> memref<1x8x1000xf32, #tpu.memory_space<vmem>>
        %dma_start3A_1203 = tpu.memref_squeeze %dma_start3A_1202 : memref<1x8x1000xf32, #tpu.memory_space<vmem>> -> memref<8x1000xf32, #tpu.memory_space<vmem>>
        %dma_start3A_1204 = arith.constant 0 : i32
        %dma_start3A_1205 = tpu.memref_slice %arg4[%multiple_of3A_1198, %dma_start3A_1204] : memref<30720x1000xf32, #tpu.memory_space<hbm>> -> memref<8x1000xf32, #tpu.memory_space<hbm>>
        %dma_start3A_1206 = arith.constant 0 : i32
        %dma_start3A_1207 = arith.constant 0 : i32
        %dma_start3A_1208 = tpu.memref_slice %arg9[%dma_start3A_1199, %dma_start3A_1206, %dma_start3A_1207] : memref<5x8x1000xf32, #tpu.memory_space<vmem>> -> memref<1x8x1000xf32, #tpu.memory_space<vmem>>
        %dma_start3A_1209 = tpu.memref_squeeze %dma_start3A_1208 : memref<1x8x1000xf32, #tpu.memory_space<vmem>> -> memref<8x1000xf32, #tpu.memory_space<vmem>>
        %dma_start3A_1210 = arith.constant 0 : i32
        %dma_start3A_1211 = tpu.memref_slice %arg4[%multiple_of3A_1198, %dma_start3A_1210] : memref<30720x1000xf32, #tpu.memory_space<hbm>> -> memref<8x1000xf32, #tpu.memory_space<hbm>>
        tpu.enqueue_dma source(%dma_start3A_1211 : memref<8x1000xf32, #tpu.memory_space<hbm>>) target(%dma_start3A_1209 : memref<8x1000xf32, #tpu.memory_space<vmem>>) target_semaphore(%arg13 : memref<!tpu.dma_semaphore, #tpu.memory_space<semaphore_mem>>)
        %add3A_1212 = arith.constant 21504 : i32
        %add3A_1213 = arith.addi %add3A_1212, %multiple_of3A_1179 : i32
        %multiple_of3A_1214 = tpu.assume_multiple %add3A_1213, 8 : i32
        %dma_start3A_1215 = arith.constant 2 : i32
        %dma_start3A_1216 = arith.constant 0 : i32
        %dma_start3A_1217 = arith.constant 0 : i32
        %dma_start3A_1218 = tpu.memref_slice %arg9[%dma_start3A_1215, %dma_start3A_1216, %dma_start3A_1217] : memref<5x8x1000xf32, #tpu.memory_space<vmem>> -> memref<1x8x1000xf32, #tpu.memory_space<vmem>>
        %dma_start3A_1219 = tpu.memref_squeeze %dma_start3A_1218 : memref<1x8x1000xf32, #tpu.memory_space<vmem>> -> memref<8x1000xf32, #tpu.memory_space<vmem>>
        %dma_start3A_1220 = arith.constant 0 : i32
        %dma_start3A_1221 = tpu.memref_slice %arg4[%multiple_of3A_1214, %dma_start3A_1220] : memref<30720x1000xf32, #tpu.memory_space<hbm>> -> memref<8x1000xf32, #tpu.memory_space<hbm>>
        %dma_start3A_1222 = arith.constant 0 : i32
        %dma_start3A_1223 = arith.constant 0 : i32
        %dma_start3A_1224 = tpu.memref_slice %arg9[%dma_start3A_1215, %dma_start3A_1222, %dma_start3A_1223] : memref<5x8x1000xf32, #tpu.memory_space<vmem>> -> memref<1x8x1000xf32, #tpu.memory_space<vmem>>
        %dma_start3A_1225 = tpu.memref_squeeze %dma_start3A_1224 : memref<1x8x1000xf32, #tpu.memory_space<vmem>> -> memref<8x1000xf32, #tpu.memory_space<vmem>>
        %dma_start3A_1226 = arith.constant 0 : i32
        %dma_start3A_1227 = tpu.memref_slice %arg4[%multiple_of3A_1214, %dma_start3A_1226] : memref<30720x1000xf32, #tpu.memory_space<hbm>> -> memref<8x1000xf32, #tpu.memory_space<hbm>>
        tpu.enqueue_dma source(%dma_start3A_1227 : memref<8x1000xf32, #tpu.memory_space<hbm>>) target(%dma_start3A_1225 : memref<8x1000xf32, #tpu.memory_space<vmem>>) target_semaphore(%arg13 : memref<!tpu.dma_semaphore, #tpu.memory_space<semaphore_mem>>)
        %add3A_1228 = arith.constant 24576 : i32
        %add3A_1229 = arith.addi %add3A_1228, %multiple_of3A_1179 : i32
        %multiple_of3A_1230 = tpu.assume_multiple %add3A_1229, 8 : i32
        %dma_start3A_1231 = arith.constant 3 : i32
        %dma_start3A_1232 = arith.constant 0 : i32
        %dma_start3A_1233 = arith.constant 0 : i32
        %dma_start3A_1234 = tpu.memref_slice %arg9[%dma_start3A_1231, %dma_start3A_1232, %dma_start3A_1233] : memref<5x8x1000xf32, #tpu.memory_space<vmem>> -> memref<1x8x1000xf32, #tpu.memory_space<vmem>>
        %dma_start3A_1235 = tpu.memref_squeeze %dma_start3A_1234 : memref<1x8x1000xf32, #tpu.memory_space<vmem>> -> memref<8x1000xf32, #tpu.memory_space<vmem>>
        %dma_start3A_1236 = arith.constant 0 : i32
        %dma_start3A_1237 = tpu.memref_slice %arg4[%multiple_of3A_1230, %dma_start3A_1236] : memref<30720x1000xf32, #tpu.memory_space<hbm>> -> memref<8x1000xf32, #tpu.memory_space<hbm>>
        %dma_start3A_1238 = arith.constant 0 : i32
        %dma_start3A_1239 = arith.constant 0 : i32
        %dma_start3A_1240 = tpu.memref_slice %arg9[%dma_start3A_1231, %dma_start3A_1238, %dma_start3A_1239] : memref<5x8x1000xf32, #tpu.memory_space<vmem>> -> memref<1x8x1000xf32, #tpu.memory_space<vmem>>
        %dma_start3A_1241 = tpu.memref_squeeze %dma_start3A_1240 : memref<1x8x1000xf32, #tpu.memory_space<vmem>> -> memref<8x1000xf32, #tpu.memory_space<vmem>>
        %dma_start3A_1242 = arith.constant 0 : i32
        %dma_start3A_1243 = tpu.memref_slice %arg4[%multiple_of3A_1230, %dma_start3A_1242] : memref<30720x1000xf32, #tpu.memory_space<hbm>> -> memref<8x1000xf32, #tpu.memory_space<hbm>>
        tpu.enqueue_dma source(%dma_start3A_1243 : memref<8x1000xf32, #tpu.memory_space<hbm>>) target(%dma_start3A_1241 : memref<8x1000xf32, #tpu.memory_space<vmem>>) target_semaphore(%arg13 : memref<!tpu.dma_semaphore, #tpu.memory_space<semaphore_mem>>)
        %add3A_1244 = arith.constant 27648 : i32
        %add3A_1245 = arith.addi %add3A_1244, %multiple_of3A_1179 : i32
        %multiple_of3A_1246 = tpu.assume_multiple %add3A_1245, 8 : i32
        %dma_start3A_1247 = arith.constant 4 : i32
        %dma_start3A_1248 = arith.constant 0 : i32
        %dma_start3A_1249 = arith.constant 0 : i32
        %dma_start3A_1250 = tpu.memref_slice %arg9[%dma_start3A_1247, %dma_start3A_1248, %dma_start3A_1249] : memref<5x8x1000xf32, #tpu.memory_space<vmem>> -> memref<1x8x1000xf32, #tpu.memory_space<vmem>>
        %dma_start3A_1251 = tpu.memref_squeeze %dma_start3A_1250 : memref<1x8x1000xf32, #tpu.memory_space<vmem>> -> memref<8x1000xf32, #tpu.memory_space<vmem>>
        %dma_start3A_1252 = arith.constant 0 : i32
        %dma_start3A_1253 = tpu.memref_slice %arg4[%multiple_of3A_1246, %dma_start3A_1252] : memref<30720x1000xf32, #tpu.memory_space<hbm>> -> memref<8x1000xf32, #tpu.memory_space<hbm>>
        %dma_start3A_1254 = arith.constant 0 : i32
        %dma_start3A_1255 = arith.constant 0 : i32
        %dma_start3A_1256 = tpu.memref_slice %arg9[%dma_start3A_1247, %dma_start3A_1254, %dma_start3A_1255] : memref<5x8x1000xf32, #tpu.memory_space<vmem>> -> memref<1x8x1000xf32, #tpu.memory_space<vmem>>
        %dma_start3A_1257 = tpu.memref_squeeze %dma_start3A_1256 : memref<1x8x1000xf32, #tpu.memory_space<vmem>> -> memref<8x1000xf32, #tpu.memory_space<vmem>>
        %dma_start3A_1258 = arith.constant 0 : i32
        %dma_start3A_1259 = tpu.memref_slice %arg4[%multiple_of3A_1246, %dma_start3A_1258] : memref<30720x1000xf32, #tpu.memory_space<hbm>> -> memref<8x1000xf32, #tpu.memory_space<hbm>>
        tpu.enqueue_dma source(%dma_start3A_1259 : memref<8x1000xf32, #tpu.memory_space<hbm>>) target(%dma_start3A_1257 : memref<8x1000xf32, #tpu.memory_space<vmem>>) target_semaphore(%arg13 : memref<!tpu.dma_semaphore, #tpu.memory_space<semaphore_mem>>)
      } else {
      }
      %dma_start3A_1125 = arith.constant 0 : i32
      %dma_start3A_1126 = tpu.memref_slice %arg5[%multiple_of3A_848, %dma_start3A_1125] : memref<3072x1024xf32, #tpu.memory_space<hbm>> -> memref<8x1024xf32, #tpu.memory_space<hbm>>
      %dma_start3A_1127 = arith.constant 0 : i32
      %dma_start3A_1128 = tpu.memref_slice %arg5[%multiple_of3A_848, %dma_start3A_1127] : memref<3072x1024xf32, #tpu.memory_space<hbm>> -> memref<8x1024xf32, #tpu.memory_space<hbm>>
      tpu.enqueue_dma source(%arg11 : memref<8x1024xf32, #tpu.memory_space<vmem>>) target(%dma_start3A_1128 : memref<8x1024xf32, #tpu.memory_space<hbm>>) target_semaphore(%arg14 : memref<!tpu.dma_semaphore, #tpu.memory_space<semaphore_mem>>)
    }
    %scan3A_181 = arith.constant 6 : i32
    %mul3A_182 = arith.constant 3 : i32
    %mul3A_183 = arith.muli %add3A, %mul3A_182 : i32
    %add3A_184 = arith.constant 2 : i32
    %add3A_185 = arith.addi %mul3A_183, %add3A_184 : i32
    %mul3A_186 = arith.constant 32 : i32
    %mul3A_187 = arith.muli %add3A_185, %mul3A_186 : i32
    %add3A_188 = arith.constant 16 : i32
    %add3A_189 = arith.addi %mul3A_187, %add3A_188 : i32
    %multiple_of3A_190 = tpu.assume_multiple %add3A_189, 8 : i32
    %dma_wait3A = arith.constant 0 : i32
    %dma_wait3A_191 = tpu.memref_slice %arg5[%multiple_of3A_190, %dma_wait3A] : memref<3072x1024xf32, #tpu.memory_space<hbm>> -> memref<8x1024xf32, #tpu.memory_space<hbm>>
    %dma_wait3A_192 = arith.constant 0 : i32
    %dma_wait3A_193 = tpu.memref_slice %arg5[%multiple_of3A_190, %dma_wait3A_192] : memref<3072x1024xf32, #tpu.memory_space<hbm>> -> memref<8x1024xf32, #tpu.memory_space<hbm>>
    tpu.wait_dma2 semaphore(%arg14 : memref<!tpu.dma_semaphore, #tpu.memory_space<semaphore_mem>>) src(%arg10 : memref<8x1024xf32, #tpu.memory_space<vmem>>) dst(%dma_wait3A_193 : memref<8x1024xf32, #tpu.memory_space<hbm>>)
    %mul3A_194 = arith.constant 3 : i32
    %mul3A_195 = arith.muli %add3A, %mul3A_194 : i32
    %add3A_196 = arith.constant 2 : i32
    %add3A_197 = arith.addi %mul3A_195, %add3A_196 : i32
    %mul3A_198 = arith.constant 32 : i32
    %mul3A_199 = arith.muli %add3A_197, %mul3A_198 : i32
    %add3A_200 = arith.constant 24 : i32
    %add3A_201 = arith.addi %mul3A_199, %add3A_200 : i32
    %multiple_of3A_202 = tpu.assume_multiple %add3A_201, 8 : i32
    %dma_wait3A_203 = arith.constant 0 : i32
    %dma_wait3A_204 = tpu.memref_slice %arg5[%multiple_of3A_202, %dma_wait3A_203] : memref<3072x1024xf32, #tpu.memory_space<hbm>> -> memref<8x1024xf32, #tpu.memory_space<hbm>>
    %dma_wait3A_205 = arith.constant 0 : i32
    %dma_wait3A_206 = tpu.memref_slice %arg5[%multiple_of3A_202, %dma_wait3A_205] : memref<3072x1024xf32, #tpu.memory_space<hbm>> -> memref<8x1024xf32, #tpu.memory_space<hbm>>
    tpu.wait_dma2 semaphore(%arg14 : memref<!tpu.dma_semaphore, #tpu.memory_space<semaphore_mem>>) src(%arg11 : memref<8x1024xf32, #tpu.memory_space<vmem>>) dst(%dma_wait3A_206 : memref<8x1024xf32, #tpu.memory_space<hbm>>)
    return
  }
}

</mosaic_0001>

<sc_bundles>
// kernel: _gather.3.cloned.1.call-start
scs
__scs_entry_jumppad:
0x0: {  	(pc) =	sbr.rel $0x88, $3  }
0x1: {  	(tag) =	ssettag $0x0;
	lr =	simm.s32 $0x1  }
0x2: {  	[smem:$0x3F9E] =	sst lr;
	_ =	strace $0xD0000000  }
0x3: {  	_ = 	snop  }
0x4: {  	_ = 	snop  }
0x5: {  	_ = 	snop  }
0x6: {  	_ = 	snop  }
0x7: {  	_ = 	snop  }
__scs_overlays_trampoline_lowered:
0x8: {  	[smem:$0x3FAD] =	sst s0  }
0x9: {  	[smem:$0x3FAE] =	sst s1  }
0xa: {  	[smem:$0x3FAF] =	sst s2  }
0xb: {  	[smem:$0x3FB0] =	sst s3  }
0xc: {  	[smem:$0x3FB1] =	sst s4  }
0xd: {  	[smem:$0x3FB2] =	sst s5  }
0xe: {  	[smem:$0x3FB3] =	sst s6  }
0xf: {  	[smem:$0x3FB4] =	sst s7  }
0x10: {  	[smem:$0x3FB5] =	sst s8  }
0x11: {  	[smem:$0x3FB6] =	sst s9;
	s0 =	simm.s32 @!p0 $0x0  }
0x12: {  	s1 =	sld [smem:$0x3F9C];
	s0 =	simm.s32 @p0 $0x1  }
0x13: {  	[smem:$0x3FB7] =	sst s0;
	s0 =	simm.s32 @!p1 $0x0  }
0x14: {  	s2 =	sld [smem:$0x3F9B];
	s0 =	simm.s32 @p1 $0x1  }
0x15: {  	[smem:$0x3FB8] =	sst s0;
	s0 =	simm.s32 @!p2 $0x0  }
0x16: {  	s3 =	sld [smem:$0x3FDB];
	s0 =	simm.s32 @p2 $0x1  }
0x17: {  	s4 =	simm.s32 $0x1BF5;
	[smem:$0x3FBA] =	sst s0  }
0x18: {  	s0 =	sld [smem:$0x3F9D];
	_ =	swait.ge [sflag:s4], $0x0  }
0x19: {  	s7 =	sld [smem:$0x3F9E]  }
0x1a: {  	s8 =	sadd.s32 $0xFFFFE003, lr  }
0x1b: {  	s9 =	sadd.s32 $0xFFFFFEF7, lr;
	s5 =	simm.s32 $0xFFFFFFFF;
	p2 =	slt.u32 s8, $0xFFFFF086  }
0x1c: {  	p1 =	slt.u32 s9, $0xF7A;
	s5 =	simm.s32 @!p2 $0x0  }
0x1d: {  	s5 =	simm.s32 @p1 $0x1;
	p0 =	seq.s32 s7, s2  }
0x1e: {  	s7 =	smul.u32 @!p0 $0xF7A, s2;
	p2 =	seq.s32 @!p0 s5, $0x0  }
0x1f: {  	s9 =	smul.u32 $0xF7A, s1;
	s8 =	simm.s32 @!p0 $0x1BF5;
	p2 =	por !p2, p0  }
0x20: {  	[sflag:s8] =	ssyncset.s32 @!p0 $0xFFFFF086;
	s6 =	sadd.s32 @!p0 s3, s7;
	s7 =	simm.s32 @!p0 $0x108  }
0x21: {  	s3 =	sadd.s32 s3, s9;
	s6 =	sadd.s32 @!p0 $0x88, s6;
	s7 =	simm.s32 @p2 $0x1082  }
0x22: {  	[simem:s7], [sflag:s8] =	dma.local @!p0 [hbm:s6], $0xF7A  }
0x23: {  	s9 =	sor.u32 $0xD0000000, s2;
	s6 =	simm.s32 $0x108;
	_ =	swait.ge @!p0 [sflag:s8], $0x0  }
0x24: {  	s3 =	sadd.s32 $0x88, s3;
	s6 =	simm.s32 @!p1 $0x1082;
	[sflag:s4] =	ssyncset.s32 $0xFFFFF086  }
0x25: {  	[simem:s6], [sflag:s4] =	dma.local [hbm:s3], $0xF7A  }
0x26: {  	[smem:$0x3F9E] =	sst s1;
	(tag) =	ssettag s2;
	_ =	strace s9  }
0x27: {  	s1 =	sld [smem:$0x3FAE]  }
0x28: {  	s2 =	sld [smem:$0x3FAF]  }
0x29: {  	s4 =	sld [smem:$0x3FB1]  }
0x2a: {  	p0 =	seq.s32 s5, $0x0;
	s5 =	sld [smem:$0x3FB2]  }
0x2b: {  	s6 =	sld [smem:$0x3FB3]  }
0x2c: {  	s7 =	sld [smem:$0x3FB4]  }
0x2d: {  	s3 =	simm.s32 $0x108;
	s8 =	sld [smem:$0x3FB5]  }
0x2e: {  	s3 =	simm.s32 @!p0 $0x1082;
	s9 =	sld [smem:$0x3FB6]  }
0x2f: {  	lr =	sadd.s32 s0, s3;
	s0 =	sld [smem:$0x3FAD]  }
0x30: {  	s3 =	sld [smem:$0x3FB0]  }
0x31: {  	[smem:$0x3FB9] =	sst s10  }
0x32: {  	s10 =	sld [smem:$0x3FB7];
	_ =	sdelay $0x3  }
0x33: {  	p0 =	seq.s32 s10, $0x1;
	s10 =	sld [smem:$0x3FB9];
	_ =	sdelay $0x3  }
0x34: {  	[smem:$0x3FB9] =	sst s10  }
0x35: {  	s10 =	sld [smem:$0x3FB8];
	_ =	sdelay $0x3  }
0x36: {  	p1 =	seq.s32 s10, $0x1;
	s10 =	sld [smem:$0x3FB9];
	_ =	sdelay $0x3  }
0x37: {  	[smem:$0x3FB9] =	sst s10  }
0x38: {  	s10 =	sld [smem:$0x3FBA]  }
0x39: {  	_ = 	snop;
	(pc) =	sbr.ind lr, $3  }
0x3a: {  	_ = 	snop  }
0x3b: {  	_ = 	snop  }
0x3c: {  	p2 =	seq.s32 s10, $0x1;
	s10 =	sld [smem:$0x3FB9]  }
0x3d: {  	_ =	shalt  }
0x3e: {  	_ =	shalt  }
0x3f: {  	_ =	shalt  }
0x40: {  	_ =	shalt  }
0x41: {  	_ =	shalt  }
0x42: {  	_ =	shalt  }
0x43: {  	_ =	shalt  }
0x44: {  	_ =	shalt  }
0x45: {  	_ =	shalt  }
0x46: {  	_ =	shalt  }
0x47: {  	_ =	shalt  }
0x48: {  	_ =	shalt  }
0x49: {  	_ =	shalt  }
0x4a: {  	_ =	shalt  }
0x4b: {  	_ =	shalt  }
0x4c: {  	_ =	shalt  }
0x4d: {  	_ =	shalt  }
0x4e: {  	_ =	shalt  }
0x4f: {  	_ =	shalt  }
0x50: {  	_ =	shalt  }
0x51: {  	_ =	shalt  }
0x52: {  	_ =	shalt  }
0x53: {  	_ =	shalt  }
0x54: {  	_ =	shalt  }
0x55: {  	_ =	shalt  }
0x56: {  	_ =	shalt  }
0x57: {  	_ =	shalt  }
0x58: {  	_ =	shalt  }
0x59: {  	_ =	shalt  }
0x5a: {  	_ =	shalt  }
0x5b: {  	_ =	shalt  }
0x5c: {  	_ =	shalt  }
0x5d: {  	_ =	shalt  }
0x5e: {  	_ =	shalt  }
0x5f: {  	_ =	shalt  }
0x60: {  	_ =	shalt  }
0x61: {  	_ =	shalt  }
0x62: {  	_ =	shalt  }
0x63: {  	_ =	shalt  }
0x64: {  	_ =	shalt  }
0x65: {  	_ =	shalt  }
0x66: {  	_ =	shalt  }
0x67: {  	_ =	shalt  }
0x68: {  	_ =	shalt  }
0x69: {  	_ =	shalt  }
0x6a: {  	_ =	shalt  }
0x6b: {  	_ =	shalt  }
0x6c: {  	_ =	shalt  }
0x6d: {  	_ =	shalt  }
0x6e: {  	_ =	shalt  }
0x6f: {  	_ =	shalt  }
0x70: {  	_ =	shalt  }
0x71: {  	_ =	shalt  }
0x72: {  	_ =	shalt  }
0x73: {  	_ =	shalt  }
0x74: {  	_ =	shalt  }
0x75: {  	_ =	shalt  }
0x76: {  	_ =	shalt  }
0x77: {  	_ =	shalt  }
0x78: {  	_ =	shalt  }
0x79: {  	_ =	shalt  }
0x7a: {  	_ =	shalt  }
0x7b: {  	_ =	shalt  }
0x7c: {  	_ =	shalt  }
0x7d: {  	_ =	shalt  }
0x7e: {  	_ =	shalt  }
0x7f: {  	_ =	shalt  }
0x80: {  	_ =	shalt  }
0x81: {  	_ =	shalt  }
0x82: {  	_ =	shalt  }
0x83: {  	_ =	shalt  }
0x84: {  	_ =	shalt  }
0x85: {  	_ =	shalt  }
0x86: {  	_ =	shalt  }
0x87: {  	_ =	shalt  }
.Lfunc_end0:
.L_simem_size_0:
called_computation_lowered:
.L_overlay_start_0:
0x88: {  	s2 =	sld [smem:$0x3FD9]  }
0x89: {  	s3 =	sld [smem:$0x3FFE];
	_ =	sdelay $0x1  }
0x8a: {  	s1 =	srdreg.scid  }
0x8b: {  	s0 =	sand.u32 $0x1, s1  }
0x8c: {  	s17 =	sshll.u32 s0, $0xA;
	s2 =	sadd.s32 s3, s2  }
0x8d: {  	s2 =	sadd.s32 s2, s17  }
0x8e: {  	[smem:$0x3FC5] =	sst s2  }
0x8f: {  	_ = 	snop  }
0x90: {  	s2 =	sld [smem:$0x3FC9]  }
0x91: {  	s18 =	sld [smem:$0x3FC8]  }
0x92: {  	s4 =	sld [smem:$0x3FD0];
	(tm) =	ssettm $0x1  }
0x93: {  	s5 =	sld [smem:$0x3FFB];
	_ =	sdelay $0x3  }
0x94: {  	_ =	strace s5  }
0x95: {  	s5 =	sld [smem:$0x3FFC];
	_ =	sdelay $0x3  }
0x96: {  	_ =	strace s5  }
0x97: {  	s5 =	sld [smem:$0x3FFD];
	_ =	sdelay $0x3  }
0x98: {  	_ =	strace s5  }
0x99: {  	_ =	strace $0x8FFFFFFF  }
0x9a: {  	s19 =	sld [smem:$0x3FDB];
	_ =	sdelay $0x1  }
0x9b: {  	s6 =	simm.s32 $_scs_section_size  }
0x9c: {  	s7 =	simm.s32 $_size__tile_overlayer_lowered;
	s8 =	simm.s32 $_tile_overlayer_lowered  }
0x9d: {  	s22 =	simm.s32 $0x1BFF;
	s21 =	sshll.u32 s8, $0x1;
	s5 =	sadd.s32 s6, s19  }
0x9e: {  	s9 =	simm.s32 $0x0;
	s20 =	sshll.u32 s7, $0x1;
	s7 =	sadd.s32 s21, s5  }
0x9f: {  	[timem:s9], [sflag:s22] =	dma.local [hbm:s7], s20  }
0xa0: {  	_ =	swait.ge [sflag:s22], s20  }
0xa1: {  	s6 =	ssub.s32 $0x0, s20;
	[sflag:s22] =	ssyncset.done $0x0  }
0xa2: {  	[sflag:s22] =	ssyncadd.s32 s6;
	_ =	sdelay $0x1  }
0xa3: {  	s23 =	simm.s32 $0x1B8B  }
0xa4: {  	_ =	swait.ge [sflag:s23], $0x1  }
0xa5: {  	[sflag:s23] =	ssyncset.done $0x0  }
0xa6: {  	s25 =	simm.s32 $0x1B8E;
	s24 =	sld [smem:$0x3FFE];
	[sflag:s23] =	ssyncadd.s32 $0xFFFFFFFF  }
0xa7: {  	s26 =	simm.s32 $execute0_lowered;
	[smem:$0x3FD2] =	sst s25  }
0xa8: {  	s7 =	sshll.u32 s26, $0x1;
	_ =	strace $0x80000046;
	[dreg:$0x1] =	wrdreg $0xFFFFFFFF  }
0xa9: {  	s28 =	simm.s32 $_size_execute0_lowered;
	s5 =	sadd.s32 s5, s7;
	[dreg:$0x0] =	wrdreg $0x0  }
0xaa: {  	s7 =	sshll.u32 s28, $0x1;
	[dreg:$0x2] =	wrdreg s5  }
0xab: {  	[dreg:$0x3] =	wrdreg s7  }
0xac: {  	[dreg:$0x4] =	wrdreg $0xC0  }
0xad: {  	_ =	task [dreg:s9], $0x5FFFF  }
0xae: {  	[dreg:$0x1] =	wrdreg $0xFFFFFFFF  }
0xaf: {  	[dreg:$0x0] =	wrdreg $0x60  }
0xb0: {  	[dreg:$0x2] =	wrdreg s2  }
0xb1: {  	[dreg:$0x3] =	wrdreg s18  }
0xb2: {  	[dreg:$0x4] =	wrdreg s24  }
0xb3: {  	[dreg:$0x5] =	wrdreg s4  }
0xb4: {  	[dreg:$0x6] =	wrdreg $0x9  }
0xb5: {  	_ =	task.clear_ibuf [dreg:s9], $0x7FFFF;
	_ =	strace $0x90000046  }
0xb6: {  	s29 =	simm.s32 $0x9;
	_ =	strace $0x80000048  }
0xb7: {  	_ =	swait.ge [sflag:s29], $0x1  }
0xb8: {  	[sflag:s29] =	ssyncadd.s32 $0xFFFFFFFF  }
0xb9: {  	_ =	strace $0x90000048  }
0xba: {  	_ =	sfence  }
0xbb: {  	s30 =	sld [smem:$0x0];
	_ =	sdelay $0x2  }
0xbc: {  	s31 =	sshll.u32 s1, $0xD;
	s1 =	sshrl.u32 s1, $0x2  }
0xbd: {  	s3 =	sand.u32 $0x4000, s31;
	s1 =	sadd.s32 s1, s30  }
0xbe: {  	s0 =	sor.u32 s3, s0;
	s1 =	sshll.u32 s1, $0x11  }
0xbf: {  	s0 =	sor.u32 s1, s0  }
0xc0: {  	s0 =	sadd.s32 $0x8F2B, s0  }
0xc1: {  	[sflag:s0] =	ssyncadd.remote.s32 $0x1  }
0xc2: {  	_ =	sfence.sel $0xFFFF  }
0xc3: {  	[dreg:$0x0] =	wrdreg $0xFFFFFFFF;
	(pc) =	sbr.abs _section_cstart, $3  }
0xc4: {  	[dreg:$0x1] =	wrdreg $0xFFFFFFFF  }
0xc5: {  	_ =	task.clear_ibuf [dreg:s9], $0x2FFFF;
	_ =	strace $0x9FFFFFFF  }
0xc6: {  	(tm) =	ssettm $0x7FFFFFFF  }
0xc7: {  	_ =	shalt  }
tec
execute0_lowered:
.L_overlay_start_1:
0x0: {  	(tag) =	ssettag $0x1  }
0x1: {  	s0 =	srdreg.scid;
	s2 =	stileid.u32  }
0x2: {  	s0 =	sand.u32 $0x1, s0;
	s2 =	sshll.u32 s2, $0x1  }
0x3: {  	s1 =	rddreg [dreg:$0x2];
	s2 =	sor.u32 s0, s2  }
0x4: {  	s4 =	rddreg [dreg:$0x3];
	s5 =	simm.s32 $0x0;
	s3 =	smul.u32 $0x18000, s2  }
0x5: {  	[smem:$0x7FF] =	sst s5;
	s0 =	ssub.s32 $0x2, s0;
	s7 =	smul.u32 $0x3000, s2  }
0x6: {  	s6 =	sadd.s32 $0x400, s1;
	_ =	strace $0x80000047;
	s16 =	sshrl.u32 s0, $0x1  }
0x7: {  	s0 =	ssub.s32 s0, s16;
	s3 =	sshrl.u32 s3, $0x3;
	s18 =	sadd.s32 s6, s7  }
0x8: {  	s0 =	smax.u32 s0, $0x1;
	s17 =	sadd.s32 s6, s3;
	[dreg:$0x5] =	wrdreg s18  }
0x9: {  	[dreg:$0xf] =	wrdreg s0;
	s19 =	sadd.s32 $0x60000, s17  }
0xa: {  	s20 =	sadd.s32 $0xC0000, s17;
	[dreg:$0x6] =	wrdreg s19  }
0xb: {  	s28 =	simm.s32 $0x10800;
	s21 =	sadd.s32 $0x120000, s17;
	[dreg:$0x7] =	wrdreg s20  }
0xc: {  	s29 =	simm.s32 $0x12800;
	s22 =	sadd.s32 $0x180000, s17;
	[dreg:$0x8] =	wrdreg s21  }
0xd: {  	s30 =	simm.s32 $0x4;
	s23 =	sadd.s32 $0x1E0000, s17;
	[dreg:$0x9] =	wrdreg s22  }
0xe: {  	s31 =	simm.s32 $0x3;
	s24 =	sadd.s32 $0x240000, s17;
	[dreg:$0xa] =	wrdreg s23  }
0xf: {  	s7 =	simm.s32 $0x0;
	s25 =	sadd.s32 $0x2A0000, s17;
	[dreg:$0xb] =	wrdreg s24  }
0x10: {  	s3 =	simm.s32 $0x1;
	s26 =	sadd.s32 $0x300000, s17;
	[dreg:$0xc] =	wrdreg s25  }
0x11: {  	s0 =	simm.s32 $0x2;
	s1 =	sadd.s32 $0x360000, s17;
	[dreg:$0xd] =	wrdreg s26  }
0x12: {  	s17 =	smul.u32 $0x3, s2;
	s2 =	simm.s32 $0x16800;
	[dreg:$0xe] =	wrdreg s1  }
0x13: {  	s19 =	simm.s32 $0x800;
	s20 =	simm.s32 $0x2800;
	s21 =	simm.s32 $0x4800  }
0x14: {  	s22 =	simm.s32 $0x6800;
	s23 =	simm.s32 $0x8800;
	s24 =	simm.s32 $0xA800  }
0x15: {  	v0 =	vlaneseq.u32;
	s25 =	simm.s32 $0xC800;
	s26 =	simm.s32 $0xE800;
	s1 =	simm.s32 $0x14800  }
.LBB2_1:
0x16: {  	s8 =	rddreg [dreg:$0x5]  }
0x17: {  	[tilespmem:s19], [sflag:$0x1] =	stream.linear.gather [hbm4b:s8+s5], $0x2000, $0x38;
	[tilespmem:$0x18800] =	vst v63  }
0x18: {  	s16 =	rddreg [dreg:$0x6]  }
0x19: {  	[tilespmem:s20], [sflag:$0x1] =	stream.linear.gather [hbm4b:s16+s5], $0x2000, $0x38;
	[tilespmem:$0x18800] =	vst v63  }
0x1a: {  	s18 =	rddreg [dreg:$0x7]  }
0x1b: {  	[tilespmem:s21], [sflag:$0x1] =	stream.linear.gather [hbm4b:s18+s5], $0x2000, $0x38;
	[tilespmem:$0x18800] =	vst v63  }
0x1c: {  	s9 =	rddreg [dreg:$0x8]  }
0x1d: {  	[tilespmem:s22], [sflag:$0x1] =	stream.linear.gather [hbm4b:s9+s5], $0x2000, $0x38;
	[tilespmem:$0x18800] =	vst v63  }
0x1e: {  	s10 =	rddreg [dreg:$0x9]  }
0x1f: {  	[tilespmem:s23], [sflag:$0x1] =	stream.linear.gather [hbm4b:s10+s5], $0x2000, $0x38;
	[tilespmem:$0x18800] =	vst v63  }
0x20: {  	s11 =	rddreg [dreg:$0xa]  }
0x21: {  	[tilespmem:s24], [sflag:$0x2] =	stream.linear.gather [hbm4b:s11+s5], $0x2000, $0x38;
	[tilespmem:$0x18800] =	vst v63  }
0x22: {  	s12 =	rddreg [dreg:$0xb]  }
0x23: {  	[tilespmem:s25], [sflag:$0x2] =	stream.linear.gather [hbm4b:s12+s5], $0x2000, $0x38;
	[tilespmem:$0x18800] =	vst v63  }
0x24: {  	s13 =	rddreg [dreg:$0xc]  }
0x25: {  	[tilespmem:s26], [sflag:$0x2] =	stream.linear.gather [hbm4b:s13+s5], $0x2000, $0x38;
	[tilespmem:$0x18800] =	vst v63  }
0x26: {  	s14 =	rddreg [dreg:$0xd]  }
0x27: {  	[tilespmem:s28], [sflag:$0x2] =	stream.linear.gather [hbm4b:s14+s5], $0x2000, $0x38;
	[tilespmem:$0x18800] =	vst v63  }
0x28: {  	s15 =	rddreg [dreg:$0xe]  }
0x29: {  	[tilespmem:s29], [sflag:$0x2] =	stream.linear.gather [hbm4b:s15+s5], $0x2000, $0x38;
	[tilespmem:$0x18800] =	vst v63  }
0x2a: {  	s16 =	rddreg [dreg:$0x0]  }
0x2b: {  	[tilespmem:s5], [sflag:$0x4] =	stream.linear.gather [hbm4b:s16+s5], $0x400, $0x38;
	[tilespmem:$0x18800] =	vst v63  }
0x2c: {  	_ =	swait.ge [sflag:s30], $0x400  }
0x2d: {  	[sflag:s30] =	ssyncset.done $0x0  }
0x2e: {  	[sflag:s30] =	ssyncadd.s32 $0xFFFFFC00  }
0x2f: {  	s9 =	simm.s32 $0x400;
	s18 =	rddreg [dreg:$0x1]  }
0x30: {  	[tilespmem:s9], [sflag:$0x4] =	stream.linear.gather [hbm4b:s18+s5], $0x400, $0x38;
	[tilespmem:$0x18800] =	vst v63  }
0x31: {  	_ =	swait.ge [sflag:s30], $0x400  }
0x32: {  	[sflag:s30] =	ssyncset.done $0x0  }
0x33: {  	s8 =	simm.s32 $0x0;
	[sflag:s30] =	ssyncadd.s32 $0xFFFFFC00  }
.LBB2_2:
0x34: {  	p0 =	seq.s32 s8, $0x0  }
0x35: {  	s9 =	simm.s32 @!p0 $0x3  }
0x36: {  	_ =	swait.ge @!p0 [sflag:s9], $0x2000  }
0x37: {  	[sflag:s9] =	ssyncset.done @!p0 $0x0  }
0x38: {  	[sflag:s9] =	ssyncadd.s32 @!p0 $0xFFFFE000  }
0x39: {  	_ =	swait.ge [sflag:s3], $0x2000  }
0x3a: {  	[sflag:s3] =	ssyncset.done $0x0  }
0x3b: {  	[sflag:s3] =	ssyncadd.s32 $0xFFFFE000  }
0x3c: {  	_ =	swait.ge [sflag:s3], $0x2000  }
0x3d: {  	[sflag:s3] =	ssyncset.done $0x0  }
0x3e: {  	[sflag:s3] =	ssyncadd.s32 $0xFFFFE000  }
0x3f: {  	_ =	swait.ge [sflag:s3], $0x2000  }
0x40: {  	[sflag:s3] =	ssyncset.done $0x0  }
0x41: {  	[sflag:s3] =	ssyncadd.s32 $0xFFFFE000  }
0x42: {  	_ =	swait.ge [sflag:s3], $0x2000  }
0x43: {  	[sflag:s3] =	ssyncset.done $0x0  }
0x44: {  	[sflag:s3] =	ssyncadd.s32 $0xFFFFE000  }
0x45: {  	_ =	swait.ge [sflag:s3], $0x2000  }
0x46: {  	[sflag:s3] =	ssyncset.done $0x0  }
0x47: {  	s9 =	simm.s32 $0x0;
	[sflag:s3] =	ssyncadd.s32 $0xFFFFE000  }
0x48: {  	s11 =	simm.s32 $0x400;
	v1 =	vld [tilespmem:s9+$0x0]  }
0x49: {  	v2 =	vld [tilespmem:s11+$0x0];
	_ =	sdelay $0x3  }
0x4a: {  	vm0 =	vlt.s32 v1, $0x4  }
0x4b: {  	v3 =	vshll.u32 v2, $0x3;
	v1 =	vnsel vm0, $0x4, v1  }
0x4c: {  	v3 =	vand.u32 $0xFFFFFC00, v3;
	v1 =	vshll.u32 v1, $0xD  }
0x4d: {  	v2 =	vand.u32 $0x7F, v2;
	v1 =	vadd.s32 v1, v3  }
0x4e: {  	v1 =	vor.u32 v2, v1;
	_ =	sdelay $0x4  }
0x4f: {  	v2 =	vld.idx.msk [tilespmem:v1+s19+$0x0], $0xffff  }
0x50: {  	v3 =	vor.u32 $0x80, v1;
	_ =	sdelay $0x1  }
0x51: {  	s10 =	sand.u32 $0x70, s9;
	s12 =	sand.u32 $0x1C00, s9  }
0x52: {  	s10 =	sor.u32 s10, s12  }
0x53: {  	[tilespmem:s10+$0x14800] =	vst v2  }
0x54: {  	v2 =	vld.idx.msk [tilespmem:v3+s19+$0x0], $0xffff  }
0x55: {  	v3 =	vor.u32 $0x100, v1;
	_ =	sdelay $0x2  }
0x56: {  	s12 =	sadd.s32 $0x14800, s10  }
0x57: {  	[tilespmem:s12+$0x80] =	vst v2  }
0x58: {  	v2 =	vld.idx.msk [tilespmem:v3+s19+$0x0], $0xffff  }
0x59: {  	v3 =	vor.u32 $0x180, v1;
	_ =	sdelay $0x3  }
0x5a: {  	[tilespmem:s12+$0x100] =	vst v2  }
0x5b: {  	v2 =	vld.idx.msk [tilespmem:v3+s19+$0x0], $0xffff  }
0x5c: {  	v3 =	vor.u32 $0x200, v1;
	_ =	sdelay $0x3  }
0x5d: {  	[tilespmem:s12+$0x180] =	vst v2  }
0x5e: {  	v2 =	vld.idx.msk [tilespmem:v3+s19+$0x0], $0xffff  }
0x5f: {  	v3 =	vor.u32 $0x280, v1;
	_ =	sdelay $0x3  }
0x60: {  	[tilespmem:s12+$0x200] =	vst v2  }
0x61: {  	v2 =	vld.idx.msk [tilespmem:v3+s19+$0x0], $0xffff  }
0x62: {  	v3 =	vor.u32 $0x300, v1;
	_ =	sdelay $0x3  }
0x63: {  	[tilespmem:s12+$0x280] =	vst v2  }
0x64: {  	v2 =	vld.idx.msk [tilespmem:v3+s19+$0x0], $0xffff  }
0x65: {  	v1 =	vor.u32 $0x380, v1;
	_ =	sdelay $0x3  }
0x66: {  	[tilespmem:s12+$0x300] =	vst v2  }
0x67: {  	v1 =	vld.idx.msk [tilespmem:v1+s19+$0x0], $0xffff;
	_ =	sdelay $0x1  }
0x68: {  	s13 =	sor.u32 s9, s9  }
0x69: {  	s14 =	sor.u32 $0x380, s13  }
0x6a: {  	s13 =	simm.s32 $0x0;
	s10 =	sshll.u32 s8, $0x1;
	s12 =	simm.s32 $0x10  }
.LBB2_3:
0x6b: {  	[tilespmem:s14+$0x14800] =	vst v1;
	s9 =	sadd.s32 $0x80, s9;
	s13 =	sadd.s32 $0x10, s13;
	s11 =	sadd.s32 $0x10, s11  }
0x6c: {  	p1 =	sne.s32 s12, $0x3F0;
	s14 =	smov.u32 s12;
	s12 =	sadd.s32 $0x10, s12;
	v1 =	vld [tilespmem:s13+$0x0]  }
0x6d: {  	v2 =	vld [tilespmem:s11+$0x0];
	_ =	sdelay $0x3  }
0x6e: {  	vm0 =	vlt.s32 v1, $0x4  }
0x6f: {  	v1 =	vnsel vm0, $0x4, v1;
	v3 =	vshll.u32 v2, $0x3  }
0x70: {  	v1 =	vshll.u32 v1, $0xD;
	v3 =	vand.u32 $0xFFFFFC00, v3  }
0x71: {  	v2 =	vand.u32 $0x7F, v2;
	v1 =	vadd.s32 v1, v3  }
0x72: {  	v1 =	vor.u32 v2, v1;
	_ =	sdelay $0x4  }
0x73: {  	v2 =	vld.idx.msk [tilespmem:v1+s19+$0x0], $0xffff;
	_ =	sdelay $0x1  }
0x74: {  	v3 =	vor.u32 $0x80, v1;
	_ =	sdelay $0x1  }
0x75: {  	s15 =	sand.u32 $0x70, s14;
	s16 =	sand.u32 $0x1C00, s9  }
0x76: {  	s15 =	sor.u32 s15, s16  }
0x77: {  	[tilespmem:s15+$0x14800] =	vst v2  }
0x78: {  	v2 =	vld.idx.msk [tilespmem:v3+s19+$0x0], $0xffff;
	_ =	sdelay $0x1  }
0x79: {  	v3 =	vor.u32 $0x100, v1;
	_ =	sdelay $0x2  }
0x7a: {  	s15 =	sadd.s32 $0x14800, s15  }
0x7b: {  	[tilespmem:s15+$0x80] =	vst v2  }
0x7c: {  	v2 =	vld.idx.msk [tilespmem:v3+s19+$0x0], $0xffff;
	_ =	sdelay $0x1  }
0x7d: {  	v3 =	vor.u32 $0x180, v1;
	_ =	sdelay $0x3  }
0x7e: {  	[tilespmem:s15+$0x100] =	vst v2  }
0x7f: {  	v2 =	vld.idx.msk [tilespmem:v3+s19+$0x0], $0xffff;
	_ =	sdelay $0x1  }
0x80: {  	v3 =	vor.u32 $0x200, v1;
	_ =	sdelay $0x3  }
0x81: {  	[tilespmem:s15+$0x180] =	vst v2  }
0x82: {  	v2 =	vld.idx.msk [tilespmem:v3+s19+$0x0], $0xffff;
	_ =	sdelay $0x1  }
0x83: {  	v3 =	vor.u32 $0x280, v1;
	_ =	sdelay $0x3  }
0x84: {  	[tilespmem:s15+$0x200] =	vst v2  }
0x85: {  	v2 =	vld.idx.msk [tilespmem:v3+s19+$0x0], $0xffff;
	_ =	sdelay $0x1  }
0x86: {  	v3 =	vor.u32 $0x300, v1;
	_ =	sdelay $0x3  }
0x87: {  	[tilespmem:s15+$0x280] =	vst v2  }
0x88: {  	v2 =	vld.idx.msk [tilespmem:v3+s19+$0x0], $0xffff;
	_ =	sdelay $0x1  }
0x89: {  	v1 =	vor.u32 $0x380, v1;
	_ =	sdelay $0x3  }
0x8a: {  	[tilespmem:s15+$0x300] =	vst v2  }
0x8b: {  	v1 =	vld.idx.msk [tilespmem:v1+s19+$0x0], $0xffff  }
.Ltmp0:
0x8c: {  	(pc) =	sbr.rel @p1 .LBB2_3-.Ltmp0, $3  }
0x8d: {  	_ =	sdelay $0x1  }
0x8e: {  	s14 =	sor.u32 s9, s14  }
0x8f: {  	s14 =	sor.u32 $0x380, s14  }
0x90: {  	s9 =	sshrl.u32 s8, $0x1  }
0x91: {  	s15 =	sshll.u32 s8, $0x4;
	s11 =	sadd.s32 s17, s9  }
0x92: {  	s9 =	sand.u32 $0x10, s15;
	s12 =	sshll.u32 s11, $0x5  }
0x93: {  	s9 =	sor.u32 s12, s9  }
0x94: {  	s12 =	sor.u32 $0x8, s9  }
0x95: {  	s9 =	sshll.u32 s12, $0x7;
	s12 =	sshll.u32 s12, $0xA  }
0x96: {  	[tilespmem:s14+$0x14800] =	vst v1;
	s13 =	simm.s32 $0x0;
	s16 =	sadd.s32 s6, s9;
	s18 =	sadd.s32 $0x300000, s12  }
0x97: {  	[tilespmem:s19], [sflag:$0x1] =	stream.linear.gather [hbm4b:s16+s13], $0x2000, $0x38;
	[tilespmem:$0x18800] =	vst v63  }
0x98: {  	s14 =	sshrl.u32 s18, $0x3  }
0x99: {  	s15 =	sadd.s32 $0x600000, s12;
	s14 =	sadd.s32 s6, s14  }
0x9a: {  	[tilespmem:s20], [sflag:$0x1] =	stream.linear.gather [hbm4b:s14+s13], $0x2000, $0x38;
	[tilespmem:$0x18800] =	vst v63  }
0x9b: {  	s14 =	sshrl.u32 s15, $0x3  }
0x9c: {  	s16 =	sadd.s32 $0x900000, s12;
	s14 =	sadd.s32 s6, s14  }
0x9d: {  	[tilespmem:s21], [sflag:$0x1] =	stream.linear.gather [hbm4b:s14+s13], $0x2000, $0x38;
	[tilespmem:$0x18800] =	vst v63  }
0x9e: {  	s14 =	sshrl.u32 s16, $0x3  }
0x9f: {  	s18 =	sadd.s32 $0xC00000, s12;
	s14 =	sadd.s32 s6, s14  }
0xa0: {  	[tilespmem:s22], [sflag:$0x1] =	stream.linear.gather [hbm4b:s14+s13], $0x2000, $0x38;
	[tilespmem:$0x18800] =	vst v63  }
0xa1: {  	s14 =	sshrl.u32 s18, $0x3  }
0xa2: {  	s14 =	sadd.s32 s6, s14  }
0xa3: {  	[tilespmem:s23], [sflag:$0x1] =	stream.linear.gather [hbm4b:s14+s13], $0x2000, $0x38;
	[tilespmem:$0x18800] =	vst v63  }
0xa4: {  	_ =	swait.ge [sflag:s0], $0x2000  }
0xa5: {  	[sflag:s0] =	ssyncset.done $0x0  }
0xa6: {  	[sflag:s0] =	ssyncadd.s32 $0xFFFFE000  }
0xa7: {  	_ =	swait.ge [sflag:s0], $0x2000  }
0xa8: {  	[sflag:s0] =	ssyncset.done $0x0  }
0xa9: {  	[sflag:s0] =	ssyncadd.s32 $0xFFFFE000  }
0xaa: {  	_ =	swait.ge [sflag:s0], $0x2000  }
0xab: {  	[sflag:s0] =	ssyncset.done $0x0  }
0xac: {  	[sflag:s0] =	ssyncadd.s32 $0xFFFFE000  }
0xad: {  	_ =	swait.ge [sflag:s0], $0x2000  }
0xae: {  	[sflag:s0] =	ssyncset.done $0x0  }
0xaf: {  	[sflag:s0] =	ssyncadd.s32 $0xFFFFE000  }
0xb0: {  	_ =	swait.ge [sflag:s0], $0x2000  }
0xb1: {  	[sflag:s0] =	ssyncset.done $0x0  }
0xb2: {  	[sflag:s0] =	ssyncadd.s32 $0xFFFFE000  }
0xb3: {  	v1 =	vld [tilespmem:s13+$0x0]  }
0xb4: {  	s14 =	simm.s32 $0x400  }
0xb5: {  	v2 =	vld [tilespmem:s14+$0x0];
	_ =	sdelay $0x2  }
0xb6: {  	v3 =	vadd.s32 $0xFFFFFFFB, v1  }
0xb7: {  	vm0 =	vgt.s32 v3, $0x0  }
0xb8: {  	v4 =	vshll.u32 v2, $0x3;
	v3 =	vnsel vm0, $0x0, v3  }
0xb9: {  	v4 =	vand.u32 $0xFFFFFC00, v4;
	v3 =	vshll.u32 v3, $0xD  }
0xba: {  	v2 =	vand.u32 $0x7F, v2;
	v3 =	vadd.s32 v4, v3  }
0xbb: {  	v2 =	vor.u32 v2, v3;
	_ =	sdelay $0x1  }
0xbc: {  	v3 =	vmov s13  }
0xbd: {  	v53 =	vor.u32 s13, v0;
	v3 =	vshll.u32 v3, $0x3  }
0xbe: {  	vm0 =	vgt.s32 v1, $0x4;
	v1 =	vand.u32 $0x7F, v53;
	v54 =	vand.u32 $0x1C00, v3  }
0xbf: {  	v4 =	vor.u32 v1, v54;
	v5 =	vld.idx.msk [tilespmem:v2+s24+$0x0], $0xffff  }
0xc0: {  	v6 =	vor.u32 $0x80, v2;
	_ =	sdelay $0x3  }
0xc1: {  	[tilespmem:v4+s1+$0x0] =	vst.idx.msk vm0, v5  }
0xc2: {  	v55 =	vor.u32 $0x80, v4;
	v5 =	vld.idx.msk [tilespmem:v6+s24+$0x0], $0xffff  }
0xc3: {  	v7 =	vor.u32 $0x100, v2;
	_ =	sdelay $0x3  }
0xc4: {  	[tilespmem:v55+s1+$0x0] =	vst.idx.msk vm0, v5  }
0xc5: {  	v56 =	vor.u32 $0x100, v4;
	v5 =	vld.idx.msk [tilespmem:v7+s24+$0x0], $0xffff  }
0xc6: {  	v57 =	vor.u32 $0x180, v2;
	_ =	sdelay $0x3  }
0xc7: {  	[tilespmem:v56+s1+$0x0] =	vst.idx.msk vm0, v5  }
0xc8: {  	v58 =	vor.u32 $0x180, v4;
	v5 =	vld.idx.msk [tilespmem:v57+s24+$0x0], $0xffff  }
0xc9: {  	v59 =	vor.u32 $0x200, v2;
	_ =	sdelay $0x3  }
0xca: {  	[tilespmem:v58+s1+$0x0] =	vst.idx.msk vm0, v5  }
0xcb: {  	v60 =	vor.u32 $0x200, v4;
	v5 =	vld.idx.msk [tilespmem:v59+s24+$0x0], $0xffff  }
0xcc: {  	v61 =	vor.u32 $0x280, v2;
	_ =	sdelay $0x3  }
0xcd: {  	[tilespmem:v60+s1+$0x0] =	vst.idx.msk vm0, v5  }
0xce: {  	v62 =	vor.u32 $0x280, v4;
	v5 =	vld.idx.msk [tilespmem:v61+s24+$0x0], $0xffff  }
0xcf: {  	v63 =	vor.u32 $0x300, v2;
	_ =	sdelay $0x3  }
0xd0: {  	[tilespmem:v62+s1+$0x0] =	vst.idx.msk vm0, v5  }
0xd1: {  	v4 =	vor.u32 $0x300, v4;
	v5 =	vld.idx.msk [tilespmem:v63+s24+$0x0], $0xffff  }
0xd2: {  	v2 =	vor.u32 $0x380, v2;
	_ =	sdelay $0x3  }
0xd3: {  	v3 =	vor.u32 v1, v3;
	[tilespmem:v4+s1+$0x0] =	vst.idx.msk vm0, v5  }
0xd4: {  	s15 =	simm.s32 $0x10;
	v1 =	vld.idx.msk [tilespmem:v2+s24+$0x0], $0xffff;
	v2 =	vor.u32 $0x380, v3  }
.LBB2_5:
0xd5: {  	_ =	sdelay $0x3  }
0xd6: {  	p1 =	sne.s32 s15, $0x3F0;
	s13 =	sadd.s32 $0x10, s13;
	s14 =	sadd.s32 $0x10, s14;
	[tilespmem:v2+s1+$0x0] =	vst.idx.msk vm0, v1  }
0xd7: {  	s16 =	smov.u32 s15;
	s15 =	sadd.s32 $0x10, s15;
	v1 =	vld [tilespmem:s13+$0x0];
	_ =	sdelay $0x1  }
0xd8: {  	v2 =	vld [tilespmem:s14+$0x0];
	_ =	sdelay $0x2  }
0xd9: {  	v3 =	vadd.s32 $0xFFFFFFFB, v1  }
0xda: {  	vm0 =	vgt.s32 v3, $0x0  }
0xdb: {  	v3 =	vnsel vm0, $0x0, v3;
	v4 =	vshll.u32 v2, $0x3  }
0xdc: {  	v3 =	vshll.u32 v3, $0xD;
	v4 =	vand.u32 $0xFFFFFC00, v4  }
0xdd: {  	v2 =	vand.u32 $0x7F, v2;
	v3 =	vadd.s32 v4, v3  }
0xde: {  	v2 =	vor.u32 v2, v3;
	_ =	sdelay $0x2  }
0xdf: {  	v3 =	vmov s16  }
0xe0: {  	v4 =	vor.u32 s16, v0;
	v3 =	vshll.u32 v3, $0x3  }
0xe1: {  	vm0 =	vgt.s32 v1, $0x4;
	v4 =	vand.u32 $0x7F, v4;
	v5 =	vand.u32 $0x1C00, v3;
	v1 =	vld.idx.msk [tilespmem:v2+s24+$0x0], $0xffff  }
0xe2: {  	v3 =	vor.u32 v4, v3;
	v5 =	vor.u32 v4, v5  }
0xe3: {  	v4 =	vor.u32 $0x80, v2;
	_ =	sdelay $0x3  }
0xe4: {  	[tilespmem:v5+s1+$0x0] =	vst.idx.msk vm0, v1  }
0xe5: {  	v1 =	vld.idx.msk [tilespmem:v4+s24+$0x0], $0xffff  }
0xe6: {  	v4 =	vor.u32 $0x80, v5  }
0xe7: {  	v6 =	vor.u32 $0x100, v2;
	_ =	sdelay $0x3  }
0xe8: {  	[tilespmem:v4+s1+$0x0] =	vst.idx.msk vm0, v1  }
0xe9: {  	v1 =	vld.idx.msk [tilespmem:v6+s24+$0x0], $0xffff  }
0xea: {  	v4 =	vor.u32 $0x100, v5  }
0xeb: {  	v6 =	vor.u32 $0x180, v2;
	_ =	sdelay $0x3  }
0xec: {  	[tilespmem:v4+s1+$0x0] =	vst.idx.msk vm0, v1  }
0xed: {  	v1 =	vld.idx.msk [tilespmem:v6+s24+$0x0], $0xffff  }
0xee: {  	v4 =	vor.u32 $0x180, v5  }
0xef: {  	v6 =	vor.u32 $0x200, v2;
	_ =	sdelay $0x3  }
0xf0: {  	[tilespmem:v4+s1+$0x0] =	vst.idx.msk vm0, v1  }
0xf1: {  	v1 =	vld.idx.msk [tilespmem:v6+s24+$0x0], $0xffff  }
0xf2: {  	v4 =	vor.u32 $0x200, v5  }
0xf3: {  	v6 =	vor.u32 $0x280, v2;
	_ =	sdelay $0x3  }
0xf4: {  	[tilespmem:v4+s1+$0x0] =	vst.idx.msk vm0, v1  }
0xf5: {  	v1 =	vld.idx.msk [tilespmem:v6+s24+$0x0], $0xffff  }
0xf6: {  	v4 =	vor.u32 $0x280, v5  }
0xf7: {  	v6 =	vor.u32 $0x300, v2;
	_ =	sdelay $0x3  }
0xf8: {  	[tilespmem:v4+s1+$0x0] =	vst.idx.msk vm0, v1  }
0xf9: {  	v1 =	vld.idx.msk [tilespmem:v6+s24+$0x0], $0xffff  }
0xfa: {  	v4 =	vor.u32 $0x300, v5  }
0xfb: {  	v2 =	vor.u32 $0x380, v2;
	_ =	sdelay $0x1  }
.Ltmp1:
0xfc: {  	(pc) =	sbr.rel @p1 .LBB2_5-.Ltmp1, $4  }
0xfd: {  	_ = 	snop  }
0xfe: {  	[tilespmem:v4+s1+$0x0] =	vst.idx.msk vm0, v1  }
0xff: {  	v1 =	vld.idx.msk [tilespmem:v2+s24+$0x0], $0xffff  }
0x100: {  	v2 =	vor.u32 $0x380, v3  }
0x101: {  	_ =	sdelay $0x2  }
0x102: {  	s13 =	sadd.s32 $0xF00000, s12  }
0x103: {  	s13 =	sshrl.u32 s13, $0x3  }
0x104: {  	s15 =	sadd.s32 $0x1200000, s12;
	s13 =	sadd.s32 s6, s13;
	[tilespmem:v2+s1+$0x0] =	vst.idx.msk vm0, v1  }
0x105: {  	[tilespmem:s24], [sflag:$0x2] =	stream.linear.gather [hbm4b:s13+s5], $0x2000, $0x38;
	[tilespmem:$0x18800] =	vst v63  }
0x106: {  	s13 =	sshrl.u32 s15, $0x3  }
0x107: {  	s16 =	sadd.s32 $0x1500000, s12;
	s13 =	sadd.s32 s6, s13  }
0x108: {  	[tilespmem:s25], [sflag:$0x2] =	stream.linear.gather [hbm4b:s13+s5], $0x2000, $0x38;
	[tilespmem:$0x18800] =	vst v63  }
0x109: {  	s13 =	sshrl.u32 s16, $0x3  }
0x10a: {  	s18 =	sadd.s32 $0x1800000, s12;
	s13 =	sadd.s32 s6, s13  }
0x10b: {  	[tilespmem:s26], [sflag:$0x2] =	stream.linear.gather [hbm4b:s13+s5], $0x2000, $0x38;
	[tilespmem:$0x18800] =	vst v63  }
0x10c: {  	s13 =	sshrl.u32 s18, $0x3  }
0x10d: {  	s13 =	sadd.s32 s6, s13  }
0x10e: {  	[tilespmem:s28], [sflag:$0x2] =	stream.linear.gather [hbm4b:s13+s5], $0x2000, $0x38;
	[tilespmem:$0x18800] =	vst v63  }
0x10f: {  	s14 =	sshll.u32 s8, $0xB;
	s13 =	sadd.s32 $0x1B00000, s12  }
0x110: {  	s12 =	sshrl.u32 s13, $0x3;
	s13 =	sand.u32 $0x800, s14  }
0x111: {  	s11 =	sshll.u32 s11, $0xC;
	s12 =	sadd.s32 s6, s12;
	s15 =	sadd.s32 s4, s13  }
0x112: {  	[tilespmem:s29], [sflag:$0x2] =	stream.linear.gather [hbm4b:s12+s5], $0x2000, $0x38;
	[tilespmem:$0x18800] =	vst v63  }
0x113: {  	s11 =	sadd.s32 s11, s15  }
0x114: {  	[hbm4b:s11+s5] =	stream.linear.scatter [tilespmem:s1], [sflag:$0x3], $0x2000, $0x38;
	[tilespmem:$0x18800] =	vst v63  }
0x115: {  	s11 =	simm.s32 @!p0 $0x3  }
0x116: {  	_ =	swait.ge @!p0 [sflag:s11], $0x2000  }
0x117: {  	[sflag:s11] =	ssyncset.done @!p0 $0x0  }
0x118: {  	[sflag:s11] =	ssyncadd.s32 @!p0 $0xFFFFE000  }
0x119: {  	_ =	swait.ge [sflag:s3], $0x2000  }
0x11a: {  	[sflag:s3] =	ssyncset.done $0x0  }
0x11b: {  	[sflag:s3] =	ssyncadd.s32 $0xFFFFE000  }
0x11c: {  	_ =	swait.ge [sflag:s3], $0x2000  }
0x11d: {  	[sflag:s3] =	ssyncset.done $0x0  }
0x11e: {  	[sflag:s3] =	ssyncadd.s32 $0xFFFFE000  }
0x11f: {  	_ =	swait.ge [sflag:s3], $0x2000  }
0x120: {  	[sflag:s3] =	ssyncset.done $0x0  }
0x121: {  	[sflag:s3] =	ssyncadd.s32 $0xFFFFE000  }
0x122: {  	_ =	swait.ge [sflag:s3], $0x2000  }
0x123: {  	[sflag:s3] =	ssyncset.done $0x0  }
0x124: {  	[sflag:s3] =	ssyncadd.s32 $0xFFFFE000  }
0x125: {  	_ =	swait.ge [sflag:s3], $0x2000  }
0x126: {  	[sflag:s3] =	ssyncset.done $0x0  }
0x127: {  	s11 =	simm.s32 $0x0;
	[sflag:s3] =	ssyncadd.s32 $0xFFFFE000  }
0x128: {  	s12 =	simm.s32 $0x400;
	v1 =	vld [tilespmem:s11+$0x0]  }
0x129: {  	v2 =	vld [tilespmem:s12+$0x0];
	_ =	sdelay $0x3  }
0x12a: {  	vm15 =	vlt.s32 v1, $0x4  }
0x12b: {  	v3 =	vshll.u32 v2, $0x3;
	v1 =	vnsel vm15, $0x4, v1  }
0x12c: {  	v3 =	vand.u32 $0xFFFFFC00, v3;
	v1 =	vshll.u32 v1, $0xD  }
0x12d: {  	v2 =	vand.u32 $0x7F, v2;
	v1 =	vadd.s32 v1, v3  }
0x12e: {  	v1 =	vor.u32 v2, v1;
	_ =	sdelay $0x4  }
0x12f: {  	v2 =	vld.idx.msk [tilespmem:v1+s19+$0x0], $0xffff  }
0x130: {  	v3 =	vor.u32 $0x80, v1;
	_ =	sdelay $0x1  }
0x131: {  	s16 =	sand.u32 $0x70, s11;
	s14 =	sand.u32 $0x1C00, s11  }
0x132: {  	s13 =	sor.u32 s16, s14  }
0x133: {  	[tilespmem:s13+$0x16800] =	vst v2  }
0x134: {  	v2 =	vld.idx.msk [tilespmem:v3+s19+$0x0], $0xffff  }
0x135: {  	v3 =	vor.u32 $0x100, v1;
	_ =	sdelay $0x2  }
0x136: {  	s13 =	sadd.s32 $0x16800, s13  }
0x137: {  	[tilespmem:s13+$0x80] =	vst v2  }
0x138: {  	v2 =	vld.idx.msk [tilespmem:v3+s19+$0x0], $0xffff  }
0x139: {  	v3 =	vor.u32 $0x180, v1;
	_ =	sdelay $0x3  }
0x13a: {  	[tilespmem:s13+$0x100] =	vst v2  }
0x13b: {  	v2 =	vld.idx.msk [tilespmem:v3+s19+$0x0], $0xffff  }
0x13c: {  	v3 =	vor.u32 $0x200, v1;
	_ =	sdelay $0x3  }
0x13d: {  	[tilespmem:s13+$0x180] =	vst v2  }
0x13e: {  	v2 =	vld.idx.msk [tilespmem:v3+s19+$0x0], $0xffff  }
0x13f: {  	v3 =	vor.u32 $0x280, v1;
	_ =	sdelay $0x3  }
0x140: {  	[tilespmem:s13+$0x200] =	vst v2  }
0x141: {  	v2 =	vld.idx.msk [tilespmem:v3+s19+$0x0], $0xffff  }
0x142: {  	v3 =	vor.u32 $0x300, v1;
	_ =	sdelay $0x3  }
0x143: {  	[tilespmem:s13+$0x280] =	vst v2  }
0x144: {  	v2 =	vld.idx.msk [tilespmem:v3+s19+$0x0], $0xffff  }
0x145: {  	v1 =	vor.u32 $0x380, v1;
	_ =	sdelay $0x3  }
0x146: {  	[tilespmem:s13+$0x300] =	vst v2  }
0x147: {  	v1 =	vld.idx.msk [tilespmem:v1+s19+$0x0], $0xffff;
	_ =	sdelay $0x2  }
0x148: {  	s18 =	sor.u32 s11, s11  }
0x149: {  	s15 =	sor.u32 $0x380, s18;
	s14 =	simm.s32 $0x0;
	s13 =	simm.s32 $0x10  }
.LBB2_7:
0x14a: {  	[tilespmem:s15+$0x16800] =	vst v1;
	s11 =	sadd.s32 $0x80, s11;
	s14 =	sadd.s32 $0x10, s14;
	s12 =	sadd.s32 $0x10, s12  }
0x14b: {  	p0 =	sne.s32 s13, $0x3F0;
	s15 =	smov.u32 s13;
	s13 =	sadd.s32 $0x10, s13;
	v1 =	vld [tilespmem:s14+$0x0]  }
0x14c: {  	v2 =	vld [tilespmem:s12+$0x0];
	_ =	sdelay $0x3  }
0x14d: {  	vm0 =	vlt.s32 v1, $0x4  }
0x14e: {  	v1 =	vnsel vm0, $0x4, v1;
	v3 =	vshll.u32 v2, $0x3  }
0x14f: {  	v1 =	vshll.u32 v1, $0xD;
	v3 =	vand.u32 $0xFFFFFC00, v3  }
0x150: {  	v2 =	vand.u32 $0x7F, v2;
	v1 =	vadd.s32 v1, v3  }
0x151: {  	v1 =	vor.u32 v2, v1;
	_ =	sdelay $0x4  }
0x152: {  	v2 =	vld.idx.msk [tilespmem:v1+s19+$0x0], $0xffff;
	_ =	sdelay $0x1  }
0x153: {  	v3 =	vor.u32 $0x80, v1;
	_ =	sdelay $0x1  }
0x154: {  	s16 =	sand.u32 $0x70, s15;
	s18 =	sand.u32 $0x1C00, s11  }
0x155: {  	s16 =	sor.u32 s16, s18  }
0x156: {  	[tilespmem:s16+$0x16800] =	vst v2  }
0x157: {  	v2 =	vld.idx.msk [tilespmem:v3+s19+$0x0], $0xffff;
	_ =	sdelay $0x1  }
0x158: {  	v3 =	vor.u32 $0x100, v1;
	_ =	sdelay $0x2  }
0x159: {  	s16 =	sadd.s32 $0x16800, s16  }
0x15a: {  	[tilespmem:s16+$0x80] =	vst v2  }
0x15b: {  	v2 =	vld.idx.msk [tilespmem:v3+s19+$0x0], $0xffff;
	_ =	sdelay $0x1  }
0x15c: {  	v3 =	vor.u32 $0x180, v1;
	_ =	sdelay $0x3  }
0x15d: {  	[tilespmem:s16+$0x100] =	vst v2  }
0x15e: {  	v2 =	vld.idx.msk [tilespmem:v3+s19+$0x0], $0xffff;
	_ =	sdelay $0x1  }
0x15f: {  	v3 =	vor.u32 $0x200, v1;
	_ =	sdelay $0x3  }
0x160: {  	[tilespmem:s16+$0x180] =	vst v2  }
0x161: {  	v2 =	vld.idx.msk [tilespmem:v3+s19+$0x0], $0xffff;
	_ =	sdelay $0x1  }
0x162: {  	v3 =	vor.u32 $0x280, v1;
	_ =	sdelay $0x3  }
0x163: {  	[tilespmem:s16+$0x200] =	vst v2  }
0x164: {  	v2 =	vld.idx.msk [tilespmem:v3+s19+$0x0], $0xffff;
	_ =	sdelay $0x1  }
0x165: {  	v3 =	vor.u32 $0x300, v1;
	_ =	sdelay $0x3  }
0x166: {  	[tilespmem:s16+$0x280] =	vst v2  }
0x167: {  	v2 =	vld.idx.msk [tilespmem:v3+s19+$0x0], $0xffff;
	_ =	sdelay $0x1  }
0x168: {  	v1 =	vor.u32 $0x380, v1;
	_ =	sdelay $0x3  }
0x169: {  	[tilespmem:s16+$0x300] =	vst v2  }
0x16a: {  	v1 =	vld.idx.msk [tilespmem:v1+s19+$0x0], $0xffff  }
.Ltmp2:
0x16b: {  	(pc) =	sbr.rel @p0 .LBB2_7-.Ltmp2, $3  }
0x16c: {  	_ =	sdelay $0x1  }
0x16d: {  	s15 =	sor.u32 s11, s15  }
0x16e: {  	s15 =	sor.u32 $0x380, s15  }
0x16f: {  	p0 =	seq.s32 s8, $0x5  }
0x170: {  	s10 =	sadd.s32 @!p0 $0x2, s10  }
0x171: {  	s11 =	sshrl.u32 @!p0 s10, $0x2  }
0x172: {  	s12 =	sshll.u32 @!p0 s10, $0x3;
	s11 =	sadd.s32 @!p0 s17, s11  }
0x173: {  	s12 =	sand.u32 @!p0 $0x10, s12;
	s13 =	sshll.u32 @!p0 s11, $0x5  }
0x174: {  	s12 =	sor.u32 @!p0 s12, s13  }
0x175: {  	s14 =	simm.s32 @!p0 $0x0;
	s13 =	sshll.u32 @!p0 s12, $0x7  }
0x176: {  	[tilespmem:s15+$0x16800] =	vst v1;
	s15 =	simm.s32 @!p0 $0x800;
	s12 =	sshll.u32 @!p0 s12, $0xA;
	s13 =	sadd.s32 @!p0 s6, s13  }
0x177: {  	[tilespmem:s15], [sflag:$0x1] =	stream.linear.gather @!p0 [hbm4b:s13+s14], $0x2000, $0x38;
	[tilespmem:$0x18800] =	vst v63  }
0x178: {  	s13 =	sadd.s32 @!p0 $0x300000, s12  }
0x179: {  	s13 =	sshrl.u32 @!p0 s13, $0x3  }
0x17a: {  	s15 =	simm.s32 @!p0 $0x2800;
	s13 =	sadd.s32 @!p0 s6, s13  }
0x17b: {  	[tilespmem:s15], [sflag:$0x1] =	stream.linear.gather @!p0 [hbm4b:s13+s14], $0x2000, $0x38;
	[tilespmem:$0x18800] =	vst v63  }
0x17c: {  	s13 =	sadd.s32 @!p0 $0x600000, s12  }
0x17d: {  	s13 =	sshrl.u32 @!p0 s13, $0x3  }
0x17e: {  	s15 =	simm.s32 @!p0 $0x4800;
	s13 =	sadd.s32 @!p0 s6, s13  }
0x17f: {  	[tilespmem:s15], [sflag:$0x1] =	stream.linear.gather @!p0 [hbm4b:s13+s14], $0x2000, $0x38;
	[tilespmem:$0x18800] =	vst v63  }
0x180: {  	s13 =	sadd.s32 @!p0 $0x900000, s12  }
0x181: {  	s12 =	sadd.s32 @!p0 $0xC00000, s12;
	s13 =	sshrl.u32 @!p0 s13, $0x3  }
0x182: {  	s15 =	simm.s32 @!p0 $0x6800;
	s12 =	sshrl.u32 @!p0 s12, $0x3;
	s13 =	sadd.s32 @!p0 s6, s13  }
0x183: {  	[tilespmem:s15], [sflag:$0x1] =	stream.linear.gather @!p0 [hbm4b:s13+s14], $0x2000, $0x38;
	[tilespmem:$0x18800] =	vst v63  }
0x184: {  	s12 =	sadd.s32 @!p0 s6, s12;
	s13 =	simm.s32 @!p0 $0x8800  }
0x185: {  	[tilespmem:s13], [sflag:$0x1] =	stream.linear.gather @!p0 [hbm4b:s12+s14], $0x2000, $0x38;
	[tilespmem:$0x18800] =	vst v63  }
0x186: {  	_ =	swait.ge [sflag:s0], $0x2000  }
0x187: {  	[sflag:s0] =	ssyncset.done $0x0  }
0x188: {  	[sflag:s0] =	ssyncadd.s32 $0xFFFFE000  }
0x189: {  	_ =	swait.ge [sflag:s0], $0x2000  }
0x18a: {  	[sflag:s0] =	ssyncset.done $0x0  }
0x18b: {  	[sflag:s0] =	ssyncadd.s32 $0xFFFFE000  }
0x18c: {  	_ =	swait.ge [sflag:s0], $0x2000  }
0x18d: {  	[sflag:s0] =	ssyncset.done $0x0  }
0x18e: {  	[sflag:s0] =	ssyncadd.s32 $0xFFFFE000  }
0x18f: {  	_ =	swait.ge [sflag:s0], $0x2000  }
0x190: {  	[sflag:s0] =	ssyncset.done $0x0  }
0x191: {  	[sflag:s0] =	ssyncadd.s32 $0xFFFFE000  }
0x192: {  	_ =	swait.ge [sflag:s0], $0x2000  }
0x193: {  	[sflag:s0] =	ssyncset.done $0x0  }
0x194: {  	s12 =	simm.s32 $0x0;
	[sflag:s0] =	ssyncadd.s32 $0xFFFFE000  }
0x195: {  	v1 =	vld [tilespmem:s12+$0x0]  }
0x196: {  	s13 =	simm.s32 $0x400  }
0x197: {  	v2 =	vld [tilespmem:s13+$0x0];
	_ =	sdelay $0x2  }
0x198: {  	v3 =	vadd.s32 $0xFFFFFFFB, v1  }
0x199: {  	vm0 =	vgt.s32 v3, $0x0  }
0x19a: {  	v4 =	vshll.u32 v2, $0x3;
	v3 =	vnsel vm0, $0x0, v3  }
0x19b: {  	v4 =	vand.u32 $0xFFFFFC00, v4;
	v3 =	vshll.u32 v3, $0xD  }
0x19c: {  	v2 =	vand.u32 $0x7F, v2;
	v3 =	vadd.s32 v4, v3  }
0x19d: {  	v2 =	vor.u32 v2, v3;
	_ =	sdelay $0x1  }
0x19e: {  	v3 =	vmov s12  }
0x19f: {  	v53 =	vor.u32 s12, v0;
	v3 =	vshll.u32 v3, $0x3  }
0x1a0: {  	vm0 =	vgt.s32 v1, $0x4;
	v1 =	vand.u32 $0x7F, v53;
	v54 =	vand.u32 $0x1C00, v3  }
0x1a1: {  	v4 =	vor.u32 v1, v54;
	v5 =	vld.idx.msk [tilespmem:v2+s24+$0x0], $0xffff  }
0x1a2: {  	v6 =	vor.u32 $0x80, v2;
	_ =	sdelay $0x3  }
0x1a3: {  	[tilespmem:v4+s2+$0x0] =	vst.idx.msk vm0, v5  }
0x1a4: {  	v55 =	vor.u32 $0x80, v4;
	v5 =	vld.idx.msk [tilespmem:v6+s24+$0x0], $0xffff  }
0x1a5: {  	v7 =	vor.u32 $0x100, v2;
	_ =	sdelay $0x3  }
0x1a6: {  	[tilespmem:v55+s2+$0x0] =	vst.idx.msk vm0, v5  }
0x1a7: {  	v56 =	vor.u32 $0x100, v4;
	v5 =	vld.idx.msk [tilespmem:v7+s24+$0x0], $0xffff  }
0x1a8: {  	v57 =	vor.u32 $0x180, v2;
	_ =	sdelay $0x3  }
0x1a9: {  	[tilespmem:v56+s2+$0x0] =	vst.idx.msk vm0, v5  }
0x1aa: {  	v58 =	vor.u32 $0x180, v4;
	v5 =	vld.idx.msk [tilespmem:v57+s24+$0x0], $0xffff  }
0x1ab: {  	v59 =	vor.u32 $0x200, v2;
	_ =	sdelay $0x3  }
0x1ac: {  	[tilespmem:v58+s2+$0x0] =	vst.idx.msk vm0, v5  }
0x1ad: {  	v60 =	vor.u32 $0x200, v4;
	v5 =	vld.idx.msk [tilespmem:v59+s24+$0x0], $0xffff  }
0x1ae: {  	v61 =	vor.u32 $0x280, v2;
	_ =	sdelay $0x3  }
0x1af: {  	[tilespmem:v60+s2+$0x0] =	vst.idx.msk vm0, v5  }
0x1b0: {  	v62 =	vor.u32 $0x280, v4;
	v5 =	vld.idx.msk [tilespmem:v61+s24+$0x0], $0xffff  }
0x1b1: {  	v63 =	vor.u32 $0x300, v2;
	_ =	sdelay $0x3  }
0x1b2: {  	[tilespmem:v62+s2+$0x0] =	vst.idx.msk vm0, v5  }
0x1b3: {  	v4 =	vor.u32 $0x300, v4;
	v5 =	vld.idx.msk [tilespmem:v63+s24+$0x0], $0xffff  }
0x1b4: {  	v2 =	vor.u32 $0x380, v2;
	_ =	sdelay $0x3  }
0x1b5: {  	v3 =	vor.u32 v1, v3;
	[tilespmem:v4+s2+$0x0] =	vst.idx.msk vm0, v5  }
0x1b6: {  	s14 =	simm.s32 $0x10;
	v1 =	vld.idx.msk [tilespmem:v2+s24+$0x0], $0xffff;
	v2 =	vor.u32 $0x380, v3  }
.LBB2_9:
0x1b7: {  	_ =	sdelay $0x3  }
0x1b8: {  	p1 =	sne.s32 s14, $0x3F0;
	s12 =	sadd.s32 $0x10, s12;
	s13 =	sadd.s32 $0x10, s13;
	[tilespmem:v2+s2+$0x0] =	vst.idx.msk vm0, v1  }
0x1b9: {  	s15 =	smov.u32 s14;
	s14 =	sadd.s32 $0x10, s14;
	v1 =	vld [tilespmem:s12+$0x0];
	_ =	sdelay $0x1  }
0x1ba: {  	v2 =	vld [tilespmem:s13+$0x0];
	_ =	sdelay $0x2  }
0x1bb: {  	v3 =	vadd.s32 $0xFFFFFFFB, v1  }
0x1bc: {  	vm0 =	vgt.s32 v3, $0x0  }
0x1bd: {  	v3 =	vnsel vm0, $0x0, v3;
	v4 =	vshll.u32 v2, $0x3  }
0x1be: {  	v3 =	vshll.u32 v3, $0xD;
	v4 =	vand.u32 $0xFFFFFC00, v4  }
0x1bf: {  	v2 =	vand.u32 $0x7F, v2;
	v3 =	vadd.s32 v4, v3  }
0x1c0: {  	v2 =	vor.u32 v2, v3;
	_ =	sdelay $0x2  }
0x1c1: {  	v3 =	vmov s15  }
0x1c2: {  	v4 =	vor.u32 s15, v0;
	v3 =	vshll.u32 v3, $0x3  }
0x1c3: {  	vm0 =	vgt.s32 v1, $0x4;
	v4 =	vand.u32 $0x7F, v4;
	v5 =	vand.u32 $0x1C00, v3;
	v1 =	vld.idx.msk [tilespmem:v2+s24+$0x0], $0xffff  }
0x1c4: {  	v3 =	vor.u32 v4, v3;
	v5 =	vor.u32 v4, v5  }
0x1c5: {  	v4 =	vor.u32 $0x80, v2;
	_ =	sdelay $0x3  }
0x1c6: {  	[tilespmem:v5+s2+$0x0] =	vst.idx.msk vm0, v1  }
0x1c7: {  	v1 =	vld.idx.msk [tilespmem:v4+s24+$0x0], $0xffff  }
0x1c8: {  	v4 =	vor.u32 $0x80, v5  }
0x1c9: {  	v6 =	vor.u32 $0x100, v2;
	_ =	sdelay $0x3  }
0x1ca: {  	[tilespmem:v4+s2+$0x0] =	vst.idx.msk vm0, v1  }
0x1cb: {  	v1 =	vld.idx.msk [tilespmem:v6+s24+$0x0], $0xffff  }
0x1cc: {  	v4 =	vor.u32 $0x100, v5  }
0x1cd: {  	v6 =	vor.u32 $0x180, v2;
	_ =	sdelay $0x3  }
0x1ce: {  	[tilespmem:v4+s2+$0x0] =	vst.idx.msk vm0, v1  }
0x1cf: {  	v1 =	vld.idx.msk [tilespmem:v6+s24+$0x0], $0xffff  }
0x1d0: {  	v4 =	vor.u32 $0x180, v5  }
0x1d1: {  	v6 =	vor.u32 $0x200, v2;
	_ =	sdelay $0x3  }
0x1d2: {  	[tilespmem:v4+s2+$0x0] =	vst.idx.msk vm0, v1  }
0x1d3: {  	v1 =	vld.idx.msk [tilespmem:v6+s24+$0x0], $0xffff  }
0x1d4: {  	v4 =	vor.u32 $0x200, v5  }
0x1d5: {  	v6 =	vor.u32 $0x280, v2;
	_ =	sdelay $0x3  }
0x1d6: {  	[tilespmem:v4+s2+$0x0] =	vst.idx.msk vm0, v1  }
0x1d7: {  	v1 =	vld.idx.msk [tilespmem:v6+s24+$0x0], $0xffff  }
0x1d8: {  	v4 =	vor.u32 $0x280, v5  }
0x1d9: {  	v6 =	vor.u32 $0x300, v2;
	_ =	sdelay $0x3  }
0x1da: {  	[tilespmem:v4+s2+$0x0] =	vst.idx.msk vm0, v1  }
0x1db: {  	v1 =	vld.idx.msk [tilespmem:v6+s24+$0x0], $0xffff  }
0x1dc: {  	v4 =	vor.u32 $0x300, v5  }
0x1dd: {  	v2 =	vor.u32 $0x380, v2;
	_ =	sdelay $0x1  }
.Ltmp3:
0x1de: {  	(pc) =	sbr.rel @p1 .LBB2_9-.Ltmp3, $4  }
0x1df: {  	_ = 	snop  }
0x1e0: {  	[tilespmem:v4+s2+$0x0] =	vst.idx.msk vm0, v1  }
0x1e1: {  	v1 =	vld.idx.msk [tilespmem:v2+s24+$0x0], $0xffff  }
0x1e2: {  	v2 =	vor.u32 $0x380, v3  }
0x1e3: {  	s10 =	sshll.u32 @!p0 s10, $0xD  }
0x1e4: {  	s11 =	sshll.u32 @!p0 s11, $0xF;
	s10 =	sand.u32 @!p0 $0x4000, s10  }
0x1e5: {  	s10 =	sor.u32 @!p0 s10, s11  }
0x1e6: {  	s10 =	sshrl.u32 @!p0 s10, $0x3  }
0x1e7: {  	s10 =	sadd.s32 @!p0 s6, s10  }
0x1e8: {  	s12 =	simm.s32 @!p0 $0x0;
	s13 =	simm.s32 @!p0 $0xA800;
	[tilespmem:v2+s2+$0x0] =	vst.idx.msk vm0, v1;
	s11 =	sadd.s32 @!p0 $0x1E0000, s10  }
0x1e9: {  	[tilespmem:s13], [sflag:$0x2] =	stream.linear.gather @!p0 [hbm4b:s11+s12], $0x2000, $0x38;
	[tilespmem:$0x18800] =	vst v63  }
0x1ea: {  	s11 =	sadd.s32 @!p0 $0x240000, s10;
	s13 =	simm.s32 @!p0 $0xC800  }
0x1eb: {  	[tilespmem:s13], [sflag:$0x2] =	stream.linear.gather @!p0 [hbm4b:s11+s12], $0x2000, $0x38;
	[tilespmem:$0x18800] =	vst v63  }
0x1ec: {  	s11 =	sadd.s32 @!p0 $0x2A0000, s10;
	s13 =	simm.s32 @!p0 $0xE800  }
0x1ed: {  	[tilespmem:s13], [sflag:$0x2] =	stream.linear.gather @!p0 [hbm4b:s11+s12], $0x2000, $0x38;
	[tilespmem:$0x18800] =	vst v63  }
0x1ee: {  	s11 =	sadd.s32 @!p0 $0x300000, s10;
	s13 =	simm.s32 @!p0 $0x10800  }
0x1ef: {  	[tilespmem:s13], [sflag:$0x2] =	stream.linear.gather @!p0 [hbm4b:s11+s12], $0x2000, $0x38;
	[tilespmem:$0x18800] =	vst v63  }
0x1f0: {  	s8 =	sadd.s32 $0x1, s8;
	s10 =	sadd.s32 @!p0 $0x360000, s10;
	s11 =	simm.s32 @!p0 $0x12800  }
0x1f1: {  	[tilespmem:s11], [sflag:$0x2] =	stream.linear.gather @!p0 [hbm4b:s10+s12], $0x2000, $0x38;
	[tilespmem:$0x18800] =	vst v63  }
0x1f2: {  	p0 =	sne.s32 s8, $0x6  }
.Ltmp4:
0x1f3: {  	_ = 	snop;
	(pc) =	sbr.rel @p0 .LBB2_2-.Ltmp4, $3  }
0x1f4: {  	_ =	sdelay $0x1  }
0x1f5: {  	s9 =	sadd.s32 s4, s9  }
0x1f6: {  	[hbm4b:s9+s5] =	stream.linear.scatter [tilespmem:s2], [sflag:$0x3], $0x2000, $0x38;
	[tilespmem:$0x18800] =	vst v63  }
0x1f7: {  	_ =	swait.ge [sflag:s31], $0x2000  }
0x1f8: {  	[sflag:s31] =	ssyncset.done $0x0  }
0x1f9: {  	[sflag:s31] =	ssyncadd.s32 $0xFFFFE000  }
0x1fa: {  	_ =	swait.ge [sflag:s31], $0x2000  }
0x1fb: {  	s7 =	sadd.s32 $0x1, s7;
	s8 =	rddreg [dreg:$0xf]  }
0x1fc: {  	p0 =	sne.s32 s7, s8  }
.Ltmp5:
0x1fd: {  	_ = 	snop;
	(pc) =	sbr.rel @p0 .LBB2_1-.Ltmp5, $3  }
0x1fe: {  	_ =	sdelay $0x1  }
0x1ff: {  	[sflag:s31] =	ssyncset.done $0x0  }
0x200: {  	[sflag:s31] =	ssyncadd.s32 $0xFFFFE000  }
0x201: {  	_ =	sfence.sel $0x180000  }
0x202: {  	[bflag:$0x0] =	sbarrier.arrive $0xFFFF  }
0x203: {  	_ =	strace $0x90000047  }
0x204: {  	s0 =	stileid.u32;
	[bflag:$0x2] =	sbarrier.arrive $0xFFFF  }
0x205: {  	p0 =	sne.s32 s0, $0x0;
	s0 =	rddreg [dreg:$0x4]  }
0x206: {  	s0 =	sadd.s32 @!p0 $0x100000, s0  }
0x207: {  	[sflag:s0] =	ssyncadd.tile.s32 @!p0 $0x1;
	_ =	shalt  }
.Lfunc_end2:
_tile_overlayer_lowered:
.L_overlay_start_2:
0x208: {  	(tag) =	ssettag $0x2  }
0x209: {  	s0 =	rddreg [dreg:$0x0];
	s2 =	stileid.u32  }
0x20a: {  	s1 =	rddreg [dreg:$0x1];
	p0 =	sne.s32 s2, $0x0  }
0x20b: {  	s3 =	rddreg [dreg:$0x2];
	[bflag:$0x3] =	sbarrier.arrive $0xFFFF;
	s2 =	simm.s32 @!p0 $0x1C04  }
0x20c: {  	[timem:s3], [sflag:s2] =	dma.local @!p0 [hbm:s0], s1  }
0x20d: {  	s0 =	simm.s32 @!p0 $0x4  }
0x20e: {  	_ =	swait.ge @!p0 [sflag:s0], s1  }
0x20f: {  	s1 =	ssub.s32 @!p0 $0x0, s1;
	[sflag:s0] =	ssyncset.done @!p0 $0x0  }
0x210: {  	[sflag:s0] =	ssyncadd.s32 @!p0 s1  }
0x211: {  	[bflag:$0x3] =	sbarrier.arrive $0xFFFF  }
0x212: {  	_ =	shalt  }

</sc_bundles>
